<compile_context>
chip_gen: v7x
topology: tpu7x:2x2x1
jax: 0.10.2.dev20260603
libtpu: 0.0.44.dev20260713+nightly
codegen_flags: <defaults>
</compile_context>

<pallas_src>
import functools

import jax
import jax.numpy as jnp
from jax import lax
from jax.experimental import pallas as pl
from jax.experimental.pallas import tpu as pltpu
from jax.experimental.pallas import tpu_sc as plsc

_N = 24
_E = 384
_L = 16
_NCHUNK = _E // _L
_W2 = _N * _N


def _sc_body(ei_hbm, ew_hbm, w_hbm,
             src_v, dst_v, ew_v, w_v, sem0, sem1, sem2):
    @pl.when(jnp.logical_and(lax.axis_index("c") == 0,
                             lax.axis_index("s") == 0))
    def _():
        c0 = pltpu.async_copy(ei_hbm.at[0], src_v, sem0)
        c1 = pltpu.async_copy(ei_hbm.at[1], dst_v, sem1)
        c2 = pltpu.async_copy(ew_hbm, ew_v, sem2)

        zeros = jnp.zeros((_L,), jnp.float32)
        for r in range(_N):
            w_v[r, pl.ds(0, _L)] = zeros
            w_v[r, pl.ds(_N - _L, _L)] = zeros

        c0.wait()
        c1.wait()
        c2.wait()

        lane = lax.iota(jnp.int32, _L)
        for c in range(_NCHUNK):
            s = src_v[pl.ds(c * _L, _L)]
            d = dst_v[pl.ds(c * _L, _L)]
            w = ew_v[pl.ds(c * _L, _L)]
            for j in range(_L):
                plsc.addupdate_scatter(w_v, [d, s], w, mask=lane == j)

        pltpu.sync_copy(w_v, w_hbm)


@functools.cache
def _get_sc_build_w():
    return pl.kernel(
        _sc_body,
        out_type=jax.ShapeDtypeStruct((_N, _N), jnp.float32),
        mesh=plsc.VectorSubcoreMesh(core_axis_name="c", subcore_axis_name="s",
                                    num_cores=1, num_subcores=1),
        scratch_types=[
            pltpu.VMEM((_E,), jnp.int32),
            pltpu.VMEM((_E,), jnp.int32),
            pltpu.VMEM((_E,), jnp.float32),
            pltpu.VMEM((_N, _N), jnp.float32),
            pltpu.SemaphoreType.DMA,
            pltpu.SemaphoreType.DMA,
            pltpu.SemaphoreType.DMA,
        ],
        compiler_params=pltpu.CompilerParams(needs_layout_passes=False,
                                             skip_device_barrier=True),
    )


def _dot_t(p, w):
    return lax.dot_general(
        p, w, (((1,), (1,)), ((), ())), preferred_element_type=jnp.float32
    )


def _tc_body(w_ref, x_ref, h_ref,
             wxz_hbm, wqz_hbm, bz_ref,
             wxr_hbm, wqr_hbm, br_ref,
             wxh_hbm, wqh_hbm, bh_ref,
             out_ref,
             wxz_v, wqz_v, wxr_v, wqr_v, wxh_v, wqh_v,
             s0, s1, s2, s3, s4, s5):
    cz0 = pltpu.make_async_copy(wxz_hbm, wxz_v, s0)
    cz1 = pltpu.make_async_copy(wqz_hbm, wqz_v, s1)
    cr0 = pltpu.make_async_copy(wxr_hbm, wxr_v, s2)
    cr1 = pltpu.make_async_copy(wqr_hbm, wqr_v, s3)
    ch0 = pltpu.make_async_copy(wxh_hbm, wxh_v, s4)
    ch1 = pltpu.make_async_copy(wqh_hbm, wqh_v, s5)
    for c in (cz0, cz1, cr0, cr1, ch0, ch1):
        c.start()

    W = w_ref[...]
    deg = jnp.sum(W, axis=1)
    dinv = jnp.where(deg > 0, lax.rsqrt(jnp.where(deg > 0, deg, 1.0)), 0.0)
    A = W * dinv[:, None] * dinv[None, :]

    X = x_ref[...]
    H = h_ref[...]
    PX = jax.nn.relu(jnp.dot(A, X, preferred_element_type=jnp.float32))
    PH = jax.nn.relu(jnp.dot(A, H, preferred_element_type=jnp.float32))

    cz0.wait()
    cz1.wait()
    Z = jax.nn.sigmoid(_dot_t(PX, wxz_v[...]) + _dot_t(PH, wqz_v[...])
                       + bz_ref[...])
    cr0.wait()
    cr1.wait()
    R = jax.nn.sigmoid(_dot_t(PX, wxr_v[...]) + _dot_t(PH, wqr_v[...])
                       + br_ref[...])

    PHR = jax.nn.relu(jnp.dot(A, H * R, preferred_element_type=jnp.float32))
    ch0.wait()
    ch1.wait()
    Ht = jnp.tanh(_dot_t(PX, wxh_v[...]) + _dot_t(PHR, wqh_v[...])
                  + bh_ref[...])

    out_ref[...] = Z * Ht + (1.0 - Z) * H


_VMEM_SPEC = pl.BlockSpec(memory_space=pltpu.MemorySpace.VMEM)
_HBM_SPEC = pl.BlockSpec(memory_space=pltpu.MemorySpace.HBM)

_tc_gru = pl.pallas_call(
    _tc_body,
    out_shape=jax.ShapeDtypeStruct((_N, 512), jnp.float32),
    in_specs=[
        _VMEM_SPEC, _VMEM_SPEC, _VMEM_SPEC,
        _HBM_SPEC, _HBM_SPEC, _VMEM_SPEC,
        _HBM_SPEC, _HBM_SPEC, _VMEM_SPEC,
        _HBM_SPEC, _HBM_SPEC, _VMEM_SPEC,
    ],
    out_specs=_VMEM_SPEC,
    scratch_shapes=[pltpu.VMEM((512, 512), jnp.float32)] * 6
    + [pltpu.SemaphoreType.DMA] * 6,
)


@jax.jit
def kernel(X, edge_index, edge_weight, H,
           w_x_z, w_q_z, b_z,
           w_x_r, w_q_r, b_r,
           w_x_h, w_q_h, b_h):
    W = _get_sc_build_w()(edge_index, edge_weight)
    return _tc_gru(W, X, H,
                   w_x_z, w_q_z, b_z,
                   w_x_r, w_q_r, b_r,
                   w_x_h, w_q_h, b_h)

# --- scband reference (transcript-rebuilt; emitter-appended) ---
"""Pipeline reference for scband-rec-gru-w-up-42691974922286 (READ-ONLY COPY).

The authoritative reference and input builder live on the scoring server;
editing this copy changes nothing except your own understanding.
"""

import jax, jax.numpy as jnp
import numpy as np

N_NODES = 24
C = 512
E = 384
NUM_STACKS = 1


def _recg_up(Y, src, dst, norm, num_stacks):
    # Recursive graph filter: num_stacks rounds of sym-normalized
    # weighted propagation followed by the activation ('relu').
    for _ in range(num_stacks):
        msg = norm[:, None] * Y[src]
        agg = jnp.zeros_like(Y).at[dst].add(msg)
        Y = jax.nn.relu(agg)
    return Y


def setup_inputs(seed: int = 0) -> dict:
    key = jax.random.key(seed)
    ks = jax.random.split(key, 16)
    glorot = 1.0 / np.sqrt(float(C))
    X = jax.random.normal(ks[0], (N_NODES, C), dtype=jnp.float32)
    edge_index = jax.random.randint(ks[1], (2, E), 0, N_NODES, dtype=jnp.int32)
    edge_weight = jax.random.uniform(ks[2], (E,), dtype=jnp.float32)
    H = jax.random.normal(ks[3], (N_NODES, C), dtype=jnp.float32)
    w_x_z = jax.random.normal(ks[4], (C, C), dtype=jnp.float32) * glorot
    w_q_z = jax.random.normal(ks[5], (C, C), dtype=jnp.float32) * glorot
    w_x_r = jax.random.normal(ks[6], (C, C), dtype=jnp.float32) * glorot
    w_q_r = jax.random.normal(ks[7], (C, C), dtype=jnp.float32) * glorot
    w_x_h = jax.random.normal(ks[8], (C, C), dtype=jnp.float32) * glorot
    w_q_h = jax.random.normal(ks[9], (C, C), dtype=jnp.float32) * glorot
    b_z = jnp.zeros((N_NODES, C), dtype=jnp.float32)
    b_r = jnp.zeros((N_NODES, C), dtype=jnp.float32)
    b_h = jnp.zeros((N_NODES, C), dtype=jnp.float32)
    return {"X": X, "edge_index": edge_index, "edge_weight": edge_weight, "H": H,
            "w_x_z": w_x_z, "w_q_z": w_q_z, "b_z": b_z,
            "w_x_r": w_x_r, "w_q_r": w_q_r, "b_r": b_r,
            "w_x_h": w_x_h, "w_q_h": w_q_h, "b_h": b_h}


def reference(X, edge_index, edge_weight, H,
              w_x_z, w_q_z, b_z,
              w_x_r, w_q_r, b_r,
              w_x_h, w_q_h, b_h):
    src = edge_index[0]
    dst = edge_index[1]
    n = X.shape[0]
    deg = jnp.zeros((n,), dtype=X.dtype).at[dst].add(edge_weight)
    dinv = jnp.where(deg > 0, 1.0 / jnp.sqrt(jnp.where(deg > 0, deg, 1.0)), 0.0)
    norm = edge_weight * dinv[src] * dinv[dst]

    # update gate
    Z = _recg_up(X, src, dst, norm, NUM_STACKS) @ w_x_z.T
    Z = Z + _recg_up(H, src, dst, norm, NUM_STACKS) @ w_q_z.T
    Z = jax.nn.sigmoid(Z + b_z)

    # reset gate
    R = _recg_up(X, src, dst, norm, NUM_STACKS) @ w_x_r.T
    R = R + _recg_up(H, src, dst, norm, NUM_STACKS) @ w_q_r.T
    R = jax.nn.sigmoid(R + b_r)

    # candidate state
    H_tilde = _recg_up(X, src, dst, norm, NUM_STACKS) @ w_x_h.T
    H_tilde = H_tilde + _recg_up(H * R, src, dst, norm, NUM_STACKS) @ w_q_h.T
    H_tilde = jnp.tanh(H_tilde + b_h)

    H_new = Z * H_tilde + (1.0 - Z) * H
    return H_new

if __name__ == "__main__":
    import jax
    _d = setup_inputs()
    print(jax.jit(kernel)(*tuple(_d.values())))

</pallas_src>

<mosaic_0001>
#map = affine_map<(d0, d1) -> (0, 0)>
#map1 = affine_map<(d0, d1) -> (0)>
module attributes {stable_mosaic.version = 14 : i64} {
  func.func @_sc_body(%arg0: i32, %arg1: i32, %arg2: memref<2x384xi32, #tpu.memory_space<hbm>>, %arg3: memref<384xf32, #tpu.memory_space<hbm>>, %arg4: memref<24x24xf32, #tpu.memory_space<hbm>>, %arg5: memref<384xi32, #tpu.memory_space<vmem>>, %arg6: memref<384xi32, #tpu.memory_space<vmem>>, %arg7: memref<384xf32, #tpu.memory_space<vmem>>, %arg8: memref<24x24xf32, #tpu.memory_space<vmem>>, %arg9: memref<!tpu.dma_semaphore, #tpu.memory_space<semaphore_mem>>, %arg10: memref<!tpu.dma_semaphore, #tpu.memory_space<semaphore_mem>>, %arg11: memref<!tpu.dma_semaphore, #tpu.memory_space<semaphore_mem>>) attributes {dimension_semantics = [#tpu.dimension_semantics<core_parallel>, #tpu.dimension_semantics<subcore_parallel>], iteration_bounds = array<i64: 1, 1>, scalar_prefetch = 0 : i64, scratch_operands = 7 : i64, tpu.core_type = #tpu.core_type<sc_vector_subcore>, window_params = [{transform_indices = #map}, {transform_indices = #map1}, {transform_indices = #map}]} {
    %eq3A = arith.constant 0 : i32
    %eq3A_0 = arith.cmpi eq, %arg0, %eq3A : i32
    %eq3A_1 = arith.constant 0 : i32
    %eq3A_2 = arith.cmpi eq, %arg1, %eq3A_1 : i32
    %and3A = arith.andi %eq3A_0, %eq3A_2 : i1
    %convert_element_type3A = arith.extui %and3A : i1 to i32
    %cond3A = arith.constant 0 : i32
    %cond3A_3 = arith.cmpi ne, %convert_element_type3A, %cond3A : i32
    scf.if %cond3A_3 {
      %dma_start3A = arith.constant 0 : i32
      %dma_start3A_4 = arith.constant 0 : i32
      %dma_start3A_5 = tpu.memref_slice %arg2[%dma_start3A, %dma_start3A_4] : memref<2x384xi32, #tpu.memory_space<hbm>> -> memref<1x384xi32, #tpu.memory_space<hbm>>
      %dma_start3A_6 = tpu.memref_squeeze %dma_start3A_5 : memref<1x384xi32, #tpu.memory_space<hbm>> -> memref<384xi32, #tpu.memory_space<hbm>>
      %dma_start3A_7 = arith.constant 0 : i32
      %dma_start3A_8 = tpu.memref_slice %arg2[%dma_start3A, %dma_start3A_7] : memref<2x384xi32, #tpu.memory_space<hbm>> -> memref<1x384xi32, #tpu.memory_space<hbm>>
      %dma_start3A_9 = tpu.memref_squeeze %dma_start3A_8 : memref<1x384xi32, #tpu.memory_space<hbm>> -> memref<384xi32, #tpu.memory_space<hbm>>
      tpu.enqueue_dma source(%dma_start3A_9 : memref<384xi32, #tpu.memory_space<hbm>>) target(%arg5 : memref<384xi32, #tpu.memory_space<vmem>>) target_semaphore(%arg9 : memref<!tpu.dma_semaphore, #tpu.memory_space<semaphore_mem>>)
      %dma_start3A_10 = arith.constant 1 : i32
      %dma_start3A_11 = arith.constant 0 : i32
      %dma_start3A_12 = tpu.memref_slice %arg2[%dma_start3A_10, %dma_start3A_11] : memref<2x384xi32, #tpu.memory_space<hbm>> -> memref<1x384xi32, #tpu.memory_space<hbm>>
      %dma_start3A_13 = tpu.memref_squeeze %dma_start3A_12 : memref<1x384xi32, #tpu.memory_space<hbm>> -> memref<384xi32, #tpu.memory_space<hbm>>
      %dma_start3A_14 = arith.constant 0 : i32
      %dma_start3A_15 = tpu.memref_slice %arg2[%dma_start3A_10, %dma_start3A_14] : memref<2x384xi32, #tpu.memory_space<hbm>> -> memref<1x384xi32, #tpu.memory_space<hbm>>
      %dma_start3A_16 = tpu.memref_squeeze %dma_start3A_15 : memref<1x384xi32, #tpu.memory_space<hbm>> -> memref<384xi32, #tpu.memory_space<hbm>>
      tpu.enqueue_dma source(%dma_start3A_16 : memref<384xi32, #tpu.memory_space<hbm>>) target(%arg6 : memref<384xi32, #tpu.memory_space<vmem>>) target_semaphore(%arg10 : memref<!tpu.dma_semaphore, #tpu.memory_space<semaphore_mem>>)
      tpu.enqueue_dma source(%arg3 : memref<384xf32, #tpu.memory_space<hbm>>) target(%arg7 : memref<384xf32, #tpu.memory_space<vmem>>) target_semaphore(%arg11 : memref<!tpu.dma_semaphore, #tpu.memory_space<semaphore_mem>>)
      %broadcast_in_dim3A = arith.constant 0.000000e+00 : f32
      %broadcast_in_dim3A_17 = vector.broadcast %broadcast_in_dim3A : f32 to vector<16xf32>
      %swap3A = arith.constant 0 : i32
      %swap3A_18 = arith.index_cast %swap3A : i32 to index
      %swap3A_19 = arith.constant 0 : index
      %swap3A_20 = tpu.vector_load %arg8[%swap3A_18, %swap3A_19] {strides = array<i32>} : memref<24x24xf32, #tpu.memory_space<vmem>>, vector<16xf32>,
      tpu.vector_store %arg8[%swap3A_18, %swap3A_19], %broadcast_in_dim3A_17 {strides = array<i32>} : memref<24x24xf32, #tpu.memory_space<vmem>>, vector<16xf32>,
      %swap3A_21 = arith.constant 0 : i32
      %swap3A_22 = arith.index_cast %swap3A_21 : i32 to index
      %swap3A_23 = arith.constant 8 : index
      %swap3A_24 = tpu.vector_load %arg8[%swap3A_22, %swap3A_23] {strides = array<i32>} : memref<24x24xf32, #tpu.memory_space<vmem>>, vector<16xf32>,
      tpu.vector_store %arg8[%swap3A_22, %swap3A_23], %broadcast_in_dim3A_17 {strides = array<i32>} : memref<24x24xf32, #tpu.memory_space<vmem>>, vector<16xf32>,
      %swap3A_25 = arith.constant 1 : i32
      %swap3A_26 = arith.index_cast %swap3A_25 : i32 to index
      %swap3A_27 = arith.constant 0 : index
      %swap3A_28 = tpu.vector_load %arg8[%swap3A_26, %swap3A_27] {strides = array<i32>} : memref<24x24xf32, #tpu.memory_space<vmem>>, vector<16xf32>,
      tpu.vector_store %arg8[%swap3A_26, %swap3A_27], %broadcast_in_dim3A_17 {strides = array<i32>} : memref<24x24xf32, #tpu.memory_space<vmem>>, vector<16xf32>,
      %swap3A_29 = arith.constant 1 : i32
      %swap3A_30 = arith.index_cast %swap3A_29 : i32 to index
      %swap3A_31 = arith.constant 8 : index
      %swap3A_32 = tpu.vector_load %arg8[%swap3A_30, %swap3A_31] {strides = array<i32>} : memref<24x24xf32, #tpu.memory_space<vmem>>, vector<16xf32>,
      tpu.vector_store %arg8[%swap3A_30, %swap3A_31], %broadcast_in_dim3A_17 {strides = array<i32>} : memref<24x24xf32, #tpu.memory_space<vmem>>, vector<16xf32>,
      %swap3A_33 = arith.constant 2 : i32
      %swap3A_34 = arith.index_cast %swap3A_33 : i32 to index
      %swap3A_35 = arith.constant 0 : index
      %swap3A_36 = tpu.vector_load %arg8[%swap3A_34, %swap3A_35] {strides = array<i32>} : memref<24x24xf32, #tpu.memory_space<vmem>>, vector<16xf32>,
      tpu.vector_store %arg8[%swap3A_34, %swap3A_35], %broadcast_in_dim3A_17 {strides = array<i32>} : memref<24x24xf32, #tpu.memory_space<vmem>>, vector<16xf32>,
      %swap3A_37 = arith.constant 2 : i32
      %swap3A_38 = arith.index_cast %swap3A_37 : i32 to index
      %swap3A_39 = arith.constant 8 : index
      %swap3A_40 = tpu.vector_load %arg8[%swap3A_38, %swap3A_39] {strides = array<i32>} : memref<24x24xf32, #tpu.memory_space<vmem>>, vector<16xf32>,
      tpu.vector_store %arg8[%swap3A_38, %swap3A_39], %broadcast_in_dim3A_17 {strides = array<i32>} : memref<24x24xf32, #tpu.memory_space<vmem>>, vector<16xf32>,
      %swap3A_41 = arith.constant 3 : i32
      %swap3A_42 = arith.index_cast %swap3A_41 : i32 to index
      %swap3A_43 = arith.constant 0 : index
      %swap3A_44 = tpu.vector_load %arg8[%swap3A_42, %swap3A_43] {strides = array<i32>} : memref<24x24xf32, #tpu.memory_space<vmem>>, vector<16xf32>,
      tpu.vector_store %arg8[%swap3A_42, %swap3A_43], %broadcast_in_dim3A_17 {strides = array<i32>} : memref<24x24xf32, #tpu.memory_space<vmem>>, vector<16xf32>,
      %swap3A_45 = arith.constant 3 : i32
      %swap3A_46 = arith.index_cast %swap3A_45 : i32 to index
      %swap3A_47 = arith.constant 8 : index
      %swap3A_48 = tpu.vector_load %arg8[%swap3A_46, %swap3A_47] {strides = array<i32>} : memref<24x24xf32, #tpu.memory_space<vmem>>, vector<16xf32>,
      tpu.vector_store %arg8[%swap3A_46, %swap3A_47], %broadcast_in_dim3A_17 {strides = array<i32>} : memref<24x24xf32, #tpu.memory_space<vmem>>, vector<16xf32>,
      %swap3A_49 = arith.constant 4 : i32
      %swap3A_50 = arith.index_cast %swap3A_49 : i32 to index
      %swap3A_51 = arith.constant 0 : index
      %swap3A_52 = tpu.vector_load %arg8[%swap3A_50, %swap3A_51] {strides = array<i32>} : memref<24x24xf32, #tpu.memory_space<vmem>>, vector<16xf32>,
      tpu.vector_store %arg8[%swap3A_50, %swap3A_51], %broadcast_in_dim3A_17 {strides = array<i32>} : memref<24x24xf32, #tpu.memory_space<vmem>>, vector<16xf32>,
      %swap3A_53 = arith.constant 4 : i32
      %swap3A_54 = arith.index_cast %swap3A_53 : i32 to index
      %swap3A_55 = arith.constant 8 : index
      %swap3A_56 = tpu.vector_load %arg8[%swap3A_54, %swap3A_55] {strides = array<i32>} : memref<24x24xf32, #tpu.memory_space<vmem>>, vector<16xf32>,
      tpu.vector_store %arg8[%swap3A_54, %swap3A_55], %broadcast_in_dim3A_17 {strides = array<i32>} : memref<24x24xf32, #tpu.memory_space<vmem>>, vector<16xf32>,
      %swap3A_57 = arith.constant 5 : i32
      %swap3A_58 = arith.index_cast %swap3A_57 : i32 to index
      %swap3A_59 = arith.constant 0 : index
      %swap3A_60 = tpu.vector_load %arg8[%swap3A_58, %swap3A_59] {strides = array<i32>} : memref<24x24xf32, #tpu.memory_space<vmem>>, vector<16xf32>,
      tpu.vector_store %arg8[%swap3A_58, %swap3A_59], %broadcast_in_dim3A_17 {strides = array<i32>} : memref<24x24xf32, #tpu.memory_space<vmem>>, vector<16xf32>,
      %swap3A_61 = arith.constant 5 : i32
      %swap3A_62 = arith.index_cast %swap3A_61 : i32 to index
      %swap3A_63 = arith.constant 8 : index
      %swap3A_64 = tpu.vector_load %arg8[%swap3A_62, %swap3A_63] {strides = array<i32>} : memref<24x24xf32, #tpu.memory_space<vmem>>, vector<16xf32>,
      tpu.vector_store %arg8[%swap3A_62, %swap3A_63], %broadcast_in_dim3A_17 {strides = array<i32>} : memref<24x24xf32, #tpu.memory_space<vmem>>, vector<16xf32>,
      %swap3A_65 = arith.constant 6 : i32
      %swap3A_66 = arith.index_cast %swap3A_65 : i32 to index
      %swap3A_67 = arith.constant 0 : index
      %swap3A_68 = tpu.vector_load %arg8[%swap3A_66, %swap3A_67] {strides = array<i32>} : memref<24x24xf32, #tpu.memory_space<vmem>>, vector<16xf32>,
      tpu.vector_store %arg8[%swap3A_66, %swap3A_67], %broadcast_in_dim3A_17 {strides = array<i32>} : memref<24x24xf32, #tpu.memory_space<vmem>>, vector<16xf32>,
      %swap3A_69 = arith.constant 6 : i32
      %swap3A_70 = arith.index_cast %swap3A_69 : i32 to index
      %swap3A_71 = arith.constant 8 : index
      %swap3A_72 = tpu.vector_load %arg8[%swap3A_70, %swap3A_71] {strides = array<i32>} : memref<24x24xf32, #tpu.memory_space<vmem>>, vector<16xf32>,
      tpu.vector_store %arg8[%swap3A_70, %swap3A_71], %broadcast_in_dim3A_17 {strides = array<i32>} : memref<24x24xf32, #tpu.memory_space<vmem>>, vector<16xf32>,
      %swap3A_73 = arith.constant 7 : i32
      %swap3A_74 = arith.index_cast %swap3A_73 : i32 to index
      %swap3A_75 = arith.constant 0 : index
      %swap3A_76 = tpu.vector_load %arg8[%swap3A_74, %swap3A_75] {strides = array<i32>} : memref<24x24xf32, #tpu.memory_space<vmem>>, vector<16xf32>,
      tpu.vector_store %arg8[%swap3A_74, %swap3A_75], %broadcast_in_dim3A_17 {strides = array<i32>} : memref<24x24xf32, #tpu.memory_space<vmem>>, vector<16xf32>,
      %swap3A_77 = arith.constant 7 : i32
      %swap3A_78 = arith.index_cast %swap3A_77 : i32 to index
      %swap3A_79 = arith.constant 8 : index
      %swap3A_80 = tpu.vector_load %arg8[%swap3A_78, %swap3A_79] {strides = array<i32>} : memref<24x24xf32, #tpu.memory_space<vmem>>, vector<16xf32>,
      tpu.vector_store %arg8[%swap3A_78, %swap3A_79], %broadcast_in_dim3A_17 {strides = array<i32>} : memref<24x24xf32, #tpu.memory_space<vmem>>, vector<16xf32>,
      %swap3A_81 = arith.constant 8 : i32
      %swap3A_82 = arith.index_cast %swap3A_81 : i32 to index
      %swap3A_83 = arith.constant 0 : index
      %swap3A_84 = tpu.vector_load %arg8[%swap3A_82, %swap3A_83] {strides = array<i32>} : memref<24x24xf32, #tpu.memory_space<vmem>>, vector<16xf32>,
      tpu.vector_store %arg8[%swap3A_82, %swap3A_83], %broadcast_in_dim3A_17 {strides = array<i32>} : memref<24x24xf32, #tpu.memory_space<vmem>>, vector<16xf32>,
      %swap3A_85 = arith.constant 8 : i32
      %swap3A_86 = arith.index_cast %swap3A_85 : i32 to index
      %swap3A_87 = arith.constant 8 : index
      %swap3A_88 = tpu.vector_load %arg8[%swap3A_86, %swap3A_87] {strides = array<i32>} : memref<24x24xf32, #tpu.memory_space<vmem>>, vector<16xf32>,
      tpu.vector_store %arg8[%swap3A_86, %swap3A_87], %broadcast_in_dim3A_17 {strides = array<i32>} : memref<24x24xf32, #tpu.memory_space<vmem>>, vector<16xf32>,
      %swap3A_89 = arith.constant 9 : i32
      %swap3A_90 = arith.index_cast %swap3A_89 : i32 to index
      %swap3A_91 = arith.constant 0 : index
      %swap3A_92 = tpu.vector_load %arg8[%swap3A_90, %swap3A_91] {strides = array<i32>} : memref<24x24xf32, #tpu.memory_space<vmem>>, vector<16xf32>,
      tpu.vector_store %arg8[%swap3A_90, %swap3A_91], %broadcast_in_dim3A_17 {strides = array<i32>} : memref<24x24xf32, #tpu.memory_space<vmem>>, vector<16xf32>,
      %swap3A_93 = arith.constant 9 : i32
      %swap3A_94 = arith.index_cast %swap3A_93 : i32 to index
      %swap3A_95 = arith.constant 8 : index
      %swap3A_96 = tpu.vector_load %arg8[%swap3A_94, %swap3A_95] {strides = array<i32>} : memref<24x24xf32, #tpu.memory_space<vmem>>, vector<16xf32>,
      tpu.vector_store %arg8[%swap3A_94, %swap3A_95], %broadcast_in_dim3A_17 {strides = array<i32>} : memref<24x24xf32, #tpu.memory_space<vmem>>, vector<16xf32>,
      %swap3A_97 = arith.constant 10 : i32
      %swap3A_98 = arith.index_cast %swap3A_97 : i32 to index
      %swap3A_99 = arith.constant 0 : index
      %swap3A_100 = tpu.vector_load %arg8[%swap3A_98, %swap3A_99] {strides = array<i32>} : memref<24x24xf32, #tpu.memory_space<vmem>>, vector<16xf32>,
      tpu.vector_store %arg8[%swap3A_98, %swap3A_99], %broadcast_in_dim3A_17 {strides = array<i32>} : memref<24x24xf32, #tpu.memory_space<vmem>>, vector<16xf32>,
      %swap3A_101 = arith.constant 10 : i32
      %swap3A_102 = arith.index_cast %swap3A_101 : i32 to index
      %swap3A_103 = arith.constant 8 : index
      %swap3A_104 = tpu.vector_load %arg8[%swap3A_102, %swap3A_103] {strides = array<i32>} : memref<24x24xf32, #tpu.memory_space<vmem>>, vector<16xf32>,
      tpu.vector_store %arg8[%swap3A_102, %swap3A_103], %broadcast_in_dim3A_17 {strides = array<i32>} : memref<24x24xf32, #tpu.memory_space<vmem>>, vector<16xf32>,
      %swap3A_105 = arith.constant 11 : i32
      %swap3A_106 = arith.index_cast %swap3A_105 : i32 to index
      %swap3A_107 = arith.constant 0 : index
      %swap3A_108 = tpu.vector_load %arg8[%swap3A_106, %swap3A_107] {strides = array<i32>} : memref<24x24xf32, #tpu.memory_space<vmem>>, vector<16xf32>,
      tpu.vector_store %arg8[%swap3A_106, %swap3A_107], %broadcast_in_dim3A_17 {strides = array<i32>} : memref<24x24xf32, #tpu.memory_space<vmem>>, vector<16xf32>,
      %swap3A_109 = arith.constant 11 : i32
      %swap3A_110 = arith.index_cast %swap3A_109 : i32 to index
      %swap3A_111 = arith.constant 8 : index
      %swap3A_112 = tpu.vector_load %arg8[%swap3A_110, %swap3A_111] {strides = array<i32>} : memref<24x24xf32, #tpu.memory_space<vmem>>, vector<16xf32>,
      tpu.vector_store %arg8[%swap3A_110, %swap3A_111], %broadcast_in_dim3A_17 {strides = array<i32>} : memref<24x24xf32, #tpu.memory_space<vmem>>, vector<16xf32>,
      %swap3A_113 = arith.constant 12 : i32
      %swap3A_114 = arith.index_cast %swap3A_113 : i32 to index
      %swap3A_115 = arith.constant 0 : index
      %swap3A_116 = tpu.vector_load %arg8[%swap3A_114, %swap3A_115] {strides = array<i32>} : memref<24x24xf32, #tpu.memory_space<vmem>>, vector<16xf32>,
      tpu.vector_store %arg8[%swap3A_114, %swap3A_115], %broadcast_in_dim3A_17 {strides = array<i32>} : memref<24x24xf32, #tpu.memory_space<vmem>>, vector<16xf32>,
      %swap3A_117 = arith.constant 12 : i32
      %swap3A_118 = arith.index_cast %swap3A_117 : i32 to index
      %swap3A_119 = arith.constant 8 : index
      %swap3A_120 = tpu.vector_load %arg8[%swap3A_118, %swap3A_119] {strides = array<i32>} : memref<24x24xf32, #tpu.memory_space<vmem>>, vector<16xf32>,
      tpu.vector_store %arg8[%swap3A_118, %swap3A_119], %broadcast_in_dim3A_17 {strides = array<i32>} : memref<24x24xf32, #tpu.memory_space<vmem>>, vector<16xf32>,
      %swap3A_121 = arith.constant 13 : i32
      %swap3A_122 = arith.index_cast %swap3A_121 : i32 to index
      %swap3A_123 = arith.constant 0 : index
      %swap3A_124 = tpu.vector_load %arg8[%swap3A_122, %swap3A_123] {strides = array<i32>} : memref<24x24xf32, #tpu.memory_space<vmem>>, vector<16xf32>,
      tpu.vector_store %arg8[%swap3A_122, %swap3A_123], %broadcast_in_dim3A_17 {strides = array<i32>} : memref<24x24xf32, #tpu.memory_space<vmem>>, vector<16xf32>,
      %swap3A_125 = arith.constant 13 : i32
      %swap3A_126 = arith.index_cast %swap3A_125 : i32 to index
      %swap3A_127 = arith.constant 8 : index
      %swap3A_128 = tpu.vector_load %arg8[%swap3A_126, %swap3A_127] {strides = array<i32>} : memref<24x24xf32, #tpu.memory_space<vmem>>, vector<16xf32>,
      tpu.vector_store %arg8[%swap3A_126, %swap3A_127], %broadcast_in_dim3A_17 {strides = array<i32>} : memref<24x24xf32, #tpu.memory_space<vmem>>, vector<16xf32>,
      %swap3A_129 = arith.constant 14 : i32
      %swap3A_130 = arith.index_cast %swap3A_129 : i32 to index
      %swap3A_131 = arith.constant 0 : index
      %swap3A_132 = tpu.vector_load %arg8[%swap3A_130, %swap3A_131] {strides = array<i32>} : memref<24x24xf32, #tpu.memory_space<vmem>>, vector<16xf32>,
      tpu.vector_store %arg8[%swap3A_130, %swap3A_131], %broadcast_in_dim3A_17 {strides = array<i32>} : memref<24x24xf32, #tpu.memory_space<vmem>>, vector<16xf32>,
      %swap3A_133 = arith.constant 14 : i32
      %swap3A_134 = arith.index_cast %swap3A_133 : i32 to index
      %swap3A_135 = arith.constant 8 : index
      %swap3A_136 = tpu.vector_load %arg8[%swap3A_134, %swap3A_135] {strides = array<i32>} : memref<24x24xf32, #tpu.memory_space<vmem>>, vector<16xf32>,
      tpu.vector_store %arg8[%swap3A_134, %swap3A_135], %broadcast_in_dim3A_17 {strides = array<i32>} : memref<24x24xf32, #tpu.memory_space<vmem>>, vector<16xf32>,
      %swap3A_137 = arith.constant 15 : i32
      %swap3A_138 = arith.index_cast %swap3A_137 : i32 to index
      %swap3A_139 = arith.constant 0 : index
      %swap3A_140 = tpu.vector_load %arg8[%swap3A_138, %swap3A_139] {strides = array<i32>} : memref<24x24xf32, #tpu.memory_space<vmem>>, vector<16xf32>,
      tpu.vector_store %arg8[%swap3A_138, %swap3A_139], %broadcast_in_dim3A_17 {strides = array<i32>} : memref<24x24xf32, #tpu.memory_space<vmem>>, vector<16xf32>,
      %swap3A_141 = arith.constant 15 : i32
      %swap3A_142 = arith.index_cast %swap3A_141 : i32 to index
      %swap3A_143 = arith.constant 8 : index
      %swap3A_144 = tpu.vector_load %arg8[%swap3A_142, %swap3A_143] {strides = array<i32>} : memref<24x24xf32, #tpu.memory_space<vmem>>, vector<16xf32>,
      tpu.vector_store %arg8[%swap3A_142, %swap3A_143], %broadcast_in_dim3A_17 {strides = array<i32>} : memref<24x24xf32, #tpu.memory_space<vmem>>, vector<16xf32>,
      %swap3A_145 = arith.constant 16 : i32
      %swap3A_146 = arith.index_cast %swap3A_145 : i32 to index
      %swap3A_147 = arith.constant 0 : index
      %swap3A_148 = tpu.vector_load %arg8[%swap3A_146, %swap3A_147] {strides = array<i32>} : memref<24x24xf32, #tpu.memory_space<vmem>>, vector<16xf32>,
      tpu.vector_store %arg8[%swap3A_146, %swap3A_147], %broadcast_in_dim3A_17 {strides = array<i32>} : memref<24x24xf32, #tpu.memory_space<vmem>>, vector<16xf32>,
      %swap3A_149 = arith.constant 16 : i32
      %swap3A_150 = arith.index_cast %swap3A_149 : i32 to index
      %swap3A_151 = arith.constant 8 : index
      %swap3A_152 = tpu.vector_load %arg8[%swap3A_150, %swap3A_151] {strides = array<i32>} : memref<24x24xf32, #tpu.memory_space<vmem>>, vector<16xf32>,
      tpu.vector_store %arg8[%swap3A_150, %swap3A_151], %broadcast_in_dim3A_17 {strides = array<i32>} : memref<24x24xf32, #tpu.memory_space<vmem>>, vector<16xf32>,
      %swap3A_153 = arith.constant 17 : i32
      %swap3A_154 = arith.index_cast %swap3A_153 : i32 to index
      %swap3A_155 = arith.constant 0 : index
      %swap3A_156 = tpu.vector_load %arg8[%swap3A_154, %swap3A_155] {strides = array<i32>} : memref<24x24xf32, #tpu.memory_space<vmem>>, vector<16xf32>,
      tpu.vector_store %arg8[%swap3A_154, %swap3A_155], %broadcast_in_dim3A_17 {strides = array<i32>} : memref<24x24xf32, #tpu.memory_space<vmem>>, vector<16xf32>,
      %swap3A_157 = arith.constant 17 : i32
      %swap3A_158 = arith.index_cast %swap3A_157 : i32 to index
      %swap3A_159 = arith.constant 8 : index
      %swap3A_160 = tpu.vector_load %arg8[%swap3A_158, %swap3A_159] {strides = array<i32>} : memref<24x24xf32, #tpu.memory_space<vmem>>, vector<16xf32>,
      tpu.vector_store %arg8[%swap3A_158, %swap3A_159], %broadcast_in_dim3A_17 {strides = array<i32>} : memref<24x24xf32, #tpu.memory_space<vmem>>, vector<16xf32>,
      %swap3A_161 = arith.constant 18 : i32
      %swap3A_162 = arith.index_cast %swap3A_161 : i32 to index
      %swap3A_163 = arith.constant 0 : index
      %swap3A_164 = tpu.vector_load %arg8[%swap3A_162, %swap3A_163] {strides = array<i32>} : memref<24x24xf32, #tpu.memory_space<vmem>>, vector<16xf32>,
      tpu.vector_store %arg8[%swap3A_162, %swap3A_163], %broadcast_in_dim3A_17 {strides = array<i32>} : memref<24x24xf32, #tpu.memory_space<vmem>>, vector<16xf32>,
      %swap3A_165 = arith.constant 18 : i32
      %swap3A_166 = arith.index_cast %swap3A_165 : i32 to index
      %swap3A_167 = arith.constant 8 : index
      %swap3A_168 = tpu.vector_load %arg8[%swap3A_166, %swap3A_167] {strides = array<i32>} : memref<24x24xf32, #tpu.memory_space<vmem>>, vector<16xf32>,
      tpu.vector_store %arg8[%swap3A_166, %swap3A_167], %broadcast_in_dim3A_17 {strides = array<i32>} : memref<24x24xf32, #tpu.memory_space<vmem>>, vector<16xf32>,
      %swap3A_169 = arith.constant 19 : i32
      %swap3A_170 = arith.index_cast %swap3A_169 : i32 to index
      %swap3A_171 = arith.constant 0 : index
      %swap3A_172 = tpu.vector_load %arg8[%swap3A_170, %swap3A_171] {strides = array<i32>} : memref<24x24xf32, #tpu.memory_space<vmem>>, vector<16xf32>,
      tpu.vector_store %arg8[%swap3A_170, %swap3A_171], %broadcast_in_dim3A_17 {strides = array<i32>} : memref<24x24xf32, #tpu.memory_space<vmem>>, vector<16xf32>,
      %swap3A_173 = arith.constant 19 : i32
      %swap3A_174 = arith.index_cast %swap3A_173 : i32 to index
      %swap3A_175 = arith.constant 8 : index
      %swap3A_176 = tpu.vector_load %arg8[%swap3A_174, %swap3A_175] {strides = array<i32>} : memref<24x24xf32, #tpu.memory_space<vmem>>, vector<16xf32>,
      tpu.vector_store %arg8[%swap3A_174, %swap3A_175], %broadcast_in_dim3A_17 {strides = array<i32>} : memref<24x24xf32, #tpu.memory_space<vmem>>, vector<16xf32>,
      %swap3A_177 = arith.constant 20 : i32
      %swap3A_178 = arith.index_cast %swap3A_177 : i32 to index
      %swap3A_179 = arith.constant 0 : index
      %swap3A_180 = tpu.vector_load %arg8[%swap3A_178, %swap3A_179] {strides = array<i32>} : memref<24x24xf32, #tpu.memory_space<vmem>>, vector<16xf32>,
      tpu.vector_store %arg8[%swap3A_178, %swap3A_179], %broadcast_in_dim3A_17 {strides = array<i32>} : memref<24x24xf32, #tpu.memory_space<vmem>>, vector<16xf32>,
      %swap3A_181 = arith.constant 20 : i32
      %swap3A_182 = arith.index_cast %swap3A_181 : i32 to index
      %swap3A_183 = arith.constant 8 : index
      %swap3A_184 = tpu.vector_load %arg8[%swap3A_182, %swap3A_183] {strides = array<i32>} : memref<24x24xf32, #tpu.memory_space<vmem>>, vector<16xf32>,
      tpu.vector_store %arg8[%swap3A_182, %swap3A_183], %broadcast_in_dim3A_17 {strides = array<i32>} : memref<24x24xf32, #tpu.memory_space<vmem>>, vector<16xf32>,
      %swap3A_185 = arith.constant 21 : i32
      %swap3A_186 = arith.index_cast %swap3A_185 : i32 to index
      %swap3A_187 = arith.constant 0 : index
      %swap3A_188 = tpu.vector_load %arg8[%swap3A_186, %swap3A_187] {strides = array<i32>} : memref<24x24xf32, #tpu.memory_space<vmem>>, vector<16xf32>,
      tpu.vector_store %arg8[%swap3A_186, %swap3A_187], %broadcast_in_dim3A_17 {strides = array<i32>} : memref<24x24xf32, #tpu.memory_space<vmem>>, vector<16xf32>,
      %swap3A_189 = arith.constant 21 : i32
      %swap3A_190 = arith.index_cast %swap3A_189 : i32 to index
      %swap3A_191 = arith.constant 8 : index
      %swap3A_192 = tpu.vector_load %arg8[%swap3A_190, %swap3A_191] {strides = array<i32>} : memref<24x24xf32, #tpu.memory_space<vmem>>, vector<16xf32>,
      tpu.vector_store %arg8[%swap3A_190, %swap3A_191], %broadcast_in_dim3A_17 {strides = array<i32>} : memref<24x24xf32, #tpu.memory_space<vmem>>, vector<16xf32>,
      %swap3A_193 = arith.constant 22 : i32
      %swap3A_194 = arith.index_cast %swap3A_193 : i32 to index
      %swap3A_195 = arith.constant 0 : index
      %swap3A_196 = tpu.vector_load %arg8[%swap3A_194, %swap3A_195] {strides = array<i32>} : memref<24x24xf32, #tpu.memory_space<vmem>>, vector<16xf32>,
      tpu.vector_store %arg8[%swap3A_194, %swap3A_195], %broadcast_in_dim3A_17 {strides = array<i32>} : memref<24x24xf32, #tpu.memory_space<vmem>>, vector<16xf32>,
      %swap3A_197 = arith.constant 22 : i32
      %swap3A_198 = arith.index_cast %swap3A_197 : i32 to index
      %swap3A_199 = arith.constant 8 : index
      %swap3A_200 = tpu.vector_load %arg8[%swap3A_198, %swap3A_199] {strides = array<i32>} : memref<24x24xf32, #tpu.memory_space<vmem>>, vector<16xf32>,
      tpu.vector_store %arg8[%swap3A_198, %swap3A_199], %broadcast_in_dim3A_17 {strides = array<i32>} : memref<24x24xf32, #tpu.memory_space<vmem>>, vector<16xf32>,
      %swap3A_201 = arith.constant 23 : i32
      %swap3A_202 = arith.index_cast %swap3A_201 : i32 to index
      %swap3A_203 = arith.constant 0 : index
      %swap3A_204 = tpu.vector_load %arg8[%swap3A_202, %swap3A_203] {strides = array<i32>} : memref<24x24xf32, #tpu.memory_space<vmem>>, vector<16xf32>,
      tpu.vector_store %arg8[%swap3A_202, %swap3A_203], %broadcast_in_dim3A_17 {strides = array<i32>} : memref<24x24xf32, #tpu.memory_space<vmem>>, vector<16xf32>,
      %swap3A_205 = arith.constant 23 : i32
      %swap3A_206 = arith.index_cast %swap3A_205 : i32 to index
      %swap3A_207 = arith.constant 8 : index
      %swap3A_208 = tpu.vector_load %arg8[%swap3A_206, %swap3A_207] {strides = array<i32>} : memref<24x24xf32, #tpu.memory_space<vmem>>, vector<16xf32>,
      tpu.vector_store %arg8[%swap3A_206, %swap3A_207], %broadcast_in_dim3A_17 {strides = array<i32>} : memref<24x24xf32, #tpu.memory_space<vmem>>, vector<16xf32>,
      %dma_wait3A = arith.constant 0 : i32
      %dma_wait3A_209 = arith.constant 0 : i32
      %dma_wait3A_210 = tpu.memref_slice %arg2[%dma_wait3A, %dma_wait3A_209] : memref<2x384xi32, #tpu.memory_space<hbm>> -> memref<1x384xi32, #tpu.memory_space<hbm>>
      %dma_wait3A_211 = tpu.memref_squeeze %dma_wait3A_210 : memref<1x384xi32, #tpu.memory_space<hbm>> -> memref<384xi32, #tpu.memory_space<hbm>>
      %dma_wait3A_212 = arith.constant 0 : i32
      %dma_wait3A_213 = tpu.memref_slice %arg2[%dma_wait3A, %dma_wait3A_212] : memref<2x384xi32, #tpu.memory_space<hbm>> -> memref<1x384xi32, #tpu.memory_space<hbm>>
      %dma_wait3A_214 = tpu.memref_squeeze %dma_wait3A_213 : memref<1x384xi32, #tpu.memory_space<hbm>> -> memref<384xi32, #tpu.memory_space<hbm>>
      tpu.wait_dma2 semaphore(%arg9 : memref<!tpu.dma_semaphore, #tpu.memory_space<semaphore_mem>>) src(%dma_wait3A_214 : memref<384xi32, #tpu.memory_space<hbm>>) dst(%arg5 : memref<384xi32, #tpu.memory_space<vmem>>)
      %dma_wait3A_215 = arith.constant 1 : i32
      %dma_wait3A_216 = arith.constant 0 : i32
      %dma_wait3A_217 = tpu.memref_slice %arg2[%dma_wait3A_215, %dma_wait3A_216] : memref<2x384xi32, #tpu.memory_space<hbm>> -> memref<1x384xi32, #tpu.memory_space<hbm>>
      %dma_wait3A_218 = tpu.memref_squeeze %dma_wait3A_217 : memref<1x384xi32, #tpu.memory_space<hbm>> -> memref<384xi32, #tpu.memory_space<hbm>>
      %dma_wait3A_219 = arith.constant 0 : i32
      %dma_wait3A_220 = tpu.memref_slice %arg2[%dma_wait3A_215, %dma_wait3A_219] : memref<2x384xi32, #tpu.memory_space<hbm>> -> memref<1x384xi32, #tpu.memory_space<hbm>>
      %dma_wait3A_221 = tpu.memref_squeeze %dma_wait3A_220 : memref<1x384xi32, #tpu.memory_space<hbm>> -> memref<384xi32, #tpu.memory_space<hbm>>
      tpu.wait_dma2 semaphore(%arg10 : memref<!tpu.dma_semaphore, #tpu.memory_space<semaphore_mem>>) src(%dma_wait3A_221 : memref<384xi32, #tpu.memory_space<hbm>>) dst(%arg6 : memref<384xi32, #tpu.memory_space<vmem>>)
      tpu.wait_dma2 semaphore(%arg11 : memref<!tpu.dma_semaphore, #tpu.memory_space<semaphore_mem>>) src(%arg3 : memref<384xf32, #tpu.memory_space<hbm>>) dst(%arg7 : memref<384xf32, #tpu.memory_space<vmem>>)
      %iota3A = tpu.iota {dimensions = array<i32: 0>} : vector<16xi32>
      %get3A = arith.constant 0 : index
      %get3A_222 = tpu.vector_load %arg5[%get3A] {strides = array<i32>} : memref<384xi32, #tpu.memory_space<vmem>>, vector<16xi32>,
      %get3A_223 = arith.constant 0 : index
      %get3A_224 = tpu.vector_load %arg6[%get3A_223] {strides = array<i32>} : memref<384xi32, #tpu.memory_space<vmem>>, vector<16xi32>,
      %get3A_225 = arith.constant 0 : index
      %get3A_226 = tpu.vector_load %arg7[%get3A_225] {strides = array<i32>} : memref<384xf32, #tpu.memory_space<vmem>>, vector<16xf32>,
      %eq3A_227 = arith.constant 0 : i32
      %eq3A_228 = vector.broadcast %eq3A_227 : i32 to vector<16xi32>
      %eq3A_229 = arith.cmpi eq, %iota3A, %eq3A_228 : vector<16xi32>
      tpu.vector_store_idx %arg8[%get3A_224, %get3A_222], %get3A_226 masked %eq3A_229 {add = true} : memref<24x24xf32, #tpu.memory_space<vmem>>[vector<16xi32>, vector<16xi32>], vector<16xf32>, vector<16xi1>
      %eq3A_230 = arith.constant 1 : i32
      %eq3A_231 = vector.broadcast %eq3A_230 : i32 to vector<16xi32>
      %eq3A_232 = arith.cmpi eq, %iota3A, %eq3A_231 : vector<16xi32>
      tpu.vector_store_idx %arg8[%get3A_224, %get3A_222], %get3A_226 masked %eq3A_232 {add = true} : memref<24x24xf32, #tpu.memory_space<vmem>>[vector<16xi32>, vector<16xi32>], vector<16xf32>, vector<16xi1>
      %eq3A_233 = arith.constant 2 : i32
      %eq3A_234 = vector.broadcast %eq3A_233 : i32 to vector<16xi32>
      %eq3A_235 = arith.cmpi eq, %iota3A, %eq3A_234 : vector<16xi32>
      tpu.vector_store_idx %arg8[%get3A_224, %get3A_222], %get3A_226 masked %eq3A_235 {add = true} : memref<24x24xf32, #tpu.memory_space<vmem>>[vector<16xi32>, vector<16xi32>], vector<16xf32>, vector<16xi1>
      %eq3A_236 = arith.constant 3 : i32
      %eq3A_237 = vector.broadcast %eq3A_236 : i32 to vector<16xi32>
      %eq3A_238 = arith.cmpi eq, %iota3A, %eq3A_237 : vector<16xi32>
      tpu.vector_store_idx %arg8[%get3A_224, %get3A_222], %get3A_226 masked %eq3A_238 {add = true} : memref<24x24xf32, #tpu.memory_space<vmem>>[vector<16xi32>, vector<16xi32>], vector<16xf32>, vector<16xi1>
      %eq3A_239 = arith.constant 4 : i32
      %eq3A_240 = vector.broadcast %eq3A_239 : i32 to vector<16xi32>
      %eq3A_241 = arith.cmpi eq, %iota3A, %eq3A_240 : vector<16xi32>
      tpu.vector_store_idx %arg8[%get3A_224, %get3A_222], %get3A_226 masked %eq3A_241 {add = true} : memref<24x24xf32, #tpu.memory_space<vmem>>[vector<16xi32>, vector<16xi32>], vector<16xf32>, vector<16xi1>
      %eq3A_242 = arith.constant 5 : i32
      %eq3A_243 = vector.broadcast %eq3A_242 : i32 to vector<16xi32>
      %eq3A_244 = arith.cmpi eq, %iota3A, %eq3A_243 : vector<16xi32>
      tpu.vector_store_idx %arg8[%get3A_224, %get3A_222], %get3A_226 masked %eq3A_244 {add = true} : memref<24x24xf32, #tpu.memory_space<vmem>>[vector<16xi32>, vector<16xi32>], vector<16xf32>, vector<16xi1>
      %eq3A_245 = arith.constant 6 : i32
      %eq3A_246 = vector.broadcast %eq3A_245 : i32 to vector<16xi32>
      %eq3A_247 = arith.cmpi eq, %iota3A, %eq3A_246 : vector<16xi32>
      tpu.vector_store_idx %arg8[%get3A_224, %get3A_222], %get3A_226 masked %eq3A_247 {add = true} : memref<24x24xf32, #tpu.memory_space<vmem>>[vector<16xi32>, vector<16xi32>], vector<16xf32>, vector<16xi1>
      %eq3A_248 = arith.constant 7 : i32
      %eq3A_249 = vector.broadcast %eq3A_248 : i32 to vector<16xi32>
      %eq3A_250 = arith.cmpi eq, %iota3A, %eq3A_249 : vector<16xi32>
      tpu.vector_store_idx %arg8[%get3A_224, %get3A_222], %get3A_226 masked %eq3A_250 {add = true} : memref<24x24xf32, #tpu.memory_space<vmem>>[vector<16xi32>, vector<16xi32>], vector<16xf32>, vector<16xi1>
      %eq3A_251 = arith.constant 8 : i32
      %eq3A_252 = vector.broadcast %eq3A_251 : i32 to vector<16xi32>
      %eq3A_253 = arith.cmpi eq, %iota3A, %eq3A_252 : vector<16xi32>
      tpu.vector_store_idx %arg8[%get3A_224, %get3A_222], %get3A_226 masked %eq3A_253 {add = true} : memref<24x24xf32, #tpu.memory_space<vmem>>[vector<16xi32>, vector<16xi32>], vector<16xf32>, vector<16xi1>
      %eq3A_254 = arith.constant 9 : i32
      %eq3A_255 = vector.broadcast %eq3A_254 : i32 to vector<16xi32>
      %eq3A_256 = arith.cmpi eq, %iota3A, %eq3A_255 : vector<16xi32>
      tpu.vector_store_idx %arg8[%get3A_224, %get3A_222], %get3A_226 masked %eq3A_256 {add = true} : memref<24x24xf32, #tpu.memory_space<vmem>>[vector<16xi32>, vector<16xi32>], vector<16xf32>, vector<16xi1>
      %eq3A_257 = arith.constant 10 : i32
      %eq3A_258 = vector.broadcast %eq3A_257 : i32 to vector<16xi32>
      %eq3A_259 = arith.cmpi eq, %iota3A, %eq3A_258 : vector<16xi32>
      tpu.vector_store_idx %arg8[%get3A_224, %get3A_222], %get3A_226 masked %eq3A_259 {add = true} : memref<24x24xf32, #tpu.memory_space<vmem>>[vector<16xi32>, vector<16xi32>], vector<16xf32>, vector<16xi1>
      %eq3A_260 = arith.constant 11 : i32
      %eq3A_261 = vector.broadcast %eq3A_260 : i32 to vector<16xi32>
      %eq3A_262 = arith.cmpi eq, %iota3A, %eq3A_261 : vector<16xi32>
      tpu.vector_store_idx %arg8[%get3A_224, %get3A_222], %get3A_226 masked %eq3A_262 {add = true} : memref<24x24xf32, #tpu.memory_space<vmem>>[vector<16xi32>, vector<16xi32>], vector<16xf32>, vector<16xi1>
      %eq3A_263 = arith.constant 12 : i32
      %eq3A_264 = vector.broadcast %eq3A_263 : i32 to vector<16xi32>
      %eq3A_265 = arith.cmpi eq, %iota3A, %eq3A_264 : vector<16xi32>
      tpu.vector_store_idx %arg8[%get3A_224, %get3A_222], %get3A_226 masked %eq3A_265 {add = true} : memref<24x24xf32, #tpu.memory_space<vmem>>[vector<16xi32>, vector<16xi32>], vector<16xf32>, vector<16xi1>
      %eq3A_266 = arith.constant 13 : i32
      %eq3A_267 = vector.broadcast %eq3A_266 : i32 to vector<16xi32>
      %eq3A_268 = arith.cmpi eq, %iota3A, %eq3A_267 : vector<16xi32>
      tpu.vector_store_idx %arg8[%get3A_224, %get3A_222], %get3A_226 masked %eq3A_268 {add = true} : memref<24x24xf32, #tpu.memory_space<vmem>>[vector<16xi32>, vector<16xi32>], vector<16xf32>, vector<16xi1>
      %eq3A_269 = arith.constant 14 : i32
      %eq3A_270 = vector.broadcast %eq3A_269 : i32 to vector<16xi32>
      %eq3A_271 = arith.cmpi eq, %iota3A, %eq3A_270 : vector<16xi32>
      tpu.vector_store_idx %arg8[%get3A_224, %get3A_222], %get3A_226 masked %eq3A_271 {add = true} : memref<24x24xf32, #tpu.memory_space<vmem>>[vector<16xi32>, vector<16xi32>], vector<16xf32>, vector<16xi1>
      %eq3A_272 = arith.constant 15 : i32
      %eq3A_273 = vector.broadcast %eq3A_272 : i32 to vector<16xi32>
      %eq3A_274 = arith.cmpi eq, %iota3A, %eq3A_273 : vector<16xi32>
      tpu.vector_store_idx %arg8[%get3A_224, %get3A_222], %get3A_226 masked %eq3A_274 {add = true} : memref<24x24xf32, #tpu.memory_space<vmem>>[vector<16xi32>, vector<16xi32>], vector<16xf32>, vector<16xi1>
      %get3A_275 = arith.constant 16 : index
      %get3A_276 = tpu.vector_load %arg5[%get3A_275] {strides = array<i32>} : memref<384xi32, #tpu.memory_space<vmem>>, vector<16xi32>,
      %get3A_277 = arith.constant 16 : index
      %get3A_278 = tpu.vector_load %arg6[%get3A_277] {strides = array<i32>} : memref<384xi32, #tpu.memory_space<vmem>>, vector<16xi32>,
      %get3A_279 = arith.constant 16 : index
      %get3A_280 = tpu.vector_load %arg7[%get3A_279] {strides = array<i32>} : memref<384xf32, #tpu.memory_space<vmem>>, vector<16xf32>,
      %eq3A_281 = arith.constant 0 : i32
      %eq3A_282 = vector.broadcast %eq3A_281 : i32 to vector<16xi32>
      %eq3A_283 = arith.cmpi eq, %iota3A, %eq3A_282 : vector<16xi32>
      tpu.vector_store_idx %arg8[%get3A_278, %get3A_276], %get3A_280 masked %eq3A_283 {add = true} : memref<24x24xf32, #tpu.memory_space<vmem>>[vector<16xi32>, vector<16xi32>], vector<16xf32>, vector<16xi1>
      %eq3A_284 = arith.constant 1 : i32
      %eq3A_285 = vector.broadcast %eq3A_284 : i32 to vector<16xi32>
      %eq3A_286 = arith.cmpi eq, %iota3A, %eq3A_285 : vector<16xi32>
      tpu.vector_store_idx %arg8[%get3A_278, %get3A_276], %get3A_280 masked %eq3A_286 {add = true} : memref<24x24xf32, #tpu.memory_space<vmem>>[vector<16xi32>, vector<16xi32>], vector<16xf32>, vector<16xi1>
      %eq3A_287 = arith.constant 2 : i32
      %eq3A_288 = vector.broadcast %eq3A_287 : i32 to vector<16xi32>
      %eq3A_289 = arith.cmpi eq, %iota3A, %eq3A_288 : vector<16xi32>
      tpu.vector_store_idx %arg8[%get3A_278, %get3A_276], %get3A_280 masked %eq3A_289 {add = true} : memref<24x24xf32, #tpu.memory_space<vmem>>[vector<16xi32>, vector<16xi32>], vector<16xf32>, vector<16xi1>
      %eq3A_290 = arith.constant 3 : i32
      %eq3A_291 = vector.broadcast %eq3A_290 : i32 to vector<16xi32>
      %eq3A_292 = arith.cmpi eq, %iota3A, %eq3A_291 : vector<16xi32>
      tpu.vector_store_idx %arg8[%get3A_278, %get3A_276], %get3A_280 masked %eq3A_292 {add = true} : memref<24x24xf32, #tpu.memory_space<vmem>>[vector<16xi32>, vector<16xi32>], vector<16xf32>, vector<16xi1>
      %eq3A_293 = arith.constant 4 : i32
      %eq3A_294 = vector.broadcast %eq3A_293 : i32 to vector<16xi32>
      %eq3A_295 = arith.cmpi eq, %iota3A, %eq3A_294 : vector<16xi32>
      tpu.vector_store_idx %arg8[%get3A_278, %get3A_276], %get3A_280 masked %eq3A_295 {add = true} : memref<24x24xf32, #tpu.memory_space<vmem>>[vector<16xi32>, vector<16xi32>], vector<16xf32>, vector<16xi1>
      %eq3A_296 = arith.constant 5 : i32
      %eq3A_297 = vector.broadcast %eq3A_296 : i32 to vector<16xi32>
      %eq3A_298 = arith.cmpi eq, %iota3A, %eq3A_297 : vector<16xi32>
      tpu.vector_store_idx %arg8[%get3A_278, %get3A_276], %get3A_280 masked %eq3A_298 {add = true} : memref<24x24xf32, #tpu.memory_space<vmem>>[vector<16xi32>, vector<16xi32>], vector<16xf32>, vector<16xi1>
      %eq3A_299 = arith.constant 6 : i32
      %eq3A_300 = vector.broadcast %eq3A_299 : i32 to vector<16xi32>
      %eq3A_301 = arith.cmpi eq, %iota3A, %eq3A_300 : vector<16xi32>
      tpu.vector_store_idx %arg8[%get3A_278, %get3A_276], %get3A_280 masked %eq3A_301 {add = true} : memref<24x24xf32, #tpu.memory_space<vmem>>[vector<16xi32>, vector<16xi32>], vector<16xf32>, vector<16xi1>
      %eq3A_302 = arith.constant 7 : i32
      %eq3A_303 = vector.broadcast %eq3A_302 : i32 to vector<16xi32>
      %eq3A_304 = arith.cmpi eq, %iota3A, %eq3A_303 : vector<16xi32>
      tpu.vector_store_idx %arg8[%get3A_278, %get3A_276], %get3A_280 masked %eq3A_304 {add = true} : memref<24x24xf32, #tpu.memory_space<vmem>>[vector<16xi32>, vector<16xi32>], vector<16xf32>, vector<16xi1>
      %eq3A_305 = arith.constant 8 : i32
      %eq3A_306 = vector.broadcast %eq3A_305 : i32 to vector<16xi32>
      %eq3A_307 = arith.cmpi eq, %iota3A, %eq3A_306 : vector<16xi32>
      tpu.vector_store_idx %arg8[%get3A_278, %get3A_276], %get3A_280 masked %eq3A_307 {add = true} : memref<24x24xf32, #tpu.memory_space<vmem>>[vector<16xi32>, vector<16xi32>], vector<16xf32>, vector<16xi1>
      %eq3A_308 = arith.constant 9 : i32
      %eq3A_309 = vector.broadcast %eq3A_308 : i32 to vector<16xi32>
      %eq3A_310 = arith.cmpi eq, %iota3A, %eq3A_309 : vector<16xi32>
      tpu.vector_store_idx %arg8[%get3A_278, %get3A_276], %get3A_280 masked %eq3A_310 {add = true} : memref<24x24xf32, #tpu.memory_space<vmem>>[vector<16xi32>, vector<16xi32>], vector<16xf32>, vector<16xi1>
      %eq3A_311 = arith.constant 10 : i32
      %eq3A_312 = vector.broadcast %eq3A_311 : i32 to vector<16xi32>
      %eq3A_313 = arith.cmpi eq, %iota3A, %eq3A_312 : vector<16xi32>
      tpu.vector_store_idx %arg8[%get3A_278, %get3A_276], %get3A_280 masked %eq3A_313 {add = true} : memref<24x24xf32, #tpu.memory_space<vmem>>[vector<16xi32>, vector<16xi32>], vector<16xf32>, vector<16xi1>
      %eq3A_314 = arith.constant 11 : i32
      %eq3A_315 = vector.broadcast %eq3A_314 : i32 to vector<16xi32>
      %eq3A_316 = arith.cmpi eq, %iota3A, %eq3A_315 : vector<16xi32>
      tpu.vector_store_idx %arg8[%get3A_278, %get3A_276], %get3A_280 masked %eq3A_316 {add = true} : memref<24x24xf32, #tpu.memory_space<vmem>>[vector<16xi32>, vector<16xi32>], vector<16xf32>, vector<16xi1>
      %eq3A_317 = arith.constant 12 : i32
      %eq3A_318 = vector.broadcast %eq3A_317 : i32 to vector<16xi32>
      %eq3A_319 = arith.cmpi eq, %iota3A, %eq3A_318 : vector<16xi32>
      tpu.vector_store_idx %arg8[%get3A_278, %get3A_276], %get3A_280 masked %eq3A_319 {add = true} : memref<24x24xf32, #tpu.memory_space<vmem>>[vector<16xi32>, vector<16xi32>], vector<16xf32>, vector<16xi1>
      %eq3A_320 = arith.constant 13 : i32
      %eq3A_321 = vector.broadcast %eq3A_320 : i32 to vector<16xi32>
      %eq3A_322 = arith.cmpi eq, %iota3A, %eq3A_321 : vector<16xi32>
      tpu.vector_store_idx %arg8[%get3A_278, %get3A_276], %get3A_280 masked %eq3A_322 {add = true} : memref<24x24xf32, #tpu.memory_space<vmem>>[vector<16xi32>, vector<16xi32>], vector<16xf32>, vector<16xi1>
      %eq3A_323 = arith.constant 14 : i32
      %eq3A_324 = vector.broadcast %eq3A_323 : i32 to vector<16xi32>
      %eq3A_325 = arith.cmpi eq, %iota3A, %eq3A_324 : vector<16xi32>
      tpu.vector_store_idx %arg8[%get3A_278, %get3A_276], %get3A_280 masked %eq3A_325 {add = true} : memref<24x24xf32, #tpu.memory_space<vmem>>[vector<16xi32>, vector<16xi32>], vector<16xf32>, vector<16xi1>
      %eq3A_326 = arith.constant 15 : i32
      %eq3A_327 = vector.broadcast %eq3A_326 : i32 to vector<16xi32>
      %eq3A_328 = arith.cmpi eq, %iota3A, %eq3A_327 : vector<16xi32>
      tpu.vector_store_idx %arg8[%get3A_278, %get3A_276], %get3A_280 masked %eq3A_328 {add = true} : memref<24x24xf32, #tpu.memory_space<vmem>>[vector<16xi32>, vector<16xi32>], vector<16xf32>, vector<16xi1>
      %get3A_329 = arith.constant 32 : index
      %get3A_330 = tpu.vector_load %arg5[%get3A_329] {strides = array<i32>} : memref<384xi32, #tpu.memory_space<vmem>>, vector<16xi32>,
      %get3A_331 = arith.constant 32 : index
      %get3A_332 = tpu.vector_load %arg6[%get3A_331] {strides = array<i32>} : memref<384xi32, #tpu.memory_space<vmem>>, vector<16xi32>,
      %get3A_333 = arith.constant 32 : index
      %get3A_334 = tpu.vector_load %arg7[%get3A_333] {strides = array<i32>} : memref<384xf32, #tpu.memory_space<vmem>>, vector<16xf32>,
      %eq3A_335 = arith.constant 0 : i32
      %eq3A_336 = vector.broadcast %eq3A_335 : i32 to vector<16xi32>
      %eq3A_337 = arith.cmpi eq, %iota3A, %eq3A_336 : vector<16xi32>
      tpu.vector_store_idx %arg8[%get3A_332, %get3A_330], %get3A_334 masked %eq3A_337 {add = true} : memref<24x24xf32, #tpu.memory_space<vmem>>[vector<16xi32>, vector<16xi32>], vector<16xf32>, vector<16xi1>
      %eq3A_338 = arith.constant 1 : i32
      %eq3A_339 = vector.broadcast %eq3A_338 : i32 to vector<16xi32>
      %eq3A_340 = arith.cmpi eq, %iota3A, %eq3A_339 : vector<16xi32>
      tpu.vector_store_idx %arg8[%get3A_332, %get3A_330], %get3A_334 masked %eq3A_340 {add = true} : memref<24x24xf32, #tpu.memory_space<vmem>>[vector<16xi32>, vector<16xi32>], vector<16xf32>, vector<16xi1>
      %eq3A_341 = arith.constant 2 : i32
      %eq3A_342 = vector.broadcast %eq3A_341 : i32 to vector<16xi32>
      %eq3A_343 = arith.cmpi eq, %iota3A, %eq3A_342 : vector<16xi32>
      tpu.vector_store_idx %arg8[%get3A_332, %get3A_330], %get3A_334 masked %eq3A_343 {add = true} : memref<24x24xf32, #tpu.memory_space<vmem>>[vector<16xi32>, vector<16xi32>], vector<16xf32>, vector<16xi1>
      %eq3A_344 = arith.constant 3 : i32
      %eq3A_345 = vector.broadcast %eq3A_344 : i32 to vector<16xi32>
      %eq3A_346 = arith.cmpi eq, %iota3A, %eq3A_345 : vector<16xi32>
      tpu.vector_store_idx %arg8[%get3A_332, %get3A_330], %get3A_334 masked %eq3A_346 {add = true} : memref<24x24xf32, #tpu.memory_space<vmem>>[vector<16xi32>, vector<16xi32>], vector<16xf32>, vector<16xi1>
      %eq3A_347 = arith.constant 4 : i32
      %eq3A_348 = vector.broadcast %eq3A_347 : i32 to vector<16xi32>
      %eq3A_349 = arith.cmpi eq, %iota3A, %eq3A_348 : vector<16xi32>
      tpu.vector_store_idx %arg8[%get3A_332, %get3A_330], %get3A_334 masked %eq3A_349 {add = true} : memref<24x24xf32, #tpu.memory_space<vmem>>[vector<16xi32>, vector<16xi32>], vector<16xf32>, vector<16xi1>
      %eq3A_350 = arith.constant 5 : i32
      %eq3A_351 = vector.broadcast %eq3A_350 : i32 to vector<16xi32>
      %eq3A_352 = arith.cmpi eq, %iota3A, %eq3A_351 : vector<16xi32>
      tpu.vector_store_idx %arg8[%get3A_332, %get3A_330], %get3A_334 masked %eq3A_352 {add = true} : memref<24x24xf32, #tpu.memory_space<vmem>>[vector<16xi32>, vector<16xi32>], vector<16xf32>, vector<16xi1>
      %eq3A_353 = arith.constant 6 : i32
      %eq3A_354 = vector.broadcast %eq3A_353 : i32 to vector<16xi32>
      %eq3A_355 = arith.cmpi eq, %iota3A, %eq3A_354 : vector<16xi32>
      tpu.vector_store_idx %arg8[%get3A_332, %get3A_330], %get3A_334 masked %eq3A_355 {add = true} : memref<24x24xf32, #tpu.memory_space<vmem>>[vector<16xi32>, vector<16xi32>], vector<16xf32>, vector<16xi1>
      %eq3A_356 = arith.constant 7 : i32
      %eq3A_357 = vector.broadcast %eq3A_356 : i32 to vector<16xi32>
      %eq3A_358 = arith.cmpi eq, %iota3A, %eq3A_357 : vector<16xi32>
      tpu.vector_store_idx %arg8[%get3A_332, %get3A_330], %get3A_334 masked %eq3A_358 {add = true} : memref<24x24xf32, #tpu.memory_space<vmem>>[vector<16xi32>, vector<16xi32>], vector<16xf32>, vector<16xi1>
      %eq3A_359 = arith.constant 8 : i32
      %eq3A_360 = vector.broadcast %eq3A_359 : i32 to vector<16xi32>
      %eq3A_361 = arith.cmpi eq, %iota3A, %eq3A_360 : vector<16xi32>
      tpu.vector_store_idx %arg8[%get3A_332, %get3A_330], %get3A_334 masked %eq3A_361 {add = true} : memref<24x24xf32, #tpu.memory_space<vmem>>[vector<16xi32>, vector<16xi32>], vector<16xf32>, vector<16xi1>
      %eq3A_362 = arith.constant 9 : i32
      %eq3A_363 = vector.broadcast %eq3A_362 : i32 to vector<16xi32>
      %eq3A_364 = arith.cmpi eq, %iota3A, %eq3A_363 : vector<16xi32>
      tpu.vector_store_idx %arg8[%get3A_332, %get3A_330], %get3A_334 masked %eq3A_364 {add = true} : memref<24x24xf32, #tpu.memory_space<vmem>>[vector<16xi32>, vector<16xi32>], vector<16xf32>, vector<16xi1>
      %eq3A_365 = arith.constant 10 : i32
      %eq3A_366 = vector.broadcast %eq3A_365 : i32 to vector<16xi32>
      %eq3A_367 = arith.cmpi eq, %iota3A, %eq3A_366 : vector<16xi32>
      tpu.vector_store_idx %arg8[%get3A_332, %get3A_330], %get3A_334 masked %eq3A_367 {add = true} : memref<24x24xf32, #tpu.memory_space<vmem>>[vector<16xi32>, vector<16xi32>], vector<16xf32>, vector<16xi1>
      %eq3A_368 = arith.constant 11 : i32
      %eq3A_369 = vector.broadcast %eq3A_368 : i32 to vector<16xi32>
      %eq3A_370 = arith.cmpi eq, %iota3A, %eq3A_369 : vector<16xi32>
      tpu.vector_store_idx %arg8[%get3A_332, %get3A_330], %get3A_334 masked %eq3A_370 {add = true} : memref<24x24xf32, #tpu.memory_space<vmem>>[vector<16xi32>, vector<16xi32>], vector<16xf32>, vector<16xi1>
      %eq3A_371 = arith.constant 12 : i32
      %eq3A_372 = vector.broadcast %eq3A_371 : i32 to vector<16xi32>
      %eq3A_373 = arith.cmpi eq, %iota3A, %eq3A_372 : vector<16xi32>
      tpu.vector_store_idx %arg8[%get3A_332, %get3A_330], %get3A_334 masked %eq3A_373 {add = true} : memref<24x24xf32, #tpu.memory_space<vmem>>[vector<16xi32>, vector<16xi32>], vector<16xf32>, vector<16xi1>
      %eq3A_374 = arith.constant 13 : i32
      %eq3A_375 = vector.broadcast %eq3A_374 : i32 to vector<16xi32>
      %eq3A_376 = arith.cmpi eq, %iota3A, %eq3A_375 : vector<16xi32>
      tpu.vector_store_idx %arg8[%get3A_332, %get3A_330], %get3A_334 masked %eq3A_376 {add = true} : memref<24x24xf32, #tpu.memory_space<vmem>>[vector<16xi32>, vector<16xi32>], vector<16xf32>, vector<16xi1>
      %eq3A_377 = arith.constant 14 : i32
      %eq3A_378 = vector.broadcast %eq3A_377 : i32 to vector<16xi32>
      %eq3A_379 = arith.cmpi eq, %iota3A, %eq3A_378 : vector<16xi32>
      tpu.vector_store_idx %arg8[%get3A_332, %get3A_330], %get3A_334 masked %eq3A_379 {add = true} : memref<24x24xf32, #tpu.memory_space<vmem>>[vector<16xi32>, vector<16xi32>], vector<16xf32>, vector<16xi1>
      %eq3A_380 = arith.constant 15 : i32
      %eq3A_381 = vector.broadcast %eq3A_380 : i32 to vector<16xi32>
      %eq3A_382 = arith.cmpi eq, %iota3A, %eq3A_381 : vector<16xi32>
      tpu.vector_store_idx %arg8[%get3A_332, %get3A_330], %get3A_334 masked %eq3A_382 {add = true} : memref<24x24xf32, #tpu.memory_space<vmem>>[vector<16xi32>, vector<16xi32>], vector<16xf32>, vector<16xi1>
      %get3A_383 = arith.constant 48 : index
      %get3A_384 = tpu.vector_load %arg5[%get3A_383] {strides = array<i32>} : memref<384xi32, #tpu.memory_space<vmem>>, vector<16xi32>,
      %get3A_385 = arith.constant 48 : index
      %get3A_386 = tpu.vector_load %arg6[%get3A_385] {strides = array<i32>} : memref<384xi32, #tpu.memory_space<vmem>>, vector<16xi32>,
      %get3A_387 = arith.constant 48 : index
      %get3A_388 = tpu.vector_load %arg7[%get3A_387] {strides = array<i32>} : memref<384xf32, #tpu.memory_space<vmem>>, vector<16xf32>,
      %eq3A_389 = arith.constant 0 : i32
      %eq3A_390 = vector.broadcast %eq3A_389 : i32 to vector<16xi32>
      %eq3A_391 = arith.cmpi eq, %iota3A, %eq3A_390 : vector<16xi32>
      tpu.vector_store_idx %arg8[%get3A_386, %get3A_384], %get3A_388 masked %eq3A_391 {add = true} : memref<24x24xf32, #tpu.memory_space<vmem>>[vector<16xi32>, vector<16xi32>], vector<16xf32>, vector<16xi1>
      %eq3A_392 = arith.constant 1 : i32
      %eq3A_393 = vector.broadcast %eq3A_392 : i32 to vector<16xi32>
      %eq3A_394 = arith.cmpi eq, %iota3A, %eq3A_393 : vector<16xi32>
      tpu.vector_store_idx %arg8[%get3A_386, %get3A_384], %get3A_388 masked %eq3A_394 {add = true} : memref<24x24xf32, #tpu.memory_space<vmem>>[vector<16xi32>, vector<16xi32>], vector<16xf32>, vector<16xi1>
      %eq3A_395 = arith.constant 2 : i32
      %eq3A_396 = vector.broadcast %eq3A_395 : i32 to vector<16xi32>
      %eq3A_397 = arith.cmpi eq, %iota3A, %eq3A_396 : vector<16xi32>
      tpu.vector_store_idx %arg8[%get3A_386, %get3A_384], %get3A_388 masked %eq3A_397 {add = true} : memref<24x24xf32, #tpu.memory_space<vmem>>[vector<16xi32>, vector<16xi32>], vector<16xf32>, vector<16xi1>
      %eq3A_398 = arith.constant 3 : i32
      %eq3A_399 = vector.broadcast %eq3A_398 : i32 to vector<16xi32>
      %eq3A_400 = arith.cmpi eq, %iota3A, %eq3A_399 : vector<16xi32>
      tpu.vector_store_idx %arg8[%get3A_386, %get3A_384], %get3A_388 masked %eq3A_400 {add = true} : memref<24x24xf32, #tpu.memory_space<vmem>>[vector<16xi32>, vector<16xi32>], vector<16xf32>, vector<16xi1>
      %eq3A_401 = arith.constant 4 : i32
      %eq3A_402 = vector.broadcast %eq3A_401 : i32 to vector<16xi32>
      %eq3A_403 = arith.cmpi eq, %iota3A, %eq3A_402 : vector<16xi32>
      tpu.vector_store_idx %arg8[%get3A_386, %get3A_384], %get3A_388 masked %eq3A_403 {add = true} : memref<24x24xf32, #tpu.memory_space<vmem>>[vector<16xi32>, vector<16xi32>], vector<16xf32>, vector<16xi1>
      %eq3A_404 = arith.constant 5 : i32
      %eq3A_405 = vector.broadcast %eq3A_404 : i32 to vector<16xi32>
      %eq3A_406 = arith.cmpi eq, %iota3A, %eq3A_405 : vector<16xi32>
      tpu.vector_store_idx %arg8[%get3A_386, %get3A_384], %get3A_388 masked %eq3A_406 {add = true} : memref<24x24xf32, #tpu.memory_space<vmem>>[vector<16xi32>, vector<16xi32>], vector<16xf32>, vector<16xi1>
      %eq3A_407 = arith.constant 6 : i32
      %eq3A_408 = vector.broadcast %eq3A_407 : i32 to vector<16xi32>
      %eq3A_409 = arith.cmpi eq, %iota3A, %eq3A_408 : vector<16xi32>
      tpu.vector_store_idx %arg8[%get3A_386, %get3A_384], %get3A_388 masked %eq3A_409 {add = true} : memref<24x24xf32, #tpu.memory_space<vmem>>[vector<16xi32>, vector<16xi32>], vector<16xf32>, vector<16xi1>
      %eq3A_410 = arith.constant 7 : i32
      %eq3A_411 = vector.broadcast %eq3A_410 : i32 to vector<16xi32>
      %eq3A_412 = arith.cmpi eq, %iota3A, %eq3A_411 : vector<16xi32>
      tpu.vector_store_idx %arg8[%get3A_386, %get3A_384], %get3A_388 masked %eq3A_412 {add = true} : memref<24x24xf32, #tpu.memory_space<vmem>>[vector<16xi32>, vector<16xi32>], vector<16xf32>, vector<16xi1>
      %eq3A_413 = arith.constant 8 : i32
      %eq3A_414 = vector.broadcast %eq3A_413 : i32 to vector<16xi32>
      %eq3A_415 = arith.cmpi eq, %iota3A, %eq3A_414 : vector<16xi32>
      tpu.vector_store_idx %arg8[%get3A_386, %get3A_384], %get3A_388 masked %eq3A_415 {add = true} : memref<24x24xf32, #tpu.memory_space<vmem>>[vector<16xi32>, vector<16xi32>], vector<16xf32>, vector<16xi1>
      %eq3A_416 = arith.constant 9 : i32
      %eq3A_417 = vector.broadcast %eq3A_416 : i32 to vector<16xi32>
      %eq3A_418 = arith.cmpi eq, %iota3A, %eq3A_417 : vector<16xi32>
      tpu.vector_store_idx %arg8[%get3A_386, %get3A_384], %get3A_388 masked %eq3A_418 {add = true} : memref<24x24xf32, #tpu.memory_space<vmem>>[vector<16xi32>, vector<16xi32>], vector<16xf32>, vector<16xi1>
      %eq3A_419 = arith.constant 10 : i32
      %eq3A_420 = vector.broadcast %eq3A_419 : i32 to vector<16xi32>
      %eq3A_421 = arith.cmpi eq, %iota3A, %eq3A_420 : vector<16xi32>
      tpu.vector_store_idx %arg8[%get3A_386, %get3A_384], %get3A_388 masked %eq3A_421 {add = true} : memref<24x24xf32, #tpu.memory_space<vmem>>[vector<16xi32>, vector<16xi32>], vector<16xf32>, vector<16xi1>
      %eq3A_422 = arith.constant 11 : i32
      %eq3A_423 = vector.broadcast %eq3A_422 : i32 to vector<16xi32>
      %eq3A_424 = arith.cmpi eq, %iota3A, %eq3A_423 : vector<16xi32>
      tpu.vector_store_idx %arg8[%get3A_386, %get3A_384], %get3A_388 masked %eq3A_424 {add = true} : memref<24x24xf32, #tpu.memory_space<vmem>>[vector<16xi32>, vector<16xi32>], vector<16xf32>, vector<16xi1>
      %eq3A_425 = arith.constant 12 : i32
      %eq3A_426 = vector.broadcast %eq3A_425 : i32 to vector<16xi32>
      %eq3A_427 = arith.cmpi eq, %iota3A, %eq3A_426 : vector<16xi32>
      tpu.vector_store_idx %arg8[%get3A_386, %get3A_384], %get3A_388 masked %eq3A_427 {add = true} : memref<24x24xf32, #tpu.memory_space<vmem>>[vector<16xi32>, vector<16xi32>], vector<16xf32>, vector<16xi1>
      %eq3A_428 = arith.constant 13 : i32
      %eq3A_429 = vector.broadcast %eq3A_428 : i32 to vector<16xi32>
      %eq3A_430 = arith.cmpi eq, %iota3A, %eq3A_429 : vector<16xi32>
      tpu.vector_store_idx %arg8[%get3A_386, %get3A_384], %get3A_388 masked %eq3A_430 {add = true} : memref<24x24xf32, #tpu.memory_space<vmem>>[vector<16xi32>, vector<16xi32>], vector<16xf32>, vector<16xi1>
      %eq3A_431 = arith.constant 14 : i32
      %eq3A_432 = vector.broadcast %eq3A_431 : i32 to vector<16xi32>
      %eq3A_433 = arith.cmpi eq, %iota3A, %eq3A_432 : vector<16xi32>
      tpu.vector_store_idx %arg8[%get3A_386, %get3A_384], %get3A_388 masked %eq3A_433 {add = true} : memref<24x24xf32, #tpu.memory_space<vmem>>[vector<16xi32>, vector<16xi32>], vector<16xf32>, vector<16xi1>
      %eq3A_434 = arith.constant 15 : i32
      %eq3A_435 = vector.broadcast %eq3A_434 : i32 to vector<16xi32>
      %eq3A_436 = arith.cmpi eq, %iota3A, %eq3A_435 : vector<16xi32>
      tpu.vector_store_idx %arg8[%get3A_386, %get3A_384], %get3A_388 masked %eq3A_436 {add = true} : memref<24x24xf32, #tpu.memory_space<vmem>>[vector<16xi32>, vector<16xi32>], vector<16xf32>, vector<16xi1>
      %get3A_437 = arith.constant 64 : index
      %get3A_438 = tpu.vector_load %arg5[%get3A_437] {strides = array<i32>} : memref<384xi32, #tpu.memory_space<vmem>>, vector<16xi32>,
      %get3A_439 = arith.constant 64 : index
      %get3A_440 = tpu.vector_load %arg6[%get3A_439] {strides = array<i32>} : memref<384xi32, #tpu.memory_space<vmem>>, vector<16xi32>,
      %get3A_441 = arith.constant 64 : index
      %get3A_442 = tpu.vector_load %arg7[%get3A_441] {strides = array<i32>} : memref<384xf32, #tpu.memory_space<vmem>>, vector<16xf32>,
      %eq3A_443 = arith.constant 0 : i32
      %eq3A_444 = vector.broadcast %eq3A_443 : i32 to vector<16xi32>
      %eq3A_445 = arith.cmpi eq, %iota3A, %eq3A_444 : vector<16xi32>
      tpu.vector_store_idx %arg8[%get3A_440, %get3A_438], %get3A_442 masked %eq3A_445 {add = true} : memref<24x24xf32, #tpu.memory_space<vmem>>[vector<16xi32>, vector<16xi32>], vector<16xf32>, vector<16xi1>
      %eq3A_446 = arith.constant 1 : i32
      %eq3A_447 = vector.broadcast %eq3A_446 : i32 to vector<16xi32>
      %eq3A_448 = arith.cmpi eq, %iota3A, %eq3A_447 : vector<16xi32>
      tpu.vector_store_idx %arg8[%get3A_440, %get3A_438], %get3A_442 masked %eq3A_448 {add = true} : memref<24x24xf32, #tpu.memory_space<vmem>>[vector<16xi32>, vector<16xi32>], vector<16xf32>, vector<16xi1>
      %eq3A_449 = arith.constant 2 : i32
      %eq3A_450 = vector.broadcast %eq3A_449 : i32 to vector<16xi32>
      %eq3A_451 = arith.cmpi eq, %iota3A, %eq3A_450 : vector<16xi32>
      tpu.vector_store_idx %arg8[%get3A_440, %get3A_438], %get3A_442 masked %eq3A_451 {add = true} : memref<24x24xf32, #tpu.memory_space<vmem>>[vector<16xi32>, vector<16xi32>], vector<16xf32>, vector<16xi1>
      %eq3A_452 = arith.constant 3 : i32
      %eq3A_453 = vector.broadcast %eq3A_452 : i32 to vector<16xi32>
      %eq3A_454 = arith.cmpi eq, %iota3A, %eq3A_453 : vector<16xi32>
      tpu.vector_store_idx %arg8[%get3A_440, %get3A_438], %get3A_442 masked %eq3A_454 {add = true} : memref<24x24xf32, #tpu.memory_space<vmem>>[vector<16xi32>, vector<16xi32>], vector<16xf32>, vector<16xi1>
      %eq3A_455 = arith.constant 4 : i32
      %eq3A_456 = vector.broadcast %eq3A_455 : i32 to vector<16xi32>
      %eq3A_457 = arith.cmpi eq, %iota3A, %eq3A_456 : vector<16xi32>
      tpu.vector_store_idx %arg8[%get3A_440, %get3A_438], %get3A_442 masked %eq3A_457 {add = true} : memref<24x24xf32, #tpu.memory_space<vmem>>[vector<16xi32>, vector<16xi32>], vector<16xf32>, vector<16xi1>
      %eq3A_458 = arith.constant 5 : i32
      %eq3A_459 = vector.broadcast %eq3A_458 : i32 to vector<16xi32>
      %eq3A_460 = arith.cmpi eq, %iota3A, %eq3A_459 : vector<16xi32>
      tpu.vector_store_idx %arg8[%get3A_440, %get3A_438], %get3A_442 masked %eq3A_460 {add = true} : memref<24x24xf32, #tpu.memory_space<vmem>>[vector<16xi32>, vector<16xi32>], vector<16xf32>, vector<16xi1>
      %eq3A_461 = arith.constant 6 : i32
      %eq3A_462 = vector.broadcast %eq3A_461 : i32 to vector<16xi32>
      %eq3A_463 = arith.cmpi eq, %iota3A, %eq3A_462 : vector<16xi32>
      tpu.vector_store_idx %arg8[%get3A_440, %get3A_438], %get3A_442 masked %eq3A_463 {add = true} : memref<24x24xf32, #tpu.memory_space<vmem>>[vector<16xi32>, vector<16xi32>], vector<16xf32>, vector<16xi1>
      %eq3A_464 = arith.constant 7 : i32
      %eq3A_465 = vector.broadcast %eq3A_464 : i32 to vector<16xi32>
      %eq3A_466 = arith.cmpi eq, %iota3A, %eq3A_465 : vector<16xi32>
      tpu.vector_store_idx %arg8[%get3A_440, %get3A_438], %get3A_442 masked %eq3A_466 {add = true} : memref<24x24xf32, #tpu.memory_space<vmem>>[vector<16xi32>, vector<16xi32>], vector<16xf32>, vector<16xi1>
      %eq3A_467 = arith.constant 8 : i32
      %eq3A_468 = vector.broadcast %eq3A_467 : i32 to vector<16xi32>
      %eq3A_469 = arith.cmpi eq, %iota3A, %eq3A_468 : vector<16xi32>
      tpu.vector_store_idx %arg8[%get3A_440, %get3A_438], %get3A_442 masked %eq3A_469 {add = true} : memref<24x24xf32, #tpu.memory_space<vmem>>[vector<16xi32>, vector<16xi32>], vector<16xf32>, vector<16xi1>
      %eq3A_470 = arith.constant 9 : i32
      %eq3A_471 = vector.broadcast %eq3A_470 : i32 to vector<16xi32>
      %eq3A_472 = arith.cmpi eq, %iota3A, %eq3A_471 : vector<16xi32>
      tpu.vector_store_idx %arg8[%get3A_440, %get3A_438], %get3A_442 masked %eq3A_472 {add = true} : memref<24x24xf32, #tpu.memory_space<vmem>>[vector<16xi32>, vector<16xi32>], vector<16xf32>, vector<16xi1>
      %eq3A_473 = arith.constant 10 : i32
      %eq3A_474 = vector.broadcast %eq3A_473 : i32 to vector<16xi32>
      %eq3A_475 = arith.cmpi eq, %iota3A, %eq3A_474 : vector<16xi32>
      tpu.vector_store_idx %arg8[%get3A_440, %get3A_438], %get3A_442 masked %eq3A_475 {add = true} : memref<24x24xf32, #tpu.memory_space<vmem>>[vector<16xi32>, vector<16xi32>], vector<16xf32>, vector<16xi1>
      %eq3A_476 = arith.constant 11 : i32
      %eq3A_477 = vector.broadcast %eq3A_476 : i32 to vector<16xi32>
      %eq3A_478 = arith.cmpi eq, %iota3A, %eq3A_477 : vector<16xi32>
      tpu.vector_store_idx %arg8[%get3A_440, %get3A_438], %get3A_442 masked %eq3A_478 {add = true} : memref<24x24xf32, #tpu.memory_space<vmem>>[vector<16xi32>, vector<16xi32>], vector<16xf32>, vector<16xi1>
      %eq3A_479 = arith.constant 12 : i32
      %eq3A_480 = vector.broadcast %eq3A_479 : i32 to vector<16xi32>
      %eq3A_481 = arith.cmpi eq, %iota3A, %eq3A_480 : vector<16xi32>
      tpu.vector_store_idx %arg8[%get3A_440, %get3A_438], %get3A_442 masked %eq3A_481 {add = true} : memref<24x24xf32, #tpu.memory_space<vmem>>[vector<16xi32>, vector<16xi32>], vector<16xf32>, vector<16xi1>
      %eq3A_482 = arith.constant 13 : i32
      %eq3A_483 = vector.broadcast %eq3A_482 : i32 to vector<16xi32>
      %eq3A_484 = arith.cmpi eq, %iota3A, %eq3A_483 : vector<16xi32>
      tpu.vector_store_idx %arg8[%get3A_440, %get3A_438], %get3A_442 masked %eq3A_484 {add = true} : memref<24x24xf32, #tpu.memory_space<vmem>>[vector<16xi32>, vector<16xi32>], vector<16xf32>, vector<16xi1>
      %eq3A_485 = arith.constant 14 : i32
      %eq3A_486 = vector.broadcast %eq3A_485 : i32 to vector<16xi32>
      %eq3A_487 = arith.cmpi eq, %iota3A, %eq3A_486 : vector<16xi32>
      tpu.vector_store_idx %arg8[%get3A_440, %get3A_438], %get3A_442 masked %eq3A_487 {add = true} : memref<24x24xf32, #tpu.memory_space<vmem>>[vector<16xi32>, vector<16xi32>], vector<16xf32>, vector<16xi1>
      %eq3A_488 = arith.constant 15 : i32
      %eq3A_489 = vector.broadcast %eq3A_488 : i32 to vector<16xi32>
      %eq3A_490 = arith.cmpi eq, %iota3A, %eq3A_489 : vector<16xi32>
      tpu.vector_store_idx %arg8[%get3A_440, %get3A_438], %get3A_442 masked %eq3A_490 {add = true} : memref<24x24xf32, #tpu.memory_space<vmem>>[vector<16xi32>, vector<16xi32>], vector<16xf32>, vector<16xi1>
      %get3A_491 = arith.constant 80 : index
      %get3A_492 = tpu.vector_load %arg5[%get3A_491] {strides = array<i32>} : memref<384xi32, #tpu.memory_space<vmem>>, vector<16xi32>,
      %get3A_493 = arith.constant 80 : index
      %get3A_494 = tpu.vector_load %arg6[%get3A_493] {strides = array<i32>} : memref<384xi32, #tpu.memory_space<vmem>>, vector<16xi32>,
      %get3A_495 = arith.constant 80 : index
      %get3A_496 = tpu.vector_load %arg7[%get3A_495] {strides = array<i32>} : memref<384xf32, #tpu.memory_space<vmem>>, vector<16xf32>,
      %eq3A_497 = arith.constant 0 : i32
      %eq3A_498 = vector.broadcast %eq3A_497 : i32 to vector<16xi32>
      %eq3A_499 = arith.cmpi eq, %iota3A, %eq3A_498 : vector<16xi32>
      tpu.vector_store_idx %arg8[%get3A_494, %get3A_492], %get3A_496 masked %eq3A_499 {add = true} : memref<24x24xf32, #tpu.memory_space<vmem>>[vector<16xi32>, vector<16xi32>], vector<16xf32>, vector<16xi1>
      %eq3A_500 = arith.constant 1 : i32
      %eq3A_501 = vector.broadcast %eq3A_500 : i32 to vector<16xi32>
      %eq3A_502 = arith.cmpi eq, %iota3A, %eq3A_501 : vector<16xi32>
      tpu.vector_store_idx %arg8[%get3A_494, %get3A_492], %get3A_496 masked %eq3A_502 {add = true} : memref<24x24xf32, #tpu.memory_space<vmem>>[vector<16xi32>, vector<16xi32>], vector<16xf32>, vector<16xi1>
      %eq3A_503 = arith.constant 2 : i32
      %eq3A_504 = vector.broadcast %eq3A_503 : i32 to vector<16xi32>
      %eq3A_505 = arith.cmpi eq, %iota3A, %eq3A_504 : vector<16xi32>
      tpu.vector_store_idx %arg8[%get3A_494, %get3A_492], %get3A_496 masked %eq3A_505 {add = true} : memref<24x24xf32, #tpu.memory_space<vmem>>[vector<16xi32>, vector<16xi32>], vector<16xf32>, vector<16xi1>
      %eq3A_506 = arith.constant 3 : i32
      %eq3A_507 = vector.broadcast %eq3A_506 : i32 to vector<16xi32>
      %eq3A_508 = arith.cmpi eq, %iota3A, %eq3A_507 : vector<16xi32>
      tpu.vector_store_idx %arg8[%get3A_494, %get3A_492], %get3A_496 masked %eq3A_508 {add = true} : memref<24x24xf32, #tpu.memory_space<vmem>>[vector<16xi32>, vector<16xi32>], vector<16xf32>, vector<16xi1>
      %eq3A_509 = arith.constant 4 : i32
      %eq3A_510 = vector.broadcast %eq3A_509 : i32 to vector<16xi32>
      %eq3A_511 = arith.cmpi eq, %iota3A, %eq3A_510 : vector<16xi32>
      tpu.vector_store_idx %arg8[%get3A_494, %get3A_492], %get3A_496 masked %eq3A_511 {add = true} : memref<24x24xf32, #tpu.memory_space<vmem>>[vector<16xi32>, vector<16xi32>], vector<16xf32>, vector<16xi1>
      %eq3A_512 = arith.constant 5 : i32
      %eq3A_513 = vector.broadcast %eq3A_512 : i32 to vector<16xi32>
      %eq3A_514 = arith.cmpi eq, %iota3A, %eq3A_513 : vector<16xi32>
      tpu.vector_store_idx %arg8[%get3A_494, %get3A_492], %get3A_496 masked %eq3A_514 {add = true} : memref<24x24xf32, #tpu.memory_space<vmem>>[vector<16xi32>, vector<16xi32>], vector<16xf32>, vector<16xi1>
      %eq3A_515 = arith.constant 6 : i32
      %eq3A_516 = vector.broadcast %eq3A_515 : i32 to vector<16xi32>
      %eq3A_517 = arith.cmpi eq, %iota3A, %eq3A_516 : vector<16xi32>
      tpu.vector_store_idx %arg8[%get3A_494, %get3A_492], %get3A_496 masked %eq3A_517 {add = true} : memref<24x24xf32, #tpu.memory_space<vmem>>[vector<16xi32>, vector<16xi32>], vector<16xf32>, vector<16xi1>
      %eq3A_518 = arith.constant 7 : i32
      %eq3A_519 = vector.broadcast %eq3A_518 : i32 to vector<16xi32>
      %eq3A_520 = arith.cmpi eq, %iota3A, %eq3A_519 : vector<16xi32>
      tpu.vector_store_idx %arg8[%get3A_494, %get3A_492], %get3A_496 masked %eq3A_520 {add = true} : memref<24x24xf32, #tpu.memory_space<vmem>>[vector<16xi32>, vector<16xi32>], vector<16xf32>, vector<16xi1>
      %eq3A_521 = arith.constant 8 : i32
      %eq3A_522 = vector.broadcast %eq3A_521 : i32 to vector<16xi32>
      %eq3A_523 = arith.cmpi eq, %iota3A, %eq3A_522 : vector<16xi32>
      tpu.vector_store_idx %arg8[%get3A_494, %get3A_492], %get3A_496 masked %eq3A_523 {add = true} : memref<24x24xf32, #tpu.memory_space<vmem>>[vector<16xi32>, vector<16xi32>], vector<16xf32>, vector<16xi1>
      %eq3A_524 = arith.constant 9 : i32
      %eq3A_525 = vector.broadcast %eq3A_524 : i32 to vector<16xi32>
      %eq3A_526 = arith.cmpi eq, %iota3A, %eq3A_525 : vector<16xi32>
      tpu.vector_store_idx %arg8[%get3A_494, %get3A_492], %get3A_496 masked %eq3A_526 {add = true} : memref<24x24xf32, #tpu.memory_space<vmem>>[vector<16xi32>, vector<16xi32>], vector<16xf32>, vector<16xi1>
      %eq3A_527 = arith.constant 10 : i32
      %eq3A_528 = vector.broadcast %eq3A_527 : i32 to vector<16xi32>
      %eq3A_529 = arith.cmpi eq, %iota3A, %eq3A_528 : vector<16xi32>
      tpu.vector_store_idx %arg8[%get3A_494, %get3A_492], %get3A_496 masked %eq3A_529 {add = true} : memref<24x24xf32, #tpu.memory_space<vmem>>[vector<16xi32>, vector<16xi32>], vector<16xf32>, vector<16xi1>
      %eq3A_530 = arith.constant 11 : i32
      %eq3A_531 = vector.broadcast %eq3A_530 : i32 to vector<16xi32>
      %eq3A_532 = arith.cmpi eq, %iota3A, %eq3A_531 : vector<16xi32>
      tpu.vector_store_idx %arg8[%get3A_494, %get3A_492], %get3A_496 masked %eq3A_532 {add = true} : memref<24x24xf32, #tpu.memory_space<vmem>>[vector<16xi32>, vector<16xi32>], vector<16xf32>, vector<16xi1>
      %eq3A_533 = arith.constant 12 : i32
      %eq3A_534 = vector.broadcast %eq3A_533 : i32 to vector<16xi32>
      %eq3A_535 = arith.cmpi eq, %iota3A, %eq3A_534 : vector<16xi32>
      tpu.vector_store_idx %arg8[%get3A_494, %get3A_492], %get3A_496 masked %eq3A_535 {add = true} : memref<24x24xf32, #tpu.memory_space<vmem>>[vector<16xi32>, vector<16xi32>], vector<16xf32>, vector<16xi1>
      %eq3A_536 = arith.constant 13 : i32
      %eq3A_537 = vector.broadcast %eq3A_536 : i32 to vector<16xi32>
      %eq3A_538 = arith.cmpi eq, %iota3A, %eq3A_537 : vector<16xi32>
      tpu.vector_store_idx %arg8[%get3A_494, %get3A_492], %get3A_496 masked %eq3A_538 {add = true} : memref<24x24xf32, #tpu.memory_space<vmem>>[vector<16xi32>, vector<16xi32>], vector<16xf32>, vector<16xi1>
      %eq3A_539 = arith.constant 14 : i32
      %eq3A_540 = vector.broadcast %eq3A_539 : i32 to vector<16xi32>
      %eq3A_541 = arith.cmpi eq, %iota3A, %eq3A_540 : vector<16xi32>
      tpu.vector_store_idx %arg8[%get3A_494, %get3A_492], %get3A_496 masked %eq3A_541 {add = true} : memref<24x24xf32, #tpu.memory_space<vmem>>[vector<16xi32>, vector<16xi32>], vector<16xf32>, vector<16xi1>
      %eq3A_542 = arith.constant 15 : i32
      %eq3A_543 = vector.broadcast %eq3A_542 : i32 to vector<16xi32>
      %eq3A_544 = arith.cmpi eq, %iota3A, %eq3A_543 : vector<16xi32>
      tpu.vector_store_idx %arg8[%get3A_494, %get3A_492], %get3A_496 masked %eq3A_544 {add = true} : memref<24x24xf32, #tpu.memory_space<vmem>>[vector<16xi32>, vector<16xi32>], vector<16xf32>, vector<16xi1>
      %get3A_545 = arith.constant 96 : index
      %get3A_546 = tpu.vector_load %arg5[%get3A_545] {strides = array<i32>} : memref<384xi32, #tpu.memory_space<vmem>>, vector<16xi32>,
      %get3A_547 = arith.constant 96 : index
      %get3A_548 = tpu.vector_load %arg6[%get3A_547] {strides = array<i32>} : memref<384xi32, #tpu.memory_space<vmem>>, vector<16xi32>,
      %get3A_549 = arith.constant 96 : index
      %get3A_550 = tpu.vector_load %arg7[%get3A_549] {strides = array<i32>} : memref<384xf32, #tpu.memory_space<vmem>>, vector<16xf32>,
      %eq3A_551 = arith.constant 0 : i32
      %eq3A_552 = vector.broadcast %eq3A_551 : i32 to vector<16xi32>
      %eq3A_553 = arith.cmpi eq, %iota3A, %eq3A_552 : vector<16xi32>
      tpu.vector_store_idx %arg8[%get3A_548, %get3A_546], %get3A_550 masked %eq3A_553 {add = true} : memref<24x24xf32, #tpu.memory_space<vmem>>[vector<16xi32>, vector<16xi32>], vector<16xf32>, vector<16xi1>
      %eq3A_554 = arith.constant 1 : i32
      %eq3A_555 = vector.broadcast %eq3A_554 : i32 to vector<16xi32>
      %eq3A_556 = arith.cmpi eq, %iota3A, %eq3A_555 : vector<16xi32>
      tpu.vector_store_idx %arg8[%get3A_548, %get3A_546], %get3A_550 masked %eq3A_556 {add = true} : memref<24x24xf32, #tpu.memory_space<vmem>>[vector<16xi32>, vector<16xi32>], vector<16xf32>, vector<16xi1>
      %eq3A_557 = arith.constant 2 : i32
      %eq3A_558 = vector.broadcast %eq3A_557 : i32 to vector<16xi32>
      %eq3A_559 = arith.cmpi eq, %iota3A, %eq3A_558 : vector<16xi32>
      tpu.vector_store_idx %arg8[%get3A_548, %get3A_546], %get3A_550 masked %eq3A_559 {add = true} : memref<24x24xf32, #tpu.memory_space<vmem>>[vector<16xi32>, vector<16xi32>], vector<16xf32>, vector<16xi1>
      %eq3A_560 = arith.constant 3 : i32
      %eq3A_561 = vector.broadcast %eq3A_560 : i32 to vector<16xi32>
      %eq3A_562 = arith.cmpi eq, %iota3A, %eq3A_561 : vector<16xi32>
      tpu.vector_store_idx %arg8[%get3A_548, %get3A_546], %get3A_550 masked %eq3A_562 {add = true} : memref<24x24xf32, #tpu.memory_space<vmem>>[vector<16xi32>, vector<16xi32>], vector<16xf32>, vector<16xi1>
      %eq3A_563 = arith.constant 4 : i32
      %eq3A_564 = vector.broadcast %eq3A_563 : i32 to vector<16xi32>
      %eq3A_565 = arith.cmpi eq, %iota3A, %eq3A_564 : vector<16xi32>
      tpu.vector_store_idx %arg8[%get3A_548, %get3A_546], %get3A_550 masked %eq3A_565 {add = true} : memref<24x24xf32, #tpu.memory_space<vmem>>[vector<16xi32>, vector<16xi32>], vector<16xf32>, vector<16xi1>
      %eq3A_566 = arith.constant 5 : i32
      %eq3A_567 = vector.broadcast %eq3A_566 : i32 to vector<16xi32>
      %eq3A_568 = arith.cmpi eq, %iota3A, %eq3A_567 : vector<16xi32>
      tpu.vector_store_idx %arg8[%get3A_548, %get3A_546], %get3A_550 masked %eq3A_568 {add = true} : memref<24x24xf32, #tpu.memory_space<vmem>>[vector<16xi32>, vector<16xi32>], vector<16xf32>, vector<16xi1>
      %eq3A_569 = arith.constant 6 : i32
      %eq3A_570 = vector.broadcast %eq3A_569 : i32 to vector<16xi32>
      %eq3A_571 = arith.cmpi eq, %iota3A, %eq3A_570 : vector<16xi32>
      tpu.vector_store_idx %arg8[%get3A_548, %get3A_546], %get3A_550 masked %eq3A_571 {add = true} : memref<24x24xf32, #tpu.memory_space<vmem>>[vector<16xi32>, vector<16xi32>], vector<16xf32>, vector<16xi1>
      %eq3A_572 = arith.constant 7 : i32
      %eq3A_573 = vector.broadcast %eq3A_572 : i32 to vector<16xi32>
      %eq3A_574 = arith.cmpi eq, %iota3A, %eq3A_573 : vector<16xi32>
      tpu.vector_store_idx %arg8[%get3A_548, %get3A_546], %get3A_550 masked %eq3A_574 {add = true} : memref<24x24xf32, #tpu.memory_space<vmem>>[vector<16xi32>, vector<16xi32>], vector<16xf32>, vector<16xi1>
      %eq3A_575 = arith.constant 8 : i32
      %eq3A_576 = vector.broadcast %eq3A_575 : i32 to vector<16xi32>
      %eq3A_577 = arith.cmpi eq, %iota3A, %eq3A_576 : vector<16xi32>
      tpu.vector_store_idx %arg8[%get3A_548, %get3A_546], %get3A_550 masked %eq3A_577 {add = true} : memref<24x24xf32, #tpu.memory_space<vmem>>[vector<16xi32>, vector<16xi32>], vector<16xf32>, vector<16xi1>
      %eq3A_578 = arith.constant 9 : i32
      %eq3A_579 = vector.broadcast %eq3A_578 : i32 to vector<16xi32>
      %eq3A_580 = arith.cmpi eq, %iota3A, %eq3A_579 : vector<16xi32>
      tpu.vector_store_idx %arg8[%get3A_548, %get3A_546], %get3A_550 masked %eq3A_580 {add = true} : memref<24x24xf32, #tpu.memory_space<vmem>>[vector<16xi32>, vector<16xi32>], vector<16xf32>, vector<16xi1>
      %eq3A_581 = arith.constant 10 : i32
      %eq3A_582 = vector.broadcast %eq3A_581 : i32 to vector<16xi32>
      %eq3A_583 = arith.cmpi eq, %iota3A, %eq3A_582 : vector<16xi32>
      tpu.vector_store_idx %arg8[%get3A_548, %get3A_546], %get3A_550 masked %eq3A_583 {add = true} : memref<24x24xf32, #tpu.memory_space<vmem>>[vector<16xi32>, vector<16xi32>], vector<16xf32>, vector<16xi1>
      %eq3A_584 = arith.constant 11 : i32
      %eq3A_585 = vector.broadcast %eq3A_584 : i32 to vector<16xi32>
      %eq3A_586 = arith.cmpi eq, %iota3A, %eq3A_585 : vector<16xi32>
      tpu.vector_store_idx %arg8[%get3A_548, %get3A_546], %get3A_550 masked %eq3A_586 {add = true} : memref<24x24xf32, #tpu.memory_space<vmem>>[vector<16xi32>, vector<16xi32>], vector<16xf32>, vector<16xi1>
      %eq3A_587 = arith.constant 12 : i32
      %eq3A_588 = vector.broadcast %eq3A_587 : i32 to vector<16xi32>
      %eq3A_589 = arith.cmpi eq, %iota3A, %eq3A_588 : vector<16xi32>
      tpu.vector_store_idx %arg8[%get3A_548, %get3A_546], %get3A_550 masked %eq3A_589 {add = true} : memref<24x24xf32, #tpu.memory_space<vmem>>[vector<16xi32>, vector<16xi32>], vector<16xf32>, vector<16xi1>
      %eq3A_590 = arith.constant 13 : i32
      %eq3A_591 = vector.broadcast %eq3A_590 : i32 to vector<16xi32>
      %eq3A_592 = arith.cmpi eq, %iota3A, %eq3A_591 : vector<16xi32>
      tpu.vector_store_idx %arg8[%get3A_548, %get3A_546], %get3A_550 masked %eq3A_592 {add = true} : memref<24x24xf32, #tpu.memory_space<vmem>>[vector<16xi32>, vector<16xi32>], vector<16xf32>, vector<16xi1>
      %eq3A_593 = arith.constant 14 : i32
      %eq3A_594 = vector.broadcast %eq3A_593 : i32 to vector<16xi32>
      %eq3A_595 = arith.cmpi eq, %iota3A, %eq3A_594 : vector<16xi32>
      tpu.vector_store_idx %arg8[%get3A_548, %get3A_546], %get3A_550 masked %eq3A_595 {add = true} : memref<24x24xf32, #tpu.memory_space<vmem>>[vector<16xi32>, vector<16xi32>], vector<16xf32>, vector<16xi1>
      %eq3A_596 = arith.constant 15 : i32
      %eq3A_597 = vector.broadcast %eq3A_596 : i32 to vector<16xi32>
      %eq3A_598 = arith.cmpi eq, %iota3A, %eq3A_597 : vector<16xi32>
      tpu.vector_store_idx %arg8[%get3A_548, %get3A_546], %get3A_550 masked %eq3A_598 {add = true} : memref<24x24xf32, #tpu.memory_space<vmem>>[vector<16xi32>, vector<16xi32>], vector<16xf32>, vector<16xi1>
      %get3A_599 = arith.constant 112 : index
      %get3A_600 = tpu.vector_load %arg5[%get3A_599] {strides = array<i32>} : memref<384xi32, #tpu.memory_space<vmem>>, vector<16xi32>,
      %get3A_601 = arith.constant 112 : index
      %get3A_602 = tpu.vector_load %arg6[%get3A_601] {strides = array<i32>} : memref<384xi32, #tpu.memory_space<vmem>>, vector<16xi32>,
      %get3A_603 = arith.constant 112 : index
      %get3A_604 = tpu.vector_load %arg7[%get3A_603] {strides = array<i32>} : memref<384xf32, #tpu.memory_space<vmem>>, vector<16xf32>,
      %eq3A_605 = arith.constant 0 : i32
      %eq3A_606 = vector.broadcast %eq3A_605 : i32 to vector<16xi32>
      %eq3A_607 = arith.cmpi eq, %iota3A, %eq3A_606 : vector<16xi32>
      tpu.vector_store_idx %arg8[%get3A_602, %get3A_600], %get3A_604 masked %eq3A_607 {add = true} : memref<24x24xf32, #tpu.memory_space<vmem>>[vector<16xi32>, vector<16xi32>], vector<16xf32>, vector<16xi1>
      %eq3A_608 = arith.constant 1 : i32
      %eq3A_609 = vector.broadcast %eq3A_608 : i32 to vector<16xi32>
      %eq3A_610 = arith.cmpi eq, %iota3A, %eq3A_609 : vector<16xi32>
      tpu.vector_store_idx %arg8[%get3A_602, %get3A_600], %get3A_604 masked %eq3A_610 {add = true} : memref<24x24xf32, #tpu.memory_space<vmem>>[vector<16xi32>, vector<16xi32>], vector<16xf32>, vector<16xi1>
      %eq3A_611 = arith.constant 2 : i32
      %eq3A_612 = vector.broadcast %eq3A_611 : i32 to vector<16xi32>
      %eq3A_613 = arith.cmpi eq, %iota3A, %eq3A_612 : vector<16xi32>
      tpu.vector_store_idx %arg8[%get3A_602, %get3A_600], %get3A_604 masked %eq3A_613 {add = true} : memref<24x24xf32, #tpu.memory_space<vmem>>[vector<16xi32>, vector<16xi32>], vector<16xf32>, vector<16xi1>
      %eq3A_614 = arith.constant 3 : i32
      %eq3A_615 = vector.broadcast %eq3A_614 : i32 to vector<16xi32>
      %eq3A_616 = arith.cmpi eq, %iota3A, %eq3A_615 : vector<16xi32>
      tpu.vector_store_idx %arg8[%get3A_602, %get3A_600], %get3A_604 masked %eq3A_616 {add = true} : memref<24x24xf32, #tpu.memory_space<vmem>>[vector<16xi32>, vector<16xi32>], vector<16xf32>, vector<16xi1>
      %eq3A_617 = arith.constant 4 : i32
      %eq3A_618 = vector.broadcast %eq3A_617 : i32 to vector<16xi32>
      %eq3A_619 = arith.cmpi eq, %iota3A, %eq3A_618 : vector<16xi32>
      tpu.vector_store_idx %arg8[%get3A_602, %get3A_600], %get3A_604 masked %eq3A_619 {add = true} : memref<24x24xf32, #tpu.memory_space<vmem>>[vector<16xi32>, vector<16xi32>], vector<16xf32>, vector<16xi1>
      %eq3A_620 = arith.constant 5 : i32
      %eq3A_621 = vector.broadcast %eq3A_620 : i32 to vector<16xi32>
      %eq3A_622 = arith.cmpi eq, %iota3A, %eq3A_621 : vector<16xi32>
      tpu.vector_store_idx %arg8[%get3A_602, %get3A_600], %get3A_604 masked %eq3A_622 {add = true} : memref<24x24xf32, #tpu.memory_space<vmem>>[vector<16xi32>, vector<16xi32>], vector<16xf32>, vector<16xi1>
      %eq3A_623 = arith.constant 6 : i32
      %eq3A_624 = vector.broadcast %eq3A_623 : i32 to vector<16xi32>
      %eq3A_625 = arith.cmpi eq, %iota3A, %eq3A_624 : vector<16xi32>
      tpu.vector_store_idx %arg8[%get3A_602, %get3A_600], %get3A_604 masked %eq3A_625 {add = true} : memref<24x24xf32, #tpu.memory_space<vmem>>[vector<16xi32>, vector<16xi32>], vector<16xf32>, vector<16xi1>
      %eq3A_626 = arith.constant 7 : i32
      %eq3A_627 = vector.broadcast %eq3A_626 : i32 to vector<16xi32>
      %eq3A_628 = arith.cmpi eq, %iota3A, %eq3A_627 : vector<16xi32>
      tpu.vector_store_idx %arg8[%get3A_602, %get3A_600], %get3A_604 masked %eq3A_628 {add = true} : memref<24x24xf32, #tpu.memory_space<vmem>>[vector<16xi32>, vector<16xi32>], vector<16xf32>, vector<16xi1>
      %eq3A_629 = arith.constant 8 : i32
      %eq3A_630 = vector.broadcast %eq3A_629 : i32 to vector<16xi32>
      %eq3A_631 = arith.cmpi eq, %iota3A, %eq3A_630 : vector<16xi32>
      tpu.vector_store_idx %arg8[%get3A_602, %get3A_600], %get3A_604 masked %eq3A_631 {add = true} : memref<24x24xf32, #tpu.memory_space<vmem>>[vector<16xi32>, vector<16xi32>], vector<16xf32>, vector<16xi1>
      %eq3A_632 = arith.constant 9 : i32
      %eq3A_633 = vector.broadcast %eq3A_632 : i32 to vector<16xi32>
      %eq3A_634 = arith.cmpi eq, %iota3A, %eq3A_633 : vector<16xi32>
      tpu.vector_store_idx %arg8[%get3A_602, %get3A_600], %get3A_604 masked %eq3A_634 {add = true} : memref<24x24xf32, #tpu.memory_space<vmem>>[vector<16xi32>, vector<16xi32>], vector<16xf32>, vector<16xi1>
      %eq3A_635 = arith.constant 10 : i32
      %eq3A_636 = vector.broadcast %eq3A_635 : i32 to vector<16xi32>
      %eq3A_637 = arith.cmpi eq, %iota3A, %eq3A_636 : vector<16xi32>
      tpu.vector_store_idx %arg8[%get3A_602, %get3A_600], %get3A_604 masked %eq3A_637 {add = true} : memref<24x24xf32, #tpu.memory_space<vmem>>[vector<16xi32>, vector<16xi32>], vector<16xf32>, vector<16xi1>
      %eq3A_638 = arith.constant 11 : i32
      %eq3A_639 = vector.broadcast %eq3A_638 : i32 to vector<16xi32>
      %eq3A_640 = arith.cmpi eq, %iota3A, %eq3A_639 : vector<16xi32>
      tpu.vector_store_idx %arg8[%get3A_602, %get3A_600], %get3A_604 masked %eq3A_640 {add = true} : memref<24x24xf32, #tpu.memory_space<vmem>>[vector<16xi32>, vector<16xi32>], vector<16xf32>, vector<16xi1>
      %eq3A_641 = arith.constant 12 : i32
      %eq3A_642 = vector.broadcast %eq3A_641 : i32 to vector<16xi32>
      %eq3A_643 = arith.cmpi eq, %iota3A, %eq3A_642 : vector<16xi32>
      tpu.vector_store_idx %arg8[%get3A_602, %get3A_600], %get3A_604 masked %eq3A_643 {add = true} : memref<24x24xf32, #tpu.memory_space<vmem>>[vector<16xi32>, vector<16xi32>], vector<16xf32>, vector<16xi1>
      %eq3A_644 = arith.constant 13 : i32
      %eq3A_645 = vector.broadcast %eq3A_644 : i32 to vector<16xi32>
      %eq3A_646 = arith.cmpi eq, %iota3A, %eq3A_645 : vector<16xi32>
      tpu.vector_store_idx %arg8[%get3A_602, %get3A_600], %get3A_604 masked %eq3A_646 {add = true} : memref<24x24xf32, #tpu.memory_space<vmem>>[vector<16xi32>, vector<16xi32>], vector<16xf32>, vector<16xi1>
      %eq3A_647 = arith.constant 14 : i32
      %eq3A_648 = vector.broadcast %eq3A_647 : i32 to vector<16xi32>
      %eq3A_649 = arith.cmpi eq, %iota3A, %eq3A_648 : vector<16xi32>
      tpu.vector_store_idx %arg8[%get3A_602, %get3A_600], %get3A_604 masked %eq3A_649 {add = true} : memref<24x24xf32, #tpu.memory_space<vmem>>[vector<16xi32>, vector<16xi32>], vector<16xf32>, vector<16xi1>
      %eq3A_650 = arith.constant 15 : i32
      %eq3A_651 = vector.broadcast %eq3A_650 : i32 to vector<16xi32>
      %eq3A_652 = arith.cmpi eq, %iota3A, %eq3A_651 : vector<16xi32>
      tpu.vector_store_idx %arg8[%get3A_602, %get3A_600], %get3A_604 masked %eq3A_652 {add = true} : memref<24x24xf32, #tpu.memory_space<vmem>>[vector<16xi32>, vector<16xi32>], vector<16xf32>, vector<16xi1>
      %get3A_653 = arith.constant 128 : index
      %get3A_654 = tpu.vector_load %arg5[%get3A_653] {strides = array<i32>} : memref<384xi32, #tpu.memory_space<vmem>>, vector<16xi32>,
      %get3A_655 = arith.constant 128 : index
      %get3A_656 = tpu.vector_load %arg6[%get3A_655] {strides = array<i32>} : memref<384xi32, #tpu.memory_space<vmem>>, vector<16xi32>,
      %get3A_657 = arith.constant 128 : index
      %get3A_658 = tpu.vector_load %arg7[%get3A_657] {strides = array<i32>} : memref<384xf32, #tpu.memory_space<vmem>>, vector<16xf32>,
      %eq3A_659 = arith.constant 0 : i32
      %eq3A_660 = vector.broadcast %eq3A_659 : i32 to vector<16xi32>
      %eq3A_661 = arith.cmpi eq, %iota3A, %eq3A_660 : vector<16xi32>
      tpu.vector_store_idx %arg8[%get3A_656, %get3A_654], %get3A_658 masked %eq3A_661 {add = true} : memref<24x24xf32, #tpu.memory_space<vmem>>[vector<16xi32>, vector<16xi32>], vector<16xf32>, vector<16xi1>
      %eq3A_662 = arith.constant 1 : i32
      %eq3A_663 = vector.broadcast %eq3A_662 : i32 to vector<16xi32>
      %eq3A_664 = arith.cmpi eq, %iota3A, %eq3A_663 : vector<16xi32>
      tpu.vector_store_idx %arg8[%get3A_656, %get3A_654], %get3A_658 masked %eq3A_664 {add = true} : memref<24x24xf32, #tpu.memory_space<vmem>>[vector<16xi32>, vector<16xi32>], vector<16xf32>, vector<16xi1>
      %eq3A_665 = arith.constant 2 : i32
      %eq3A_666 = vector.broadcast %eq3A_665 : i32 to vector<16xi32>
      %eq3A_667 = arith.cmpi eq, %iota3A, %eq3A_666 : vector<16xi32>
      tpu.vector_store_idx %arg8[%get3A_656, %get3A_654], %get3A_658 masked %eq3A_667 {add = true} : memref<24x24xf32, #tpu.memory_space<vmem>>[vector<16xi32>, vector<16xi32>], vector<16xf32>, vector<16xi1>
      %eq3A_668 = arith.constant 3 : i32
      %eq3A_669 = vector.broadcast %eq3A_668 : i32 to vector<16xi32>
      %eq3A_670 = arith.cmpi eq, %iota3A, %eq3A_669 : vector<16xi32>
      tpu.vector_store_idx %arg8[%get3A_656, %get3A_654], %get3A_658 masked %eq3A_670 {add = true} : memref<24x24xf32, #tpu.memory_space<vmem>>[vector<16xi32>, vector<16xi32>], vector<16xf32>, vector<16xi1>
      %eq3A_671 = arith.constant 4 : i32
      %eq3A_672 = vector.broadcast %eq3A_671 : i32 to vector<16xi32>
      %eq3A_673 = arith.cmpi eq, %iota3A, %eq3A_672 : vector<16xi32>
      tpu.vector_store_idx %arg8[%get3A_656, %get3A_654], %get3A_658 masked %eq3A_673 {add = true} : memref<24x24xf32, #tpu.memory_space<vmem>>[vector<16xi32>, vector<16xi32>], vector<16xf32>, vector<16xi1>
      %eq3A_674 = arith.constant 5 : i32
      %eq3A_675 = vector.broadcast %eq3A_674 : i32 to vector<16xi32>
      %eq3A_676 = arith.cmpi eq, %iota3A, %eq3A_675 : vector<16xi32>
      tpu.vector_store_idx %arg8[%get3A_656, %get3A_654], %get3A_658 masked %eq3A_676 {add = true} : memref<24x24xf32, #tpu.memory_space<vmem>>[vector<16xi32>, vector<16xi32>], vector<16xf32>, vector<16xi1>
      %eq3A_677 = arith.constant 6 : i32
      %eq3A_678 = vector.broadcast %eq3A_677 : i32 to vector<16xi32>
      %eq3A_679 = arith.cmpi eq, %iota3A, %eq3A_678 : vector<16xi32>
      tpu.vector_store_idx %arg8[%get3A_656, %get3A_654], %get3A_658 masked %eq3A_679 {add = true} : memref<24x24xf32, #tpu.memory_space<vmem>>[vector<16xi32>, vector<16xi32>], vector<16xf32>, vector<16xi1>
      %eq3A_680 = arith.constant 7 : i32
      %eq3A_681 = vector.broadcast %eq3A_680 : i32 to vector<16xi32>
      %eq3A_682 = arith.cmpi eq, %iota3A, %eq3A_681 : vector<16xi32>
      tpu.vector_store_idx %arg8[%get3A_656, %get3A_654], %get3A_658 masked %eq3A_682 {add = true} : memref<24x24xf32, #tpu.memory_space<vmem>>[vector<16xi32>, vector<16xi32>], vector<16xf32>, vector<16xi1>
      %eq3A_683 = arith.constant 8 : i32
      %eq3A_684 = vector.broadcast %eq3A_683 : i32 to vector<16xi32>
      %eq3A_685 = arith.cmpi eq, %iota3A, %eq3A_684 : vector<16xi32>
      tpu.vector_store_idx %arg8[%get3A_656, %get3A_654], %get3A_658 masked %eq3A_685 {add = true} : memref<24x24xf32, #tpu.memory_space<vmem>>[vector<16xi32>, vector<16xi32>], vector<16xf32>, vector<16xi1>
      %eq3A_686 = arith.constant 9 : i32
      %eq3A_687 = vector.broadcast %eq3A_686 : i32 to vector<16xi32>
      %eq3A_688 = arith.cmpi eq, %iota3A, %eq3A_687 : vector<16xi32>
      tpu.vector_store_idx %arg8[%get3A_656, %get3A_654], %get3A_658 masked %eq3A_688 {add = true} : memref<24x24xf32, #tpu.memory_space<vmem>>[vector<16xi32>, vector<16xi32>], vector<16xf32>, vector<16xi1>
      %eq3A_689 = arith.constant 10 : i32
      %eq3A_690 = vector.broadcast %eq3A_689 : i32 to vector<16xi32>
      %eq3A_691 = arith.cmpi eq, %iota3A, %eq3A_690 : vector<16xi32>
      tpu.vector_store_idx %arg8[%get3A_656, %get3A_654], %get3A_658 masked %eq3A_691 {add = true} : memref<24x24xf32, #tpu.memory_space<vmem>>[vector<16xi32>, vector<16xi32>], vector<16xf32>, vector<16xi1>
      %eq3A_692 = arith.constant 11 : i32
      %eq3A_693 = vector.broadcast %eq3A_692 : i32 to vector<16xi32>
      %eq3A_694 = arith.cmpi eq, %iota3A, %eq3A_693 : vector<16xi32>
      tpu.vector_store_idx %arg8[%get3A_656, %get3A_654], %get3A_658 masked %eq3A_694 {add = true} : memref<24x24xf32, #tpu.memory_space<vmem>>[vector<16xi32>, vector<16xi32>], vector<16xf32>, vector<16xi1>
      %eq3A_695 = arith.constant 12 : i32
      %eq3A_696 = vector.broadcast %eq3A_695 : i32 to vector<16xi32>
      %eq3A_697 = arith.cmpi eq, %iota3A, %eq3A_696 : vector<16xi32>
      tpu.vector_store_idx %arg8[%get3A_656, %get3A_654], %get3A_658 masked %eq3A_697 {add = true} : memref<24x24xf32, #tpu.memory_space<vmem>>[vector<16xi32>, vector<16xi32>], vector<16xf32>, vector<16xi1>
      %eq3A_698 = arith.constant 13 : i32
      %eq3A_699 = vector.broadcast %eq3A_698 : i32 to vector<16xi32>
      %eq3A_700 = arith.cmpi eq, %iota3A, %eq3A_699 : vector<16xi32>
      tpu.vector_store_idx %arg8[%get3A_656, %get3A_654], %get3A_658 masked %eq3A_700 {add = true} : memref<24x24xf32, #tpu.memory_space<vmem>>[vector<16xi32>, vector<16xi32>], vector<16xf32>, vector<16xi1>
      %eq3A_701 = arith.constant 14 : i32
      %eq3A_702 = vector.broadcast %eq3A_701 : i32 to vector<16xi32>
      %eq3A_703 = arith.cmpi eq, %iota3A, %eq3A_702 : vector<16xi32>
      tpu.vector_store_idx %arg8[%get3A_656, %get3A_654], %get3A_658 masked %eq3A_703 {add = true} : memref<24x24xf32, #tpu.memory_space<vmem>>[vector<16xi32>, vector<16xi32>], vector<16xf32>, vector<16xi1>
      %eq3A_704 = arith.constant 15 : i32
      %eq3A_705 = vector.broadcast %eq3A_704 : i32 to vector<16xi32>
      %eq3A_706 = arith.cmpi eq, %iota3A, %eq3A_705 : vector<16xi32>
      tpu.vector_store_idx %arg8[%get3A_656, %get3A_654], %get3A_658 masked %eq3A_706 {add = true} : memref<24x24xf32, #tpu.memory_space<vmem>>[vector<16xi32>, vector<16xi32>], vector<16xf32>, vector<16xi1>
      %get3A_707 = arith.constant 144 : index
      %get3A_708 = tpu.vector_load %arg5[%get3A_707] {strides = array<i32>} : memref<384xi32, #tpu.memory_space<vmem>>, vector<16xi32>,
      %get3A_709 = arith.constant 144 : index
      %get3A_710 = tpu.vector_load %arg6[%get3A_709] {strides = array<i32>} : memref<384xi32, #tpu.memory_space<vmem>>, vector<16xi32>,
      %get3A_711 = arith.constant 144 : index
      %get3A_712 = tpu.vector_load %arg7[%get3A_711] {strides = array<i32>} : memref<384xf32, #tpu.memory_space<vmem>>, vector<16xf32>,
      %eq3A_713 = arith.constant 0 : i32
      %eq3A_714 = vector.broadcast %eq3A_713 : i32 to vector<16xi32>
      %eq3A_715 = arith.cmpi eq, %iota3A, %eq3A_714 : vector<16xi32>
      tpu.vector_store_idx %arg8[%get3A_710, %get3A_708], %get3A_712 masked %eq3A_715 {add = true} : memref<24x24xf32, #tpu.memory_space<vmem>>[vector<16xi32>, vector<16xi32>], vector<16xf32>, vector<16xi1>
      %eq3A_716 = arith.constant 1 : i32
      %eq3A_717 = vector.broadcast %eq3A_716 : i32 to vector<16xi32>
      %eq3A_718 = arith.cmpi eq, %iota3A, %eq3A_717 : vector<16xi32>
      tpu.vector_store_idx %arg8[%get3A_710, %get3A_708], %get3A_712 masked %eq3A_718 {add = true} : memref<24x24xf32, #tpu.memory_space<vmem>>[vector<16xi32>, vector<16xi32>], vector<16xf32>, vector<16xi1>
      %eq3A_719 = arith.constant 2 : i32
      %eq3A_720 = vector.broadcast %eq3A_719 : i32 to vector<16xi32>
      %eq3A_721 = arith.cmpi eq, %iota3A, %eq3A_720 : vector<16xi32>
      tpu.vector_store_idx %arg8[%get3A_710, %get3A_708], %get3A_712 masked %eq3A_721 {add = true} : memref<24x24xf32, #tpu.memory_space<vmem>>[vector<16xi32>, vector<16xi32>], vector<16xf32>, vector<16xi1>
      %eq3A_722 = arith.constant 3 : i32
      %eq3A_723 = vector.broadcast %eq3A_722 : i32 to vector<16xi32>
      %eq3A_724 = arith.cmpi eq, %iota3A, %eq3A_723 : vector<16xi32>
      tpu.vector_store_idx %arg8[%get3A_710, %get3A_708], %get3A_712 masked %eq3A_724 {add = true} : memref<24x24xf32, #tpu.memory_space<vmem>>[vector<16xi32>, vector<16xi32>], vector<16xf32>, vector<16xi1>
      %eq3A_725 = arith.constant 4 : i32
      %eq3A_726 = vector.broadcast %eq3A_725 : i32 to vector<16xi32>
      %eq3A_727 = arith.cmpi eq, %iota3A, %eq3A_726 : vector<16xi32>
      tpu.vector_store_idx %arg8[%get3A_710, %get3A_708], %get3A_712 masked %eq3A_727 {add = true} : memref<24x24xf32, #tpu.memory_space<vmem>>[vector<16xi32>, vector<16xi32>], vector<16xf32>, vector<16xi1>
      %eq3A_728 = arith.constant 5 : i32
      %eq3A_729 = vector.broadcast %eq3A_728 : i32 to vector<16xi32>
      %eq3A_730 = arith.cmpi eq, %iota3A, %eq3A_729 : vector<16xi32>
      tpu.vector_store_idx %arg8[%get3A_710, %get3A_708], %get3A_712 masked %eq3A_730 {add = true} : memref<24x24xf32, #tpu.memory_space<vmem>>[vector<16xi32>, vector<16xi32>], vector<16xf32>, vector<16xi1>
      %eq3A_731 = arith.constant 6 : i32
      %eq3A_732 = vector.broadcast %eq3A_731 : i32 to vector<16xi32>
      %eq3A_733 = arith.cmpi eq, %iota3A, %eq3A_732 : vector<16xi32>
      tpu.vector_store_idx %arg8[%get3A_710, %get3A_708], %get3A_712 masked %eq3A_733 {add = true} : memref<24x24xf32, #tpu.memory_space<vmem>>[vector<16xi32>, vector<16xi32>], vector<16xf32>, vector<16xi1>
      %eq3A_734 = arith.constant 7 : i32
      %eq3A_735 = vector.broadcast %eq3A_734 : i32 to vector<16xi32>
      %eq3A_736 = arith.cmpi eq, %iota3A, %eq3A_735 : vector<16xi32>
      tpu.vector_store_idx %arg8[%get3A_710, %get3A_708], %get3A_712 masked %eq3A_736 {add = true} : memref<24x24xf32, #tpu.memory_space<vmem>>[vector<16xi32>, vector<16xi32>], vector<16xf32>, vector<16xi1>
      %eq3A_737 = arith.constant 8 : i32
      %eq3A_738 = vector.broadcast %eq3A_737 : i32 to vector<16xi32>
      %eq3A_739 = arith.cmpi eq, %iota3A, %eq3A_738 : vector<16xi32>
      tpu.vector_store_idx %arg8[%get3A_710, %get3A_708], %get3A_712 masked %eq3A_739 {add = true} : memref<24x24xf32, #tpu.memory_space<vmem>>[vector<16xi32>, vector<16xi32>], vector<16xf32>, vector<16xi1>
      %eq3A_740 = arith.constant 9 : i32
      %eq3A_741 = vector.broadcast %eq3A_740 : i32 to vector<16xi32>
      %eq3A_742 = arith.cmpi eq, %iota3A, %eq3A_741 : vector<16xi32>
      tpu.vector_store_idx %arg8[%get3A_710, %get3A_708], %get3A_712 masked %eq3A_742 {add = true} : memref<24x24xf32, #tpu.memory_space<vmem>>[vector<16xi32>, vector<16xi32>], vector<16xf32>, vector<16xi1>
      %eq3A_743 = arith.constant 10 : i32
      %eq3A_744 = vector.broadcast %eq3A_743 : i32 to vector<16xi32>
      %eq3A_745 = arith.cmpi eq, %iota3A, %eq3A_744 : vector<16xi32>
      tpu.vector_store_idx %arg8[%get3A_710, %get3A_708], %get3A_712 masked %eq3A_745 {add = true} : memref<24x24xf32, #tpu.memory_space<vmem>>[vector<16xi32>, vector<16xi32>], vector<16xf32>, vector<16xi1>
      %eq3A_746 = arith.constant 11 : i32
      %eq3A_747 = vector.broadcast %eq3A_746 : i32 to vector<16xi32>
      %eq3A_748 = arith.cmpi eq, %iota3A, %eq3A_747 : vector<16xi32>
      tpu.vector_store_idx %arg8[%get3A_710, %get3A_708], %get3A_712 masked %eq3A_748 {add = true} : memref<24x24xf32, #tpu.memory_space<vmem>>[vector<16xi32>, vector<16xi32>], vector<16xf32>, vector<16xi1>
      %eq3A_749 = arith.constant 12 : i32
      %eq3A_750 = vector.broadcast %eq3A_749 : i32 to vector<16xi32>
      %eq3A_751 = arith.cmpi eq, %iota3A, %eq3A_750 : vector<16xi32>
      tpu.vector_store_idx %arg8[%get3A_710, %get3A_708], %get3A_712 masked %eq3A_751 {add = true} : memref<24x24xf32, #tpu.memory_space<vmem>>[vector<16xi32>, vector<16xi32>], vector<16xf32>, vector<16xi1>
      %eq3A_752 = arith.constant 13 : i32
      %eq3A_753 = vector.broadcast %eq3A_752 : i32 to vector<16xi32>
      %eq3A_754 = arith.cmpi eq, %iota3A, %eq3A_753 : vector<16xi32>
      tpu.vector_store_idx %arg8[%get3A_710, %get3A_708], %get3A_712 masked %eq3A_754 {add = true} : memref<24x24xf32, #tpu.memory_space<vmem>>[vector<16xi32>, vector<16xi32>], vector<16xf32>, vector<16xi1>
      %eq3A_755 = arith.constant 14 : i32
      %eq3A_756 = vector.broadcast %eq3A_755 : i32 to vector<16xi32>
      %eq3A_757 = arith.cmpi eq, %iota3A, %eq3A_756 : vector<16xi32>
      tpu.vector_store_idx %arg8[%get3A_710, %get3A_708], %get3A_712 masked %eq3A_757 {add = true} : memref<24x24xf32, #tpu.memory_space<vmem>>[vector<16xi32>, vector<16xi32>], vector<16xf32>, vector<16xi1>
      %eq3A_758 = arith.constant 15 : i32
      %eq3A_759 = vector.broadcast %eq3A_758 : i32 to vector<16xi32>
      %eq3A_760 = arith.cmpi eq, %iota3A, %eq3A_759 : vector<16xi32>
      tpu.vector_store_idx %arg8[%get3A_710, %get3A_708], %get3A_712 masked %eq3A_760 {add = true} : memref<24x24xf32, #tpu.memory_space<vmem>>[vector<16xi32>, vector<16xi32>], vector<16xf32>, vector<16xi1>
      %get3A_761 = arith.constant 160 : index
      %get3A_762 = tpu.vector_load %arg5[%get3A_761] {strides = array<i32>} : memref<384xi32, #tpu.memory_space<vmem>>, vector<16xi32>,
      %get3A_763 = arith.constant 160 : index
      %get3A_764 = tpu.vector_load %arg6[%get3A_763] {strides = array<i32>} : memref<384xi32, #tpu.memory_space<vmem>>, vector<16xi32>,
      %get3A_765 = arith.constant 160 : index
      %get3A_766 = tpu.vector_load %arg7[%get3A_765] {strides = array<i32>} : memref<384xf32, #tpu.memory_space<vmem>>, vector<16xf32>,
      %eq3A_767 = arith.constant 0 : i32
      %eq3A_768 = vector.broadcast %eq3A_767 : i32 to vector<16xi32>
      %eq3A_769 = arith.cmpi eq, %iota3A, %eq3A_768 : vector<16xi32>
      tpu.vector_store_idx %arg8[%get3A_764, %get3A_762], %get3A_766 masked %eq3A_769 {add = true} : memref<24x24xf32, #tpu.memory_space<vmem>>[vector<16xi32>, vector<16xi32>], vector<16xf32>, vector<16xi1>
      %eq3A_770 = arith.constant 1 : i32
      %eq3A_771 = vector.broadcast %eq3A_770 : i32 to vector<16xi32>
      %eq3A_772 = arith.cmpi eq, %iota3A, %eq3A_771 : vector<16xi32>
      tpu.vector_store_idx %arg8[%get3A_764, %get3A_762], %get3A_766 masked %eq3A_772 {add = true} : memref<24x24xf32, #tpu.memory_space<vmem>>[vector<16xi32>, vector<16xi32>], vector<16xf32>, vector<16xi1>
      %eq3A_773 = arith.constant 2 : i32
      %eq3A_774 = vector.broadcast %eq3A_773 : i32 to vector<16xi32>
      %eq3A_775 = arith.cmpi eq, %iota3A, %eq3A_774 : vector<16xi32>
      tpu.vector_store_idx %arg8[%get3A_764, %get3A_762], %get3A_766 masked %eq3A_775 {add = true} : memref<24x24xf32, #tpu.memory_space<vmem>>[vector<16xi32>, vector<16xi32>], vector<16xf32>, vector<16xi1>
      %eq3A_776 = arith.constant 3 : i32
      %eq3A_777 = vector.broadcast %eq3A_776 : i32 to vector<16xi32>
      %eq3A_778 = arith.cmpi eq, %iota3A, %eq3A_777 : vector<16xi32>
      tpu.vector_store_idx %arg8[%get3A_764, %get3A_762], %get3A_766 masked %eq3A_778 {add = true} : memref<24x24xf32, #tpu.memory_space<vmem>>[vector<16xi32>, vector<16xi32>], vector<16xf32>, vector<16xi1>
      %eq3A_779 = arith.constant 4 : i32
      %eq3A_780 = vector.broadcast %eq3A_779 : i32 to vector<16xi32>
      %eq3A_781 = arith.cmpi eq, %iota3A, %eq3A_780 : vector<16xi32>
      tpu.vector_store_idx %arg8[%get3A_764, %get3A_762], %get3A_766 masked %eq3A_781 {add = true} : memref<24x24xf32, #tpu.memory_space<vmem>>[vector<16xi32>, vector<16xi32>], vector<16xf32>, vector<16xi1>
      %eq3A_782 = arith.constant 5 : i32
      %eq3A_783 = vector.broadcast %eq3A_782 : i32 to vector<16xi32>
      %eq3A_784 = arith.cmpi eq, %iota3A, %eq3A_783 : vector<16xi32>
      tpu.vector_store_idx %arg8[%get3A_764, %get3A_762], %get3A_766 masked %eq3A_784 {add = true} : memref<24x24xf32, #tpu.memory_space<vmem>>[vector<16xi32>, vector<16xi32>], vector<16xf32>, vector<16xi1>
      %eq3A_785 = arith.constant 6 : i32
      %eq3A_786 = vector.broadcast %eq3A_785 : i32 to vector<16xi32>
      %eq3A_787 = arith.cmpi eq, %iota3A, %eq3A_786 : vector<16xi32>
      tpu.vector_store_idx %arg8[%get3A_764, %get3A_762], %get3A_766 masked %eq3A_787 {add = true} : memref<24x24xf32, #tpu.memory_space<vmem>>[vector<16xi32>, vector<16xi32>], vector<16xf32>, vector<16xi1>
      %eq3A_788 = arith.constant 7 : i32
      %eq3A_789 = vector.broadcast %eq3A_788 : i32 to vector<16xi32>
      %eq3A_790 = arith.cmpi eq, %iota3A, %eq3A_789 : vector<16xi32>
      tpu.vector_store_idx %arg8[%get3A_764, %get3A_762], %get3A_766 masked %eq3A_790 {add = true} : memref<24x24xf32, #tpu.memory_space<vmem>>[vector<16xi32>, vector<16xi32>], vector<16xf32>, vector<16xi1>
      %eq3A_791 = arith.constant 8 : i32
      %eq3A_792 = vector.broadcast %eq3A_791 : i32 to vector<16xi32>
      %eq3A_793 = arith.cmpi eq, %iota3A, %eq3A_792 : vector<16xi32>
      tpu.vector_store_idx %arg8[%get3A_764, %get3A_762], %get3A_766 masked %eq3A_793 {add = true} : memref<24x24xf32, #tpu.memory_space<vmem>>[vector<16xi32>, vector<16xi32>], vector<16xf32>, vector<16xi1>
      %eq3A_794 = arith.constant 9 : i32
      %eq3A_795 = vector.broadcast %eq3A_794 : i32 to vector<16xi32>
      %eq3A_796 = arith.cmpi eq, %iota3A, %eq3A_795 : vector<16xi32>
      tpu.vector_store_idx %arg8[%get3A_764, %get3A_762], %get3A_766 masked %eq3A_796 {add = true} : memref<24x24xf32, #tpu.memory_space<vmem>>[vector<16xi32>, vector<16xi32>], vector<16xf32>, vector<16xi1>
      %eq3A_797 = arith.constant 10 : i32
      %eq3A_798 = vector.broadcast %eq3A_797 : i32 to vector<16xi32>
      %eq3A_799 = arith.cmpi eq, %iota3A, %eq3A_798 : vector<16xi32>
      tpu.vector_store_idx %arg8[%get3A_764, %get3A_762], %get3A_766 masked %eq3A_799 {add = true} : memref<24x24xf32, #tpu.memory_space<vmem>>[vector<16xi32>, vector<16xi32>], vector<16xf32>, vector<16xi1>
      %eq3A_800 = arith.constant 11 : i32
      %eq3A_801 = vector.broadcast %eq3A_800 : i32 to vector<16xi32>
      %eq3A_802 = arith.cmpi eq, %iota3A, %eq3A_801 : vector<16xi32>
      tpu.vector_store_idx %arg8[%get3A_764, %get3A_762], %get3A_766 masked %eq3A_802 {add = true} : memref<24x24xf32, #tpu.memory_space<vmem>>[vector<16xi32>, vector<16xi32>], vector<16xf32>, vector<16xi1>
      %eq3A_803 = arith.constant 12 : i32
      %eq3A_804 = vector.broadcast %eq3A_803 : i32 to vector<16xi32>
      %eq3A_805 = arith.cmpi eq, %iota3A, %eq3A_804 : vector<16xi32>
      tpu.vector_store_idx %arg8[%get3A_764, %get3A_762], %get3A_766 masked %eq3A_805 {add = true} : memref<24x24xf32, #tpu.memory_space<vmem>>[vector<16xi32>, vector<16xi32>], vector<16xf32>, vector<16xi1>
      %eq3A_806 = arith.constant 13 : i32
      %eq3A_807 = vector.broadcast %eq3A_806 : i32 to vector<16xi32>
      %eq3A_808 = arith.cmpi eq, %iota3A, %eq3A_807 : vector<16xi32>
      tpu.vector_store_idx %arg8[%get3A_764, %get3A_762], %get3A_766 masked %eq3A_808 {add = true} : memref<24x24xf32, #tpu.memory_space<vmem>>[vector<16xi32>, vector<16xi32>], vector<16xf32>, vector<16xi1>
      %eq3A_809 = arith.constant 14 : i32
      %eq3A_810 = vector.broadcast %eq3A_809 : i32 to vector<16xi32>
      %eq3A_811 = arith.cmpi eq, %iota3A, %eq3A_810 : vector<16xi32>
      tpu.vector_store_idx %arg8[%get3A_764, %get3A_762], %get3A_766 masked %eq3A_811 {add = true} : memref<24x24xf32, #tpu.memory_space<vmem>>[vector<16xi32>, vector<16xi32>], vector<16xf32>, vector<16xi1>
      %eq3A_812 = arith.constant 15 : i32
      %eq3A_813 = vector.broadcast %eq3A_812 : i32 to vector<16xi32>
      %eq3A_814 = arith.cmpi eq, %iota3A, %eq3A_813 : vector<16xi32>
      tpu.vector_store_idx %arg8[%get3A_764, %get3A_762], %get3A_766 masked %eq3A_814 {add = true} : memref<24x24xf32, #tpu.memory_space<vmem>>[vector<16xi32>, vector<16xi32>], vector<16xf32>, vector<16xi1>
      %get3A_815 = arith.constant 176 : index
      %get3A_816 = tpu.vector_load %arg5[%get3A_815] {strides = array<i32>} : memref<384xi32, #tpu.memory_space<vmem>>, vector<16xi32>,
      %get3A_817 = arith.constant 176 : index
      %get3A_818 = tpu.vector_load %arg6[%get3A_817] {strides = array<i32>} : memref<384xi32, #tpu.memory_space<vmem>>, vector<16xi32>,
      %get3A_819 = arith.constant 176 : index
      %get3A_820 = tpu.vector_load %arg7[%get3A_819] {strides = array<i32>} : memref<384xf32, #tpu.memory_space<vmem>>, vector<16xf32>,
      %eq3A_821 = arith.constant 0 : i32
      %eq3A_822 = vector.broadcast %eq3A_821 : i32 to vector<16xi32>
      %eq3A_823 = arith.cmpi eq, %iota3A, %eq3A_822 : vector<16xi32>
      tpu.vector_store_idx %arg8[%get3A_818, %get3A_816], %get3A_820 masked %eq3A_823 {add = true} : memref<24x24xf32, #tpu.memory_space<vmem>>[vector<16xi32>, vector<16xi32>], vector<16xf32>, vector<16xi1>
      %eq3A_824 = arith.constant 1 : i32
      %eq3A_825 = vector.broadcast %eq3A_824 : i32 to vector<16xi32>
      %eq3A_826 = arith.cmpi eq, %iota3A, %eq3A_825 : vector<16xi32>
      tpu.vector_store_idx %arg8[%get3A_818, %get3A_816], %get3A_820 masked %eq3A_826 {add = true} : memref<24x24xf32, #tpu.memory_space<vmem>>[vector<16xi32>, vector<16xi32>], vector<16xf32>, vector<16xi1>
      %eq3A_827 = arith.constant 2 : i32
      %eq3A_828 = vector.broadcast %eq3A_827 : i32 to vector<16xi32>
      %eq3A_829 = arith.cmpi eq, %iota3A, %eq3A_828 : vector<16xi32>
      tpu.vector_store_idx %arg8[%get3A_818, %get3A_816], %get3A_820 masked %eq3A_829 {add = true} : memref<24x24xf32, #tpu.memory_space<vmem>>[vector<16xi32>, vector<16xi32>], vector<16xf32>, vector<16xi1>
      %eq3A_830 = arith.constant 3 : i32
      %eq3A_831 = vector.broadcast %eq3A_830 : i32 to vector<16xi32>
      %eq3A_832 = arith.cmpi eq, %iota3A, %eq3A_831 : vector<16xi32>
      tpu.vector_store_idx %arg8[%get3A_818, %get3A_816], %get3A_820 masked %eq3A_832 {add = true} : memref<24x24xf32, #tpu.memory_space<vmem>>[vector<16xi32>, vector<16xi32>], vector<16xf32>, vector<16xi1>
      %eq3A_833 = arith.constant 4 : i32
      %eq3A_834 = vector.broadcast %eq3A_833 : i32 to vector<16xi32>
      %eq3A_835 = arith.cmpi eq, %iota3A, %eq3A_834 : vector<16xi32>
      tpu.vector_store_idx %arg8[%get3A_818, %get3A_816], %get3A_820 masked %eq3A_835 {add = true} : memref<24x24xf32, #tpu.memory_space<vmem>>[vector<16xi32>, vector<16xi32>], vector<16xf32>, vector<16xi1>
      %eq3A_836 = arith.constant 5 : i32
      %eq3A_837 = vector.broadcast %eq3A_836 : i32 to vector<16xi32>
      %eq3A_838 = arith.cmpi eq, %iota3A, %eq3A_837 : vector<16xi32>
      tpu.vector_store_idx %arg8[%get3A_818, %get3A_816], %get3A_820 masked %eq3A_838 {add = true} : memref<24x24xf32, #tpu.memory_space<vmem>>[vector<16xi32>, vector<16xi32>], vector<16xf32>, vector<16xi1>
      %eq3A_839 = arith.constant 6 : i32
      %eq3A_840 = vector.broadcast %eq3A_839 : i32 to vector<16xi32>
      %eq3A_841 = arith.cmpi eq, %iota3A, %eq3A_840 : vector<16xi32>
      tpu.vector_store_idx %arg8[%get3A_818, %get3A_816], %get3A_820 masked %eq3A_841 {add = true} : memref<24x24xf32, #tpu.memory_space<vmem>>[vector<16xi32>, vector<16xi32>], vector<16xf32>, vector<16xi1>
      %eq3A_842 = arith.constant 7 : i32
      %eq3A_843 = vector.broadcast %eq3A_842 : i32 to vector<16xi32>
      %eq3A_844 = arith.cmpi eq, %iota3A, %eq3A_843 : vector<16xi32>
      tpu.vector_store_idx %arg8[%get3A_818, %get3A_816], %get3A_820 masked %eq3A_844 {add = true} : memref<24x24xf32, #tpu.memory_space<vmem>>[vector<16xi32>, vector<16xi32>], vector<16xf32>, vector<16xi1>
      %eq3A_845 = arith.constant 8 : i32
      %eq3A_846 = vector.broadcast %eq3A_845 : i32 to vector<16xi32>
      %eq3A_847 = arith.cmpi eq, %iota3A, %eq3A_846 : vector<16xi32>
      tpu.vector_store_idx %arg8[%get3A_818, %get3A_816], %get3A_820 masked %eq3A_847 {add = true} : memref<24x24xf32, #tpu.memory_space<vmem>>[vector<16xi32>, vector<16xi32>], vector<16xf32>, vector<16xi1>
      %eq3A_848 = arith.constant 9 : i32
      %eq3A_849 = vector.broadcast %eq3A_848 : i32 to vector<16xi32>
      %eq3A_850 = arith.cmpi eq, %iota3A, %eq3A_849 : vector<16xi32>
      tpu.vector_store_idx %arg8[%get3A_818, %get3A_816], %get3A_820 masked %eq3A_850 {add = true} : memref<24x24xf32, #tpu.memory_space<vmem>>[vector<16xi32>, vector<16xi32>], vector<16xf32>, vector<16xi1>
      %eq3A_851 = arith.constant 10 : i32
      %eq3A_852 = vector.broadcast %eq3A_851 : i32 to vector<16xi32>
      %eq3A_853 = arith.cmpi eq, %iota3A, %eq3A_852 : vector<16xi32>
      tpu.vector_store_idx %arg8[%get3A_818, %get3A_816], %get3A_820 masked %eq3A_853 {add = true} : memref<24x24xf32, #tpu.memory_space<vmem>>[vector<16xi32>, vector<16xi32>], vector<16xf32>, vector<16xi1>
      %eq3A_854 = arith.constant 11 : i32
      %eq3A_855 = vector.broadcast %eq3A_854 : i32 to vector<16xi32>
      %eq3A_856 = arith.cmpi eq, %iota3A, %eq3A_855 : vector<16xi32>
      tpu.vector_store_idx %arg8[%get3A_818, %get3A_816], %get3A_820 masked %eq3A_856 {add = true} : memref<24x24xf32, #tpu.memory_space<vmem>>[vector<16xi32>, vector<16xi32>], vector<16xf32>, vector<16xi1>
      %eq3A_857 = arith.constant 12 : i32
      %eq3A_858 = vector.broadcast %eq3A_857 : i32 to vector<16xi32>
      %eq3A_859 = arith.cmpi eq, %iota3A, %eq3A_858 : vector<16xi32>
      tpu.vector_store_idx %arg8[%get3A_818, %get3A_816], %get3A_820 masked %eq3A_859 {add = true} : memref<24x24xf32, #tpu.memory_space<vmem>>[vector<16xi32>, vector<16xi32>], vector<16xf32>, vector<16xi1>
      %eq3A_860 = arith.constant 13 : i32
      %eq3A_861 = vector.broadcast %eq3A_860 : i32 to vector<16xi32>
      %eq3A_862 = arith.cmpi eq, %iota3A, %eq3A_861 : vector<16xi32>
      tpu.vector_store_idx %arg8[%get3A_818, %get3A_816], %get3A_820 masked %eq3A_862 {add = true} : memref<24x24xf32, #tpu.memory_space<vmem>>[vector<16xi32>, vector<16xi32>], vector<16xf32>, vector<16xi1>
      %eq3A_863 = arith.constant 14 : i32
      %eq3A_864 = vector.broadcast %eq3A_863 : i32 to vector<16xi32>
      %eq3A_865 = arith.cmpi eq, %iota3A, %eq3A_864 : vector<16xi32>
      tpu.vector_store_idx %arg8[%get3A_818, %get3A_816], %get3A_820 masked %eq3A_865 {add = true} : memref<24x24xf32, #tpu.memory_space<vmem>>[vector<16xi32>, vector<16xi32>], vector<16xf32>, vector<16xi1>
      %eq3A_866 = arith.constant 15 : i32
      %eq3A_867 = vector.broadcast %eq3A_866 : i32 to vector<16xi32>
      %eq3A_868 = arith.cmpi eq, %iota3A, %eq3A_867 : vector<16xi32>
      tpu.vector_store_idx %arg8[%get3A_818, %get3A_816], %get3A_820 masked %eq3A_868 {add = true} : memref<24x24xf32, #tpu.memory_space<vmem>>[vector<16xi32>, vector<16xi32>], vector<16xf32>, vector<16xi1>
      %get3A_869 = arith.constant 192 : index
      %get3A_870 = tpu.vector_load %arg5[%get3A_869] {strides = array<i32>} : memref<384xi32, #tpu.memory_space<vmem>>, vector<16xi32>,
      %get3A_871 = arith.constant 192 : index
      %get3A_872 = tpu.vector_load %arg6[%get3A_871] {strides = array<i32>} : memref<384xi32, #tpu.memory_space<vmem>>, vector<16xi32>,
      %get3A_873 = arith.constant 192 : index
      %get3A_874 = tpu.vector_load %arg7[%get3A_873] {strides = array<i32>} : memref<384xf32, #tpu.memory_space<vmem>>, vector<16xf32>,
      %eq3A_875 = arith.constant 0 : i32
      %eq3A_876 = vector.broadcast %eq3A_875 : i32 to vector<16xi32>
      %eq3A_877 = arith.cmpi eq, %iota3A, %eq3A_876 : vector<16xi32>
      tpu.vector_store_idx %arg8[%get3A_872, %get3A_870], %get3A_874 masked %eq3A_877 {add = true} : memref<24x24xf32, #tpu.memory_space<vmem>>[vector<16xi32>, vector<16xi32>], vector<16xf32>, vector<16xi1>
      %eq3A_878 = arith.constant 1 : i32
      %eq3A_879 = vector.broadcast %eq3A_878 : i32 to vector<16xi32>
      %eq3A_880 = arith.cmpi eq, %iota3A, %eq3A_879 : vector<16xi32>
      tpu.vector_store_idx %arg8[%get3A_872, %get3A_870], %get3A_874 masked %eq3A_880 {add = true} : memref<24x24xf32, #tpu.memory_space<vmem>>[vector<16xi32>, vector<16xi32>], vector<16xf32>, vector<16xi1>
      %eq3A_881 = arith.constant 2 : i32
      %eq3A_882 = vector.broadcast %eq3A_881 : i32 to vector<16xi32>
      %eq3A_883 = arith.cmpi eq, %iota3A, %eq3A_882 : vector<16xi32>
      tpu.vector_store_idx %arg8[%get3A_872, %get3A_870], %get3A_874 masked %eq3A_883 {add = true} : memref<24x24xf32, #tpu.memory_space<vmem>>[vector<16xi32>, vector<16xi32>], vector<16xf32>, vector<16xi1>
      %eq3A_884 = arith.constant 3 : i32
      %eq3A_885 = vector.broadcast %eq3A_884 : i32 to vector<16xi32>
      %eq3A_886 = arith.cmpi eq, %iota3A, %eq3A_885 : vector<16xi32>
      tpu.vector_store_idx %arg8[%get3A_872, %get3A_870], %get3A_874 masked %eq3A_886 {add = true} : memref<24x24xf32, #tpu.memory_space<vmem>>[vector<16xi32>, vector<16xi32>], vector<16xf32>, vector<16xi1>
      %eq3A_887 = arith.constant 4 : i32
      %eq3A_888 = vector.broadcast %eq3A_887 : i32 to vector<16xi32>
      %eq3A_889 = arith.cmpi eq, %iota3A, %eq3A_888 : vector<16xi32>
      tpu.vector_store_idx %arg8[%get3A_872, %get3A_870], %get3A_874 masked %eq3A_889 {add = true} : memref<24x24xf32, #tpu.memory_space<vmem>>[vector<16xi32>, vector<16xi32>], vector<16xf32>, vector<16xi1>
      %eq3A_890 = arith.constant 5 : i32
      %eq3A_891 = vector.broadcast %eq3A_890 : i32 to vector<16xi32>
      %eq3A_892 = arith.cmpi eq, %iota3A, %eq3A_891 : vector<16xi32>
      tpu.vector_store_idx %arg8[%get3A_872, %get3A_870], %get3A_874 masked %eq3A_892 {add = true} : memref<24x24xf32, #tpu.memory_space<vmem>>[vector<16xi32>, vector<16xi32>], vector<16xf32>, vector<16xi1>
      %eq3A_893 = arith.constant 6 : i32
      %eq3A_894 = vector.broadcast %eq3A_893 : i32 to vector<16xi32>
      %eq3A_895 = arith.cmpi eq, %iota3A, %eq3A_894 : vector<16xi32>
      tpu.vector_store_idx %arg8[%get3A_872, %get3A_870], %get3A_874 masked %eq3A_895 {add = true} : memref<24x24xf32, #tpu.memory_space<vmem>>[vector<16xi32>, vector<16xi32>], vector<16xf32>, vector<16xi1>
      %eq3A_896 = arith.constant 7 : i32
      %eq3A_897 = vector.broadcast %eq3A_896 : i32 to vector<16xi32>
      %eq3A_898 = arith.cmpi eq, %iota3A, %eq3A_897 : vector<16xi32>
      tpu.vector_store_idx %arg8[%get3A_872, %get3A_870], %get3A_874 masked %eq3A_898 {add = true} : memref<24x24xf32, #tpu.memory_space<vmem>>[vector<16xi32>, vector<16xi32>], vector<16xf32>, vector<16xi1>
      %eq3A_899 = arith.constant 8 : i32
      %eq3A_900 = vector.broadcast %eq3A_899 : i32 to vector<16xi32>
      %eq3A_901 = arith.cmpi eq, %iota3A, %eq3A_900 : vector<16xi32>
      tpu.vector_store_idx %arg8[%get3A_872, %get3A_870], %get3A_874 masked %eq3A_901 {add = true} : memref<24x24xf32, #tpu.memory_space<vmem>>[vector<16xi32>, vector<16xi32>], vector<16xf32>, vector<16xi1>
      %eq3A_902 = arith.constant 9 : i32
      %eq3A_903 = vector.broadcast %eq3A_902 : i32 to vector<16xi32>
      %eq3A_904 = arith.cmpi eq, %iota3A, %eq3A_903 : vector<16xi32>
      tpu.vector_store_idx %arg8[%get3A_872, %get3A_870], %get3A_874 masked %eq3A_904 {add = true} : memref<24x24xf32, #tpu.memory_space<vmem>>[vector<16xi32>, vector<16xi32>], vector<16xf32>, vector<16xi1>
      %eq3A_905 = arith.constant 10 : i32
      %eq3A_906 = vector.broadcast %eq3A_905 : i32 to vector<16xi32>
      %eq3A_907 = arith.cmpi eq, %iota3A, %eq3A_906 : vector<16xi32>
      tpu.vector_store_idx %arg8[%get3A_872, %get3A_870], %get3A_874 masked %eq3A_907 {add = true} : memref<24x24xf32, #tpu.memory_space<vmem>>[vector<16xi32>, vector<16xi32>], vector<16xf32>, vector<16xi1>
      %eq3A_908 = arith.constant 11 : i32
      %eq3A_909 = vector.broadcast %eq3A_908 : i32 to vector<16xi32>
      %eq3A_910 = arith.cmpi eq, %iota3A, %eq3A_909 : vector<16xi32>
      tpu.vector_store_idx %arg8[%get3A_872, %get3A_870], %get3A_874 masked %eq3A_910 {add = true} : memref<24x24xf32, #tpu.memory_space<vmem>>[vector<16xi32>, vector<16xi32>], vector<16xf32>, vector<16xi1>
      %eq3A_911 = arith.constant 12 : i32
      %eq3A_912 = vector.broadcast %eq3A_911 : i32 to vector<16xi32>
      %eq3A_913 = arith.cmpi eq, %iota3A, %eq3A_912 : vector<16xi32>
      tpu.vector_store_idx %arg8[%get3A_872, %get3A_870], %get3A_874 masked %eq3A_913 {add = true} : memref<24x24xf32, #tpu.memory_space<vmem>>[vector<16xi32>, vector<16xi32>], vector<16xf32>, vector<16xi1>
      %eq3A_914 = arith.constant 13 : i32
      %eq3A_915 = vector.broadcast %eq3A_914 : i32 to vector<16xi32>
      %eq3A_916 = arith.cmpi eq, %iota3A, %eq3A_915 : vector<16xi32>
      tpu.vector_store_idx %arg8[%get3A_872, %get3A_870], %get3A_874 masked %eq3A_916 {add = true} : memref<24x24xf32, #tpu.memory_space<vmem>>[vector<16xi32>, vector<16xi32>], vector<16xf32>, vector<16xi1>
      %eq3A_917 = arith.constant 14 : i32
      %eq3A_918 = vector.broadcast %eq3A_917 : i32 to vector<16xi32>
      %eq3A_919 = arith.cmpi eq, %iota3A, %eq3A_918 : vector<16xi32>
      tpu.vector_store_idx %arg8[%get3A_872, %get3A_870], %get3A_874 masked %eq3A_919 {add = true} : memref<24x24xf32, #tpu.memory_space<vmem>>[vector<16xi32>, vector<16xi32>], vector<16xf32>, vector<16xi1>
      %eq3A_920 = arith.constant 15 : i32
      %eq3A_921 = vector.broadcast %eq3A_920 : i32 to vector<16xi32>
      %eq3A_922 = arith.cmpi eq, %iota3A, %eq3A_921 : vector<16xi32>
      tpu.vector_store_idx %arg8[%get3A_872, %get3A_870], %get3A_874 masked %eq3A_922 {add = true} : memref<24x24xf32, #tpu.memory_space<vmem>>[vector<16xi32>, vector<16xi32>], vector<16xf32>, vector<16xi1>
      %get3A_923 = arith.constant 208 : index
      %get3A_924 = tpu.vector_load %arg5[%get3A_923] {strides = array<i32>} : memref<384xi32, #tpu.memory_space<vmem>>, vector<16xi32>,
      %get3A_925 = arith.constant 208 : index
      %get3A_926 = tpu.vector_load %arg6[%get3A_925] {strides = array<i32>} : memref<384xi32, #tpu.memory_space<vmem>>, vector<16xi32>,
      %get3A_927 = arith.constant 208 : index
      %get3A_928 = tpu.vector_load %arg7[%get3A_927] {strides = array<i32>} : memref<384xf32, #tpu.memory_space<vmem>>, vector<16xf32>,
      %eq3A_929 = arith.constant 0 : i32
      %eq3A_930 = vector.broadcast %eq3A_929 : i32 to vector<16xi32>
      %eq3A_931 = arith.cmpi eq, %iota3A, %eq3A_930 : vector<16xi32>
      tpu.vector_store_idx %arg8[%get3A_926, %get3A_924], %get3A_928 masked %eq3A_931 {add = true} : memref<24x24xf32, #tpu.memory_space<vmem>>[vector<16xi32>, vector<16xi32>], vector<16xf32>, vector<16xi1>
      %eq3A_932 = arith.constant 1 : i32
      %eq3A_933 = vector.broadcast %eq3A_932 : i32 to vector<16xi32>
      %eq3A_934 = arith.cmpi eq, %iota3A, %eq3A_933 : vector<16xi32>
      tpu.vector_store_idx %arg8[%get3A_926, %get3A_924], %get3A_928 masked %eq3A_934 {add = true} : memref<24x24xf32, #tpu.memory_space<vmem>>[vector<16xi32>, vector<16xi32>], vector<16xf32>, vector<16xi1>
      %eq3A_935 = arith.constant 2 : i32
      %eq3A_936 = vector.broadcast %eq3A_935 : i32 to vector<16xi32>
      %eq3A_937 = arith.cmpi eq, %iota3A, %eq3A_936 : vector<16xi32>
      tpu.vector_store_idx %arg8[%get3A_926, %get3A_924], %get3A_928 masked %eq3A_937 {add = true} : memref<24x24xf32, #tpu.memory_space<vmem>>[vector<16xi32>, vector<16xi32>], vector<16xf32>, vector<16xi1>
      %eq3A_938 = arith.constant 3 : i32
      %eq3A_939 = vector.broadcast %eq3A_938 : i32 to vector<16xi32>
      %eq3A_940 = arith.cmpi eq, %iota3A, %eq3A_939 : vector<16xi32>
      tpu.vector_store_idx %arg8[%get3A_926, %get3A_924], %get3A_928 masked %eq3A_940 {add = true} : memref<24x24xf32, #tpu.memory_space<vmem>>[vector<16xi32>, vector<16xi32>], vector<16xf32>, vector<16xi1>
      %eq3A_941 = arith.constant 4 : i32
      %eq3A_942 = vector.broadcast %eq3A_941 : i32 to vector<16xi32>
      %eq3A_943 = arith.cmpi eq, %iota3A, %eq3A_942 : vector<16xi32>
      tpu.vector_store_idx %arg8[%get3A_926, %get3A_924], %get3A_928 masked %eq3A_943 {add = true} : memref<24x24xf32, #tpu.memory_space<vmem>>[vector<16xi32>, vector<16xi32>], vector<16xf32>, vector<16xi1>
      %eq3A_944 = arith.constant 5 : i32
      %eq3A_945 = vector.broadcast %eq3A_944 : i32 to vector<16xi32>
      %eq3A_946 = arith.cmpi eq, %iota3A, %eq3A_945 : vector<16xi32>
      tpu.vector_store_idx %arg8[%get3A_926, %get3A_924], %get3A_928 masked %eq3A_946 {add = true} : memref<24x24xf32, #tpu.memory_space<vmem>>[vector<16xi32>, vector<16xi32>], vector<16xf32>, vector<16xi1>
      %eq3A_947 = arith.constant 6 : i32
      %eq3A_948 = vector.broadcast %eq3A_947 : i32 to vector<16xi32>
      %eq3A_949 = arith.cmpi eq, %iota3A, %eq3A_948 : vector<16xi32>
      tpu.vector_store_idx %arg8[%get3A_926, %get3A_924], %get3A_928 masked %eq3A_949 {add = true} : memref<24x24xf32, #tpu.memory_space<vmem>>[vector<16xi32>, vector<16xi32>], vector<16xf32>, vector<16xi1>
      %eq3A_950 = arith.constant 7 : i32
      %eq3A_951 = vector.broadcast %eq3A_950 : i32 to vector<16xi32>
      %eq3A_952 = arith.cmpi eq, %iota3A, %eq3A_951 : vector<16xi32>
      tpu.vector_store_idx %arg8[%get3A_926, %get3A_924], %get3A_928 masked %eq3A_952 {add = true} : memref<24x24xf32, #tpu.memory_space<vmem>>[vector<16xi32>, vector<16xi32>], vector<16xf32>, vector<16xi1>
      %eq3A_953 = arith.constant 8 : i32
      %eq3A_954 = vector.broadcast %eq3A_953 : i32 to vector<16xi32>
      %eq3A_955 = arith.cmpi eq, %iota3A, %eq3A_954 : vector<16xi32>
      tpu.vector_store_idx %arg8[%get3A_926, %get3A_924], %get3A_928 masked %eq3A_955 {add = true} : memref<24x24xf32, #tpu.memory_space<vmem>>[vector<16xi32>, vector<16xi32>], vector<16xf32>, vector<16xi1>
      %eq3A_956 = arith.constant 9 : i32
      %eq3A_957 = vector.broadcast %eq3A_956 : i32 to vector<16xi32>
      %eq3A_958 = arith.cmpi eq, %iota3A, %eq3A_957 : vector<16xi32>
      tpu.vector_store_idx %arg8[%get3A_926, %get3A_924], %get3A_928 masked %eq3A_958 {add = true} : memref<24x24xf32, #tpu.memory_space<vmem>>[vector<16xi32>, vector<16xi32>], vector<16xf32>, vector<16xi1>
      %eq3A_959 = arith.constant 10 : i32
      %eq3A_960 = vector.broadcast %eq3A_959 : i32 to vector<16xi32>
      %eq3A_961 = arith.cmpi eq, %iota3A, %eq3A_960 : vector<16xi32>
      tpu.vector_store_idx %arg8[%get3A_926, %get3A_924], %get3A_928 masked %eq3A_961 {add = true} : memref<24x24xf32, #tpu.memory_space<vmem>>[vector<16xi32>, vector<16xi32>], vector<16xf32>, vector<16xi1>
      %eq3A_962 = arith.constant 11 : i32
      %eq3A_963 = vector.broadcast %eq3A_962 : i32 to vector<16xi32>
      %eq3A_964 = arith.cmpi eq, %iota3A, %eq3A_963 : vector<16xi32>
      tpu.vector_store_idx %arg8[%get3A_926, %get3A_924], %get3A_928 masked %eq3A_964 {add = true} : memref<24x24xf32, #tpu.memory_space<vmem>>[vector<16xi32>, vector<16xi32>], vector<16xf32>, vector<16xi1>
      %eq3A_965 = arith.constant 12 : i32
      %eq3A_966 = vector.broadcast %eq3A_965 : i32 to vector<16xi32>
      %eq3A_967 = arith.cmpi eq, %iota3A, %eq3A_966 : vector<16xi32>
      tpu.vector_store_idx %arg8[%get3A_926, %get3A_924], %get3A_928 masked %eq3A_967 {add = true} : memref<24x24xf32, #tpu.memory_space<vmem>>[vector<16xi32>, vector<16xi32>], vector<16xf32>, vector<16xi1>
      %eq3A_968 = arith.constant 13 : i32
      %eq3A_969 = vector.broadcast %eq3A_968 : i32 to vector<16xi32>
      %eq3A_970 = arith.cmpi eq, %iota3A, %eq3A_969 : vector<16xi32>
      tpu.vector_store_idx %arg8[%get3A_926, %get3A_924], %get3A_928 masked %eq3A_970 {add = true} : memref<24x24xf32, #tpu.memory_space<vmem>>[vector<16xi32>, vector<16xi32>], vector<16xf32>, vector<16xi1>
      %eq3A_971 = arith.constant 14 : i32
      %eq3A_972 = vector.broadcast %eq3A_971 : i32 to vector<16xi32>
      %eq3A_973 = arith.cmpi eq, %iota3A, %eq3A_972 : vector<16xi32>
      tpu.vector_store_idx %arg8[%get3A_926, %get3A_924], %get3A_928 masked %eq3A_973 {add = true} : memref<24x24xf32, #tpu.memory_space<vmem>>[vector<16xi32>, vector<16xi32>], vector<16xf32>, vector<16xi1>
      %eq3A_974 = arith.constant 15 : i32
      %eq3A_975 = vector.broadcast %eq3A_974 : i32 to vector<16xi32>
      %eq3A_976 = arith.cmpi eq, %iota3A, %eq3A_975 : vector<16xi32>
      tpu.vector_store_idx %arg8[%get3A_926, %get3A_924], %get3A_928 masked %eq3A_976 {add = true} : memref<24x24xf32, #tpu.memory_space<vmem>>[vector<16xi32>, vector<16xi32>], vector<16xf32>, vector<16xi1>
      %get3A_977 = arith.constant 224 : index
      %get3A_978 = tpu.vector_load %arg5[%get3A_977] {strides = array<i32>} : memref<384xi32, #tpu.memory_space<vmem>>, vector<16xi32>,
      %get3A_979 = arith.constant 224 : index
      %get3A_980 = tpu.vector_load %arg6[%get3A_979] {strides = array<i32>} : memref<384xi32, #tpu.memory_space<vmem>>, vector<16xi32>,
      %get3A_981 = arith.constant 224 : index
      %get3A_982 = tpu.vector_load %arg7[%get3A_981] {strides = array<i32>} : memref<384xf32, #tpu.memory_space<vmem>>, vector<16xf32>,
      %eq3A_983 = arith.constant 0 : i32
      %eq3A_984 = vector.broadcast %eq3A_983 : i32 to vector<16xi32>
      %eq3A_985 = arith.cmpi eq, %iota3A, %eq3A_984 : vector<16xi32>
      tpu.vector_store_idx %arg8[%get3A_980, %get3A_978], %get3A_982 masked %eq3A_985 {add = true} : memref<24x24xf32, #tpu.memory_space<vmem>>[vector<16xi32>, vector<16xi32>], vector<16xf32>, vector<16xi1>
      %eq3A_986 = arith.constant 1 : i32
      %eq3A_987 = vector.broadcast %eq3A_986 : i32 to vector<16xi32>
      %eq3A_988 = arith.cmpi eq, %iota3A, %eq3A_987 : vector<16xi32>
      tpu.vector_store_idx %arg8[%get3A_980, %get3A_978], %get3A_982 masked %eq3A_988 {add = true} : memref<24x24xf32, #tpu.memory_space<vmem>>[vector<16xi32>, vector<16xi32>], vector<16xf32>, vector<16xi1>
      %eq3A_989 = arith.constant 2 : i32
      %eq3A_990 = vector.broadcast %eq3A_989 : i32 to vector<16xi32>
      %eq3A_991 = arith.cmpi eq, %iota3A, %eq3A_990 : vector<16xi32>
      tpu.vector_store_idx %arg8[%get3A_980, %get3A_978], %get3A_982 masked %eq3A_991 {add = true} : memref<24x24xf32, #tpu.memory_space<vmem>>[vector<16xi32>, vector<16xi32>], vector<16xf32>, vector<16xi1>
      %eq3A_992 = arith.constant 3 : i32
      %eq3A_993 = vector.broadcast %eq3A_992 : i32 to vector<16xi32>
      %eq3A_994 = arith.cmpi eq, %iota3A, %eq3A_993 : vector<16xi32>
      tpu.vector_store_idx %arg8[%get3A_980, %get3A_978], %get3A_982 masked %eq3A_994 {add = true} : memref<24x24xf32, #tpu.memory_space<vmem>>[vector<16xi32>, vector<16xi32>], vector<16xf32>, vector<16xi1>
      %eq3A_995 = arith.constant 4 : i32
      %eq3A_996 = vector.broadcast %eq3A_995 : i32 to vector<16xi32>
      %eq3A_997 = arith.cmpi eq, %iota3A, %eq3A_996 : vector<16xi32>
      tpu.vector_store_idx %arg8[%get3A_980, %get3A_978], %get3A_982 masked %eq3A_997 {add = true} : memref<24x24xf32, #tpu.memory_space<vmem>>[vector<16xi32>, vector<16xi32>], vector<16xf32>, vector<16xi1>
      %eq3A_998 = arith.constant 5 : i32
      %eq3A_999 = vector.broadcast %eq3A_998 : i32 to vector<16xi32>
      %eq3A_1000 = arith.cmpi eq, %iota3A, %eq3A_999 : vector<16xi32>
      tpu.vector_store_idx %arg8[%get3A_980, %get3A_978], %get3A_982 masked %eq3A_1000 {add = true} : memref<24x24xf32, #tpu.memory_space<vmem>>[vector<16xi32>, vector<16xi32>], vector<16xf32>, vector<16xi1>
      %eq3A_1001 = arith.constant 6 : i32
      %eq3A_1002 = vector.broadcast %eq3A_1001 : i32 to vector<16xi32>
      %eq3A_1003 = arith.cmpi eq, %iota3A, %eq3A_1002 : vector<16xi32>
      tpu.vector_store_idx %arg8[%get3A_980, %get3A_978], %get3A_982 masked %eq3A_1003 {add = true} : memref<24x24xf32, #tpu.memory_space<vmem>>[vector<16xi32>, vector<16xi32>], vector<16xf32>, vector<16xi1>
      %eq3A_1004 = arith.constant 7 : i32
      %eq3A_1005 = vector.broadcast %eq3A_1004 : i32 to vector<16xi32>
      %eq3A_1006 = arith.cmpi eq, %iota3A, %eq3A_1005 : vector<16xi32>
      tpu.vector_store_idx %arg8[%get3A_980, %get3A_978], %get3A_982 masked %eq3A_1006 {add = true} : memref<24x24xf32, #tpu.memory_space<vmem>>[vector<16xi32>, vector<16xi32>], vector<16xf32>, vector<16xi1>
      %eq3A_1007 = arith.constant 8 : i32
      %eq3A_1008 = vector.broadcast %eq3A_1007 : i32 to vector<16xi32>
      %eq3A_1009 = arith.cmpi eq, %iota3A, %eq3A_1008 : vector<16xi32>
      tpu.vector_store_idx %arg8[%get3A_980, %get3A_978], %get3A_982 masked %eq3A_1009 {add = true} : memref<24x24xf32, #tpu.memory_space<vmem>>[vector<16xi32>, vector<16xi32>], vector<16xf32>, vector<16xi1>
      %eq3A_1010 = arith.constant 9 : i32
      %eq3A_1011 = vector.broadcast %eq3A_1010 : i32 to vector<16xi32>
      %eq3A_1012 = arith.cmpi eq, %iota3A, %eq3A_1011 : vector<16xi32>
      tpu.vector_store_idx %arg8[%get3A_980, %get3A_978], %get3A_982 masked %eq3A_1012 {add = true} : memref<24x24xf32, #tpu.memory_space<vmem>>[vector<16xi32>, vector<16xi32>], vector<16xf32>, vector<16xi1>
      %eq3A_1013 = arith.constant 10 : i32
      %eq3A_1014 = vector.broadcast %eq3A_1013 : i32 to vector<16xi32>
      %eq3A_1015 = arith.cmpi eq, %iota3A, %eq3A_1014 : vector<16xi32>
      tpu.vector_store_idx %arg8[%get3A_980, %get3A_978], %get3A_982 masked %eq3A_1015 {add = true} : memref<24x24xf32, #tpu.memory_space<vmem>>[vector<16xi32>, vector<16xi32>], vector<16xf32>, vector<16xi1>
      %eq3A_1016 = arith.constant 11 : i32
      %eq3A_1017 = vector.broadcast %eq3A_1016 : i32 to vector<16xi32>
      %eq3A_1018 = arith.cmpi eq, %iota3A, %eq3A_1017 : vector<16xi32>
      tpu.vector_store_idx %arg8[%get3A_980, %get3A_978], %get3A_982 masked %eq3A_1018 {add = true} : memref<24x24xf32, #tpu.memory_space<vmem>>[vector<16xi32>, vector<16xi32>], vector<16xf32>, vector<16xi1>
      %eq3A_1019 = arith.constant 12 : i32
      %eq3A_1020 = vector.broadcast %eq3A_1019 : i32 to vector<16xi32>
      %eq3A_1021 = arith.cmpi eq, %iota3A, %eq3A_1020 : vector<16xi32>
      tpu.vector_store_idx %arg8[%get3A_980, %get3A_978], %get3A_982 masked %eq3A_1021 {add = true} : memref<24x24xf32, #tpu.memory_space<vmem>>[vector<16xi32>, vector<16xi32>], vector<16xf32>, vector<16xi1>
      %eq3A_1022 = arith.constant 13 : i32
      %eq3A_1023 = vector.broadcast %eq3A_1022 : i32 to vector<16xi32>
      %eq3A_1024 = arith.cmpi eq, %iota3A, %eq3A_1023 : vector<16xi32>
      tpu.vector_store_idx %arg8[%get3A_980, %get3A_978], %get3A_982 masked %eq3A_1024 {add = true} : memref<24x24xf32, #tpu.memory_space<vmem>>[vector<16xi32>, vector<16xi32>], vector<16xf32>, vector<16xi1>
      %eq3A_1025 = arith.constant 14 : i32
      %eq3A_1026 = vector.broadcast %eq3A_1025 : i32 to vector<16xi32>
      %eq3A_1027 = arith.cmpi eq, %iota3A, %eq3A_1026 : vector<16xi32>
      tpu.vector_store_idx %arg8[%get3A_980, %get3A_978], %get3A_982 masked %eq3A_1027 {add = true} : memref<24x24xf32, #tpu.memory_space<vmem>>[vector<16xi32>, vector<16xi32>], vector<16xf32>, vector<16xi1>
      %eq3A_1028 = arith.constant 15 : i32
      %eq3A_1029 = vector.broadcast %eq3A_1028 : i32 to vector<16xi32>
      %eq3A_1030 = arith.cmpi eq, %iota3A, %eq3A_1029 : vector<16xi32>
      tpu.vector_store_idx %arg8[%get3A_980, %get3A_978], %get3A_982 masked %eq3A_1030 {add = true} : memref<24x24xf32, #tpu.memory_space<vmem>>[vector<16xi32>, vector<16xi32>], vector<16xf32>, vector<16xi1>
      %get3A_1031 = arith.constant 240 : index
      %get3A_1032 = tpu.vector_load %arg5[%get3A_1031] {strides = array<i32>} : memref<384xi32, #tpu.memory_space<vmem>>, vector<16xi32>,
      %get3A_1033 = arith.constant 240 : index
      %get3A_1034 = tpu.vector_load %arg6[%get3A_1033] {strides = array<i32>} : memref<384xi32, #tpu.memory_space<vmem>>, vector<16xi32>,
      %get3A_1035 = arith.constant 240 : index
      %get3A_1036 = tpu.vector_load %arg7[%get3A_1035] {strides = array<i32>} : memref<384xf32, #tpu.memory_space<vmem>>, vector<16xf32>,
      %eq3A_1037 = arith.constant 0 : i32
      %eq3A_1038 = vector.broadcast %eq3A_1037 : i32 to vector<16xi32>
      %eq3A_1039 = arith.cmpi eq, %iota3A, %eq3A_1038 : vector<16xi32>
      tpu.vector_store_idx %arg8[%get3A_1034, %get3A_1032], %get3A_1036 masked %eq3A_1039 {add = true} : memref<24x24xf32, #tpu.memory_space<vmem>>[vector<16xi32>, vector<16xi32>], vector<16xf32>, vector<16xi1>
      %eq3A_1040 = arith.constant 1 : i32
      %eq3A_1041 = vector.broadcast %eq3A_1040 : i32 to vector<16xi32>
      %eq3A_1042 = arith.cmpi eq, %iota3A, %eq3A_1041 : vector<16xi32>
      tpu.vector_store_idx %arg8[%get3A_1034, %get3A_1032], %get3A_1036 masked %eq3A_1042 {add = true} : memref<24x24xf32, #tpu.memory_space<vmem>>[vector<16xi32>, vector<16xi32>], vector<16xf32>, vector<16xi1>
      %eq3A_1043 = arith.constant 2 : i32
      %eq3A_1044 = vector.broadcast %eq3A_1043 : i32 to vector<16xi32>
      %eq3A_1045 = arith.cmpi eq, %iota3A, %eq3A_1044 : vector<16xi32>
      tpu.vector_store_idx %arg8[%get3A_1034, %get3A_1032], %get3A_1036 masked %eq3A_1045 {add = true} : memref<24x24xf32, #tpu.memory_space<vmem>>[vector<16xi32>, vector<16xi32>], vector<16xf32>, vector<16xi1>
      %eq3A_1046 = arith.constant 3 : i32
      %eq3A_1047 = vector.broadcast %eq3A_1046 : i32 to vector<16xi32>
      %eq3A_1048 = arith.cmpi eq, %iota3A, %eq3A_1047 : vector<16xi32>
      tpu.vector_store_idx %arg8[%get3A_1034, %get3A_1032], %get3A_1036 masked %eq3A_1048 {add = true} : memref<24x24xf32, #tpu.memory_space<vmem>>[vector<16xi32>, vector<16xi32>], vector<16xf32>, vector<16xi1>
      %eq3A_1049 = arith.constant 4 : i32
      %eq3A_1050 = vector.broadcast %eq3A_1049 : i32 to vector<16xi32>
      %eq3A_1051 = arith.cmpi eq, %iota3A, %eq3A_1050 : vector<16xi32>
      tpu.vector_store_idx %arg8[%get3A_1034, %get3A_1032], %get3A_1036 masked %eq3A_1051 {add = true} : memref<24x24xf32, #tpu.memory_space<vmem>>[vector<16xi32>, vector<16xi32>], vector<16xf32>, vector<16xi1>
      %eq3A_1052 = arith.constant 5 : i32
      %eq3A_1053 = vector.broadcast %eq3A_1052 : i32 to vector<16xi32>
      %eq3A_1054 = arith.cmpi eq, %iota3A, %eq3A_1053 : vector<16xi32>
      tpu.vector_store_idx %arg8[%get3A_1034, %get3A_1032], %get3A_1036 masked %eq3A_1054 {add = true} : memref<24x24xf32, #tpu.memory_space<vmem>>[vector<16xi32>, vector<16xi32>], vector<16xf32>, vector<16xi1>
      %eq3A_1055 = arith.constant 6 : i32
      %eq3A_1056 = vector.broadcast %eq3A_1055 : i32 to vector<16xi32>
      %eq3A_1057 = arith.cmpi eq, %iota3A, %eq3A_1056 : vector<16xi32>
      tpu.vector_store_idx %arg8[%get3A_1034, %get3A_1032], %get3A_1036 masked %eq3A_1057 {add = true} : memref<24x24xf32, #tpu.memory_space<vmem>>[vector<16xi32>, vector<16xi32>], vector<16xf32>, vector<16xi1>
      %eq3A_1058 = arith.constant 7 : i32
      %eq3A_1059 = vector.broadcast %eq3A_1058 : i32 to vector<16xi32>
      %eq3A_1060 = arith.cmpi eq, %iota3A, %eq3A_1059 : vector<16xi32>
      tpu.vector_store_idx %arg8[%get3A_1034, %get3A_1032], %get3A_1036 masked %eq3A_1060 {add = true} : memref<24x24xf32, #tpu.memory_space<vmem>>[vector<16xi32>, vector<16xi32>], vector<16xf32>, vector<16xi1>
      %eq3A_1061 = arith.constant 8 : i32
      %eq3A_1062 = vector.broadcast %eq3A_1061 : i32 to vector<16xi32>
      %eq3A_1063 = arith.cmpi eq, %iota3A, %eq3A_1062 : vector<16xi32>
      tpu.vector_store_idx %arg8[%get3A_1034, %get3A_1032], %get3A_1036 masked %eq3A_1063 {add = true} : memref<24x24xf32, #tpu.memory_space<vmem>>[vector<16xi32>, vector<16xi32>], vector<16xf32>, vector<16xi1>
      %eq3A_1064 = arith.constant 9 : i32
      %eq3A_1065 = vector.broadcast %eq3A_1064 : i32 to vector<16xi32>
      %eq3A_1066 = arith.cmpi eq, %iota3A, %eq3A_1065 : vector<16xi32>
      tpu.vector_store_idx %arg8[%get3A_1034, %get3A_1032], %get3A_1036 masked %eq3A_1066 {add = true} : memref<24x24xf32, #tpu.memory_space<vmem>>[vector<16xi32>, vector<16xi32>], vector<16xf32>, vector<16xi1>
      %eq3A_1067 = arith.constant 10 : i32
      %eq3A_1068 = vector.broadcast %eq3A_1067 : i32 to vector<16xi32>
      %eq3A_1069 = arith.cmpi eq, %iota3A, %eq3A_1068 : vector<16xi32>
      tpu.vector_store_idx %arg8[%get3A_1034, %get3A_1032], %get3A_1036 masked %eq3A_1069 {add = true} : memref<24x24xf32, #tpu.memory_space<vmem>>[vector<16xi32>, vector<16xi32>], vector<16xf32>, vector<16xi1>
      %eq3A_1070 = arith.constant 11 : i32
      %eq3A_1071 = vector.broadcast %eq3A_1070 : i32 to vector<16xi32>
      %eq3A_1072 = arith.cmpi eq, %iota3A, %eq3A_1071 : vector<16xi32>
      tpu.vector_store_idx %arg8[%get3A_1034, %get3A_1032], %get3A_1036 masked %eq3A_1072 {add = true} : memref<24x24xf32, #tpu.memory_space<vmem>>[vector<16xi32>, vector<16xi32>], vector<16xf32>, vector<16xi1>
      %eq3A_1073 = arith.constant 12 : i32
      %eq3A_1074 = vector.broadcast %eq3A_1073 : i32 to vector<16xi32>
      %eq3A_1075 = arith.cmpi eq, %iota3A, %eq3A_1074 : vector<16xi32>
      tpu.vector_store_idx %arg8[%get3A_1034, %get3A_1032], %get3A_1036 masked %eq3A_1075 {add = true} : memref<24x24xf32, #tpu.memory_space<vmem>>[vector<16xi32>, vector<16xi32>], vector<16xf32>, vector<16xi1>
      %eq3A_1076 = arith.constant 13 : i32
      %eq3A_1077 = vector.broadcast %eq3A_1076 : i32 to vector<16xi32>
      %eq3A_1078 = arith.cmpi eq, %iota3A, %eq3A_1077 : vector<16xi32>
      tpu.vector_store_idx %arg8[%get3A_1034, %get3A_1032], %get3A_1036 masked %eq3A_1078 {add = true} : memref<24x24xf32, #tpu.memory_space<vmem>>[vector<16xi32>, vector<16xi32>], vector<16xf32>, vector<16xi1>
      %eq3A_1079 = arith.constant 14 : i32
      %eq3A_1080 = vector.broadcast %eq3A_1079 : i32 to vector<16xi32>
      %eq3A_1081 = arith.cmpi eq, %iota3A, %eq3A_1080 : vector<16xi32>
      tpu.vector_store_idx %arg8[%get3A_1034, %get3A_1032], %get3A_1036 masked %eq3A_1081 {add = true} : memref<24x24xf32, #tpu.memory_space<vmem>>[vector<16xi32>, vector<16xi32>], vector<16xf32>, vector<16xi1>
      %eq3A_1082 = arith.constant 15 : i32
      %eq3A_1083 = vector.broadcast %eq3A_1082 : i32 to vector<16xi32>
      %eq3A_1084 = arith.cmpi eq, %iota3A, %eq3A_1083 : vector<16xi32>
      tpu.vector_store_idx %arg8[%get3A_1034, %get3A_1032], %get3A_1036 masked %eq3A_1084 {add = true} : memref<24x24xf32, #tpu.memory_space<vmem>>[vector<16xi32>, vector<16xi32>], vector<16xf32>, vector<16xi1>
      %get3A_1085 = arith.constant 256 : index
      %get3A_1086 = tpu.vector_load %arg5[%get3A_1085] {strides = array<i32>} : memref<384xi32, #tpu.memory_space<vmem>>, vector<16xi32>,
      %get3A_1087 = arith.constant 256 : index
      %get3A_1088 = tpu.vector_load %arg6[%get3A_1087] {strides = array<i32>} : memref<384xi32, #tpu.memory_space<vmem>>, vector<16xi32>,
      %get3A_1089 = arith.constant 256 : index
      %get3A_1090 = tpu.vector_load %arg7[%get3A_1089] {strides = array<i32>} : memref<384xf32, #tpu.memory_space<vmem>>, vector<16xf32>,
      %eq3A_1091 = arith.constant 0 : i32
      %eq3A_1092 = vector.broadcast %eq3A_1091 : i32 to vector<16xi32>
      %eq3A_1093 = arith.cmpi eq, %iota3A, %eq3A_1092 : vector<16xi32>
      tpu.vector_store_idx %arg8[%get3A_1088, %get3A_1086], %get3A_1090 masked %eq3A_1093 {add = true} : memref<24x24xf32, #tpu.memory_space<vmem>>[vector<16xi32>, vector<16xi32>], vector<16xf32>, vector<16xi1>
      %eq3A_1094 = arith.constant 1 : i32
      %eq3A_1095 = vector.broadcast %eq3A_1094 : i32 to vector<16xi32>
      %eq3A_1096 = arith.cmpi eq, %iota3A, %eq3A_1095 : vector<16xi32>
      tpu.vector_store_idx %arg8[%get3A_1088, %get3A_1086], %get3A_1090 masked %eq3A_1096 {add = true} : memref<24x24xf32, #tpu.memory_space<vmem>>[vector<16xi32>, vector<16xi32>], vector<16xf32>, vector<16xi1>
      %eq3A_1097 = arith.constant 2 : i32
      %eq3A_1098 = vector.broadcast %eq3A_1097 : i32 to vector<16xi32>
      %eq3A_1099 = arith.cmpi eq, %iota3A, %eq3A_1098 : vector<16xi32>
      tpu.vector_store_idx %arg8[%get3A_1088, %get3A_1086], %get3A_1090 masked %eq3A_1099 {add = true} : memref<24x24xf32, #tpu.memory_space<vmem>>[vector<16xi32>, vector<16xi32>], vector<16xf32>, vector<16xi1>
      %eq3A_1100 = arith.constant 3 : i32
      %eq3A_1101 = vector.broadcast %eq3A_1100 : i32 to vector<16xi32>
      %eq3A_1102 = arith.cmpi eq, %iota3A, %eq3A_1101 : vector<16xi32>
      tpu.vector_store_idx %arg8[%get3A_1088, %get3A_1086], %get3A_1090 masked %eq3A_1102 {add = true} : memref<24x24xf32, #tpu.memory_space<vmem>>[vector<16xi32>, vector<16xi32>], vector<16xf32>, vector<16xi1>
      %eq3A_1103 = arith.constant 4 : i32
      %eq3A_1104 = vector.broadcast %eq3A_1103 : i32 to vector<16xi32>
      %eq3A_1105 = arith.cmpi eq, %iota3A, %eq3A_1104 : vector<16xi32>
      tpu.vector_store_idx %arg8[%get3A_1088, %get3A_1086], %get3A_1090 masked %eq3A_1105 {add = true} : memref<24x24xf32, #tpu.memory_space<vmem>>[vector<16xi32>, vector<16xi32>], vector<16xf32>, vector<16xi1>
      %eq3A_1106 = arith.constant 5 : i32
      %eq3A_1107 = vector.broadcast %eq3A_1106 : i32 to vector<16xi32>
      %eq3A_1108 = arith.cmpi eq, %iota3A, %eq3A_1107 : vector<16xi32>
      tpu.vector_store_idx %arg8[%get3A_1088, %get3A_1086], %get3A_1090 masked %eq3A_1108 {add = true} : memref<24x24xf32, #tpu.memory_space<vmem>>[vector<16xi32>, vector<16xi32>], vector<16xf32>, vector<16xi1>
      %eq3A_1109 = arith.constant 6 : i32
      %eq3A_1110 = vector.broadcast %eq3A_1109 : i32 to vector<16xi32>
      %eq3A_1111 = arith.cmpi eq, %iota3A, %eq3A_1110 : vector<16xi32>
      tpu.vector_store_idx %arg8[%get3A_1088, %get3A_1086], %get3A_1090 masked %eq3A_1111 {add = true} : memref<24x24xf32, #tpu.memory_space<vmem>>[vector<16xi32>, vector<16xi32>], vector<16xf32>, vector<16xi1>
      %eq3A_1112 = arith.constant 7 : i32
      %eq3A_1113 = vector.broadcast %eq3A_1112 : i32 to vector<16xi32>
      %eq3A_1114 = arith.cmpi eq, %iota3A, %eq3A_1113 : vector<16xi32>
      tpu.vector_store_idx %arg8[%get3A_1088, %get3A_1086], %get3A_1090 masked %eq3A_1114 {add = true} : memref<24x24xf32, #tpu.memory_space<vmem>>[vector<16xi32>, vector<16xi32>], vector<16xf32>, vector<16xi1>
      %eq3A_1115 = arith.constant 8 : i32
      %eq3A_1116 = vector.broadcast %eq3A_1115 : i32 to vector<16xi32>
      %eq3A_1117 = arith.cmpi eq, %iota3A, %eq3A_1116 : vector<16xi32>
      tpu.vector_store_idx %arg8[%get3A_1088, %get3A_1086], %get3A_1090 masked %eq3A_1117 {add = true} : memref<24x24xf32, #tpu.memory_space<vmem>>[vector<16xi32>, vector<16xi32>], vector<16xf32>, vector<16xi1>
      %eq3A_1118 = arith.constant 9 : i32
      %eq3A_1119 = vector.broadcast %eq3A_1118 : i32 to vector<16xi32>
      %eq3A_1120 = arith.cmpi eq, %iota3A, %eq3A_1119 : vector<16xi32>
      tpu.vector_store_idx %arg8[%get3A_1088, %get3A_1086], %get3A_1090 masked %eq3A_1120 {add = true} : memref<24x24xf32, #tpu.memory_space<vmem>>[vector<16xi32>, vector<16xi32>], vector<16xf32>, vector<16xi1>
      %eq3A_1121 = arith.constant 10 : i32
      %eq3A_1122 = vector.broadcast %eq3A_1121 : i32 to vector<16xi32>
      %eq3A_1123 = arith.cmpi eq, %iota3A, %eq3A_1122 : vector<16xi32>
      tpu.vector_store_idx %arg8[%get3A_1088, %get3A_1086], %get3A_1090 masked %eq3A_1123 {add = true} : memref<24x24xf32, #tpu.memory_space<vmem>>[vector<16xi32>, vector<16xi32>], vector<16xf32>, vector<16xi1>
      %eq3A_1124 = arith.constant 11 : i32
      %eq3A_1125 = vector.broadcast %eq3A_1124 : i32 to vector<16xi32>
      %eq3A_1126 = arith.cmpi eq, %iota3A, %eq3A_1125 : vector<16xi32>
      tpu.vector_store_idx %arg8[%get3A_1088, %get3A_1086], %get3A_1090 masked %eq3A_1126 {add = true} : memref<24x24xf32, #tpu.memory_space<vmem>>[vector<16xi32>, vector<16xi32>], vector<16xf32>, vector<16xi1>
      %eq3A_1127 = arith.constant 12 : i32
      %eq3A_1128 = vector.broadcast %eq3A_1127 : i32 to vector<16xi32>
      %eq3A_1129 = arith.cmpi eq, %iota3A, %eq3A_1128 : vector<16xi32>
      tpu.vector_store_idx %arg8[%get3A_1088, %get3A_1086], %get3A_1090 masked %eq3A_1129 {add = true} : memref<24x24xf32, #tpu.memory_space<vmem>>[vector<16xi32>, vector<16xi32>], vector<16xf32>, vector<16xi1>
      %eq3A_1130 = arith.constant 13 : i32
      %eq3A_1131 = vector.broadcast %eq3A_1130 : i32 to vector<16xi32>
      %eq3A_1132 = arith.cmpi eq, %iota3A, %eq3A_1131 : vector<16xi32>
      tpu.vector_store_idx %arg8[%get3A_1088, %get3A_1086], %get3A_1090 masked %eq3A_1132 {add = true} : memref<24x24xf32, #tpu.memory_space<vmem>>[vector<16xi32>, vector<16xi32>], vector<16xf32>, vector<16xi1>
      %eq3A_1133 = arith.constant 14 : i32
      %eq3A_1134 = vector.broadcast %eq3A_1133 : i32 to vector<16xi32>
      %eq3A_1135 = arith.cmpi eq, %iota3A, %eq3A_1134 : vector<16xi32>
      tpu.vector_store_idx %arg8[%get3A_1088, %get3A_1086], %get3A_1090 masked %eq3A_1135 {add = true} : memref<24x24xf32, #tpu.memory_space<vmem>>[vector<16xi32>, vector<16xi32>], vector<16xf32>, vector<16xi1>
      %eq3A_1136 = arith.constant 15 : i32
      %eq3A_1137 = vector.broadcast %eq3A_1136 : i32 to vector<16xi32>
      %eq3A_1138 = arith.cmpi eq, %iota3A, %eq3A_1137 : vector<16xi32>
      tpu.vector_store_idx %arg8[%get3A_1088, %get3A_1086], %get3A_1090 masked %eq3A_1138 {add = true} : memref<24x24xf32, #tpu.memory_space<vmem>>[vector<16xi32>, vector<16xi32>], vector<16xf32>, vector<16xi1>
      %get3A_1139 = arith.constant 272 : index
      %get3A_1140 = tpu.vector_load %arg5[%get3A_1139] {strides = array<i32>} : memref<384xi32, #tpu.memory_space<vmem>>, vector<16xi32>,
      %get3A_1141 = arith.constant 272 : index
      %get3A_1142 = tpu.vector_load %arg6[%get3A_1141] {strides = array<i32>} : memref<384xi32, #tpu.memory_space<vmem>>, vector<16xi32>,
      %get3A_1143 = arith.constant 272 : index
      %get3A_1144 = tpu.vector_load %arg7[%get3A_1143] {strides = array<i32>} : memref<384xf32, #tpu.memory_space<vmem>>, vector<16xf32>,
      %eq3A_1145 = arith.constant 0 : i32
      %eq3A_1146 = vector.broadcast %eq3A_1145 : i32 to vector<16xi32>
      %eq3A_1147 = arith.cmpi eq, %iota3A, %eq3A_1146 : vector<16xi32>
      tpu.vector_store_idx %arg8[%get3A_1142, %get3A_1140], %get3A_1144 masked %eq3A_1147 {add = true} : memref<24x24xf32, #tpu.memory_space<vmem>>[vector<16xi32>, vector<16xi32>], vector<16xf32>, vector<16xi1>
      %eq3A_1148 = arith.constant 1 : i32
      %eq3A_1149 = vector.broadcast %eq3A_1148 : i32 to vector<16xi32>
      %eq3A_1150 = arith.cmpi eq, %iota3A, %eq3A_1149 : vector<16xi32>
      tpu.vector_store_idx %arg8[%get3A_1142, %get3A_1140], %get3A_1144 masked %eq3A_1150 {add = true} : memref<24x24xf32, #tpu.memory_space<vmem>>[vector<16xi32>, vector<16xi32>], vector<16xf32>, vector<16xi1>
      %eq3A_1151 = arith.constant 2 : i32
      %eq3A_1152 = vector.broadcast %eq3A_1151 : i32 to vector<16xi32>
      %eq3A_1153 = arith.cmpi eq, %iota3A, %eq3A_1152 : vector<16xi32>
      tpu.vector_store_idx %arg8[%get3A_1142, %get3A_1140], %get3A_1144 masked %eq3A_1153 {add = true} : memref<24x24xf32, #tpu.memory_space<vmem>>[vector<16xi32>, vector<16xi32>], vector<16xf32>, vector<16xi1>
      %eq3A_1154 = arith.constant 3 : i32
      %eq3A_1155 = vector.broadcast %eq3A_1154 : i32 to vector<16xi32>
      %eq3A_1156 = arith.cmpi eq, %iota3A, %eq3A_1155 : vector<16xi32>
      tpu.vector_store_idx %arg8[%get3A_1142, %get3A_1140], %get3A_1144 masked %eq3A_1156 {add = true} : memref<24x24xf32, #tpu.memory_space<vmem>>[vector<16xi32>, vector<16xi32>], vector<16xf32>, vector<16xi1>
      %eq3A_1157 = arith.constant 4 : i32
      %eq3A_1158 = vector.broadcast %eq3A_1157 : i32 to vector<16xi32>
      %eq3A_1159 = arith.cmpi eq, %iota3A, %eq3A_1158 : vector<16xi32>
      tpu.vector_store_idx %arg8[%get3A_1142, %get3A_1140], %get3A_1144 masked %eq3A_1159 {add = true} : memref<24x24xf32, #tpu.memory_space<vmem>>[vector<16xi32>, vector<16xi32>], vector<16xf32>, vector<16xi1>
      %eq3A_1160 = arith.constant 5 : i32
      %eq3A_1161 = vector.broadcast %eq3A_1160 : i32 to vector<16xi32>
      %eq3A_1162 = arith.cmpi eq, %iota3A, %eq3A_1161 : vector<16xi32>
      tpu.vector_store_idx %arg8[%get3A_1142, %get3A_1140], %get3A_1144 masked %eq3A_1162 {add = true} : memref<24x24xf32, #tpu.memory_space<vmem>>[vector<16xi32>, vector<16xi32>], vector<16xf32>, vector<16xi1>
      %eq3A_1163 = arith.constant 6 : i32
      %eq3A_1164 = vector.broadcast %eq3A_1163 : i32 to vector<16xi32>
      %eq3A_1165 = arith.cmpi eq, %iota3A, %eq3A_1164 : vector<16xi32>
      tpu.vector_store_idx %arg8[%get3A_1142, %get3A_1140], %get3A_1144 masked %eq3A_1165 {add = true} : memref<24x24xf32, #tpu.memory_space<vmem>>[vector<16xi32>, vector<16xi32>], vector<16xf32>, vector<16xi1>
      %eq3A_1166 = arith.constant 7 : i32
      %eq3A_1167 = vector.broadcast %eq3A_1166 : i32 to vector<16xi32>
      %eq3A_1168 = arith.cmpi eq, %iota3A, %eq3A_1167 : vector<16xi32>
      tpu.vector_store_idx %arg8[%get3A_1142, %get3A_1140], %get3A_1144 masked %eq3A_1168 {add = true} : memref<24x24xf32, #tpu.memory_space<vmem>>[vector<16xi32>, vector<16xi32>], vector<16xf32>, vector<16xi1>
      %eq3A_1169 = arith.constant 8 : i32
      %eq3A_1170 = vector.broadcast %eq3A_1169 : i32 to vector<16xi32>
      %eq3A_1171 = arith.cmpi eq, %iota3A, %eq3A_1170 : vector<16xi32>
      tpu.vector_store_idx %arg8[%get3A_1142, %get3A_1140], %get3A_1144 masked %eq3A_1171 {add = true} : memref<24x24xf32, #tpu.memory_space<vmem>>[vector<16xi32>, vector<16xi32>], vector<16xf32>, vector<16xi1>
      %eq3A_1172 = arith.constant 9 : i32
      %eq3A_1173 = vector.broadcast %eq3A_1172 : i32 to vector<16xi32>
      %eq3A_1174 = arith.cmpi eq, %iota3A, %eq3A_1173 : vector<16xi32>
      tpu.vector_store_idx %arg8[%get3A_1142, %get3A_1140], %get3A_1144 masked %eq3A_1174 {add = true} : memref<24x24xf32, #tpu.memory_space<vmem>>[vector<16xi32>, vector<16xi32>], vector<16xf32>, vector<16xi1>
      %eq3A_1175 = arith.constant 10 : i32
      %eq3A_1176 = vector.broadcast %eq3A_1175 : i32 to vector<16xi32>
      %eq3A_1177 = arith.cmpi eq, %iota3A, %eq3A_1176 : vector<16xi32>
      tpu.vector_store_idx %arg8[%get3A_1142, %get3A_1140], %get3A_1144 masked %eq3A_1177 {add = true} : memref<24x24xf32, #tpu.memory_space<vmem>>[vector<16xi32>, vector<16xi32>], vector<16xf32>, vector<16xi1>
      %eq3A_1178 = arith.constant 11 : i32
      %eq3A_1179 = vector.broadcast %eq3A_1178 : i32 to vector<16xi32>
      %eq3A_1180 = arith.cmpi eq, %iota3A, %eq3A_1179 : vector<16xi32>
      tpu.vector_store_idx %arg8[%get3A_1142, %get3A_1140], %get3A_1144 masked %eq3A_1180 {add = true} : memref<24x24xf32, #tpu.memory_space<vmem>>[vector<16xi32>, vector<16xi32>], vector<16xf32>, vector<16xi1>
      %eq3A_1181 = arith.constant 12 : i32
      %eq3A_1182 = vector.broadcast %eq3A_1181 : i32 to vector<16xi32>
      %eq3A_1183 = arith.cmpi eq, %iota3A, %eq3A_1182 : vector<16xi32>
      tpu.vector_store_idx %arg8[%get3A_1142, %get3A_1140], %get3A_1144 masked %eq3A_1183 {add = true} : memref<24x24xf32, #tpu.memory_space<vmem>>[vector<16xi32>, vector<16xi32>], vector<16xf32>, vector<16xi1>
      %eq3A_1184 = arith.constant 13 : i32
      %eq3A_1185 = vector.broadcast %eq3A_1184 : i32 to vector<16xi32>
      %eq3A_1186 = arith.cmpi eq, %iota3A, %eq3A_1185 : vector<16xi32>
      tpu.vector_store_idx %arg8[%get3A_1142, %get3A_1140], %get3A_1144 masked %eq3A_1186 {add = true} : memref<24x24xf32, #tpu.memory_space<vmem>>[vector<16xi32>, vector<16xi32>], vector<16xf32>, vector<16xi1>
      %eq3A_1187 = arith.constant 14 : i32
      %eq3A_1188 = vector.broadcast %eq3A_1187 : i32 to vector<16xi32>
      %eq3A_1189 = arith.cmpi eq, %iota3A, %eq3A_1188 : vector<16xi32>
      tpu.vector_store_idx %arg8[%get3A_1142, %get3A_1140], %get3A_1144 masked %eq3A_1189 {add = true} : memref<24x24xf32, #tpu.memory_space<vmem>>[vector<16xi32>, vector<16xi32>], vector<16xf32>, vector<16xi1>
      %eq3A_1190 = arith.constant 15 : i32
      %eq3A_1191 = vector.broadcast %eq3A_1190 : i32 to vector<16xi32>
      %eq3A_1192 = arith.cmpi eq, %iota3A, %eq3A_1191 : vector<16xi32>
      tpu.vector_store_idx %arg8[%get3A_1142, %get3A_1140], %get3A_1144 masked %eq3A_1192 {add = true} : memref<24x24xf32, #tpu.memory_space<vmem>>[vector<16xi32>, vector<16xi32>], vector<16xf32>, vector<16xi1>
      %get3A_1193 = arith.constant 288 : index
      %get3A_1194 = tpu.vector_load %arg5[%get3A_1193] {strides = array<i32>} : memref<384xi32, #tpu.memory_space<vmem>>, vector<16xi32>,
      %get3A_1195 = arith.constant 288 : index
      %get3A_1196 = tpu.vector_load %arg6[%get3A_1195] {strides = array<i32>} : memref<384xi32, #tpu.memory_space<vmem>>, vector<16xi32>,
      %get3A_1197 = arith.constant 288 : index
      %get3A_1198 = tpu.vector_load %arg7[%get3A_1197] {strides = array<i32>} : memref<384xf32, #tpu.memory_space<vmem>>, vector<16xf32>,
      %eq3A_1199 = arith.constant 0 : i32
      %eq3A_1200 = vector.broadcast %eq3A_1199 : i32 to vector<16xi32>
      %eq3A_1201 = arith.cmpi eq, %iota3A, %eq3A_1200 : vector<16xi32>
      tpu.vector_store_idx %arg8[%get3A_1196, %get3A_1194], %get3A_1198 masked %eq3A_1201 {add = true} : memref<24x24xf32, #tpu.memory_space<vmem>>[vector<16xi32>, vector<16xi32>], vector<16xf32>, vector<16xi1>
      %eq3A_1202 = arith.constant 1 : i32
      %eq3A_1203 = vector.broadcast %eq3A_1202 : i32 to vector<16xi32>
      %eq3A_1204 = arith.cmpi eq, %iota3A, %eq3A_1203 : vector<16xi32>
      tpu.vector_store_idx %arg8[%get3A_1196, %get3A_1194], %get3A_1198 masked %eq3A_1204 {add = true} : memref<24x24xf32, #tpu.memory_space<vmem>>[vector<16xi32>, vector<16xi32>], vector<16xf32>, vector<16xi1>
      %eq3A_1205 = arith.constant 2 : i32
      %eq3A_1206 = vector.broadcast %eq3A_1205 : i32 to vector<16xi32>
      %eq3A_1207 = arith.cmpi eq, %iota3A, %eq3A_1206 : vector<16xi32>
      tpu.vector_store_idx %arg8[%get3A_1196, %get3A_1194], %get3A_1198 masked %eq3A_1207 {add = true} : memref<24x24xf32, #tpu.memory_space<vmem>>[vector<16xi32>, vector<16xi32>], vector<16xf32>, vector<16xi1>
      %eq3A_1208 = arith.constant 3 : i32
      %eq3A_1209 = vector.broadcast %eq3A_1208 : i32 to vector<16xi32>
      %eq3A_1210 = arith.cmpi eq, %iota3A, %eq3A_1209 : vector<16xi32>
      tpu.vector_store_idx %arg8[%get3A_1196, %get3A_1194], %get3A_1198 masked %eq3A_1210 {add = true} : memref<24x24xf32, #tpu.memory_space<vmem>>[vector<16xi32>, vector<16xi32>], vector<16xf32>, vector<16xi1>
      %eq3A_1211 = arith.constant 4 : i32
      %eq3A_1212 = vector.broadcast %eq3A_1211 : i32 to vector<16xi32>
      %eq3A_1213 = arith.cmpi eq, %iota3A, %eq3A_1212 : vector<16xi32>
      tpu.vector_store_idx %arg8[%get3A_1196, %get3A_1194], %get3A_1198 masked %eq3A_1213 {add = true} : memref<24x24xf32, #tpu.memory_space<vmem>>[vector<16xi32>, vector<16xi32>], vector<16xf32>, vector<16xi1>
      %eq3A_1214 = arith.constant 5 : i32
      %eq3A_1215 = vector.broadcast %eq3A_1214 : i32 to vector<16xi32>
      %eq3A_1216 = arith.cmpi eq, %iota3A, %eq3A_1215 : vector<16xi32>
      tpu.vector_store_idx %arg8[%get3A_1196, %get3A_1194], %get3A_1198 masked %eq3A_1216 {add = true} : memref<24x24xf32, #tpu.memory_space<vmem>>[vector<16xi32>, vector<16xi32>], vector<16xf32>, vector<16xi1>
      %eq3A_1217 = arith.constant 6 : i32
      %eq3A_1218 = vector.broadcast %eq3A_1217 : i32 to vector<16xi32>
      %eq3A_1219 = arith.cmpi eq, %iota3A, %eq3A_1218 : vector<16xi32>
      tpu.vector_store_idx %arg8[%get3A_1196, %get3A_1194], %get3A_1198 masked %eq3A_1219 {add = true} : memref<24x24xf32, #tpu.memory_space<vmem>>[vector<16xi32>, vector<16xi32>], vector<16xf32>, vector<16xi1>
      %eq3A_1220 = arith.constant 7 : i32
      %eq3A_1221 = vector.broadcast %eq3A_1220 : i32 to vector<16xi32>
      %eq3A_1222 = arith.cmpi eq, %iota3A, %eq3A_1221 : vector<16xi32>
      tpu.vector_store_idx %arg8[%get3A_1196, %get3A_1194], %get3A_1198 masked %eq3A_1222 {add = true} : memref<24x24xf32, #tpu.memory_space<vmem>>[vector<16xi32>, vector<16xi32>], vector<16xf32>, vector<16xi1>
      %eq3A_1223 = arith.constant 8 : i32
      %eq3A_1224 = vector.broadcast %eq3A_1223 : i32 to vector<16xi32>
      %eq3A_1225 = arith.cmpi eq, %iota3A, %eq3A_1224 : vector<16xi32>
      tpu.vector_store_idx %arg8[%get3A_1196, %get3A_1194], %get3A_1198 masked %eq3A_1225 {add = true} : memref<24x24xf32, #tpu.memory_space<vmem>>[vector<16xi32>, vector<16xi32>], vector<16xf32>, vector<16xi1>
      %eq3A_1226 = arith.constant 9 : i32
      %eq3A_1227 = vector.broadcast %eq3A_1226 : i32 to vector<16xi32>
      %eq3A_1228 = arith.cmpi eq, %iota3A, %eq3A_1227 : vector<16xi32>
      tpu.vector_store_idx %arg8[%get3A_1196, %get3A_1194], %get3A_1198 masked %eq3A_1228 {add = true} : memref<24x24xf32, #tpu.memory_space<vmem>>[vector<16xi32>, vector<16xi32>], vector<16xf32>, vector<16xi1>
      %eq3A_1229 = arith.constant 10 : i32
      %eq3A_1230 = vector.broadcast %eq3A_1229 : i32 to vector<16xi32>
      %eq3A_1231 = arith.cmpi eq, %iota3A, %eq3A_1230 : vector<16xi32>
      tpu.vector_store_idx %arg8[%get3A_1196, %get3A_1194], %get3A_1198 masked %eq3A_1231 {add = true} : memref<24x24xf32, #tpu.memory_space<vmem>>[vector<16xi32>, vector<16xi32>], vector<16xf32>, vector<16xi1>
      %eq3A_1232 = arith.constant 11 : i32
      %eq3A_1233 = vector.broadcast %eq3A_1232 : i32 to vector<16xi32>
      %eq3A_1234 = arith.cmpi eq, %iota3A, %eq3A_1233 : vector<16xi32>
      tpu.vector_store_idx %arg8[%get3A_1196, %get3A_1194], %get3A_1198 masked %eq3A_1234 {add = true} : memref<24x24xf32, #tpu.memory_space<vmem>>[vector<16xi32>, vector<16xi32>], vector<16xf32>, vector<16xi1>
      %eq3A_1235 = arith.constant 12 : i32
      %eq3A_1236 = vector.broadcast %eq3A_1235 : i32 to vector<16xi32>
      %eq3A_1237 = arith.cmpi eq, %iota3A, %eq3A_1236 : vector<16xi32>
      tpu.vector_store_idx %arg8[%get3A_1196, %get3A_1194], %get3A_1198 masked %eq3A_1237 {add = true} : memref<24x24xf32, #tpu.memory_space<vmem>>[vector<16xi32>, vector<16xi32>], vector<16xf32>, vector<16xi1>
      %eq3A_1238 = arith.constant 13 : i32
      %eq3A_1239 = vector.broadcast %eq3A_1238 : i32 to vector<16xi32>
      %eq3A_1240 = arith.cmpi eq, %iota3A, %eq3A_1239 : vector<16xi32>
      tpu.vector_store_idx %arg8[%get3A_1196, %get3A_1194], %get3A_1198 masked %eq3A_1240 {add = true} : memref<24x24xf32, #tpu.memory_space<vmem>>[vector<16xi32>, vector<16xi32>], vector<16xf32>, vector<16xi1>
      %eq3A_1241 = arith.constant 14 : i32
      %eq3A_1242 = vector.broadcast %eq3A_1241 : i32 to vector<16xi32>
      %eq3A_1243 = arith.cmpi eq, %iota3A, %eq3A_1242 : vector<16xi32>
      tpu.vector_store_idx %arg8[%get3A_1196, %get3A_1194], %get3A_1198 masked %eq3A_1243 {add = true} : memref<24x24xf32, #tpu.memory_space<vmem>>[vector<16xi32>, vector<16xi32>], vector<16xf32>, vector<16xi1>
      %eq3A_1244 = arith.constant 15 : i32
      %eq3A_1245 = vector.broadcast %eq3A_1244 : i32 to vector<16xi32>
      %eq3A_1246 = arith.cmpi eq, %iota3A, %eq3A_1245 : vector<16xi32>
      tpu.vector_store_idx %arg8[%get3A_1196, %get3A_1194], %get3A_1198 masked %eq3A_1246 {add = true} : memref<24x24xf32, #tpu.memory_space<vmem>>[vector<16xi32>, vector<16xi32>], vector<16xf32>, vector<16xi1>
      %get3A_1247 = arith.constant 304 : index
      %get3A_1248 = tpu.vector_load %arg5[%get3A_1247] {strides = array<i32>} : memref<384xi32, #tpu.memory_space<vmem>>, vector<16xi32>,
      %get3A_1249 = arith.constant 304 : index
      %get3A_1250 = tpu.vector_load %arg6[%get3A_1249] {strides = array<i32>} : memref<384xi32, #tpu.memory_space<vmem>>, vector<16xi32>,
      %get3A_1251 = arith.constant 304 : index
      %get3A_1252 = tpu.vector_load %arg7[%get3A_1251] {strides = array<i32>} : memref<384xf32, #tpu.memory_space<vmem>>, vector<16xf32>,
      %eq3A_1253 = arith.constant 0 : i32
      %eq3A_1254 = vector.broadcast %eq3A_1253 : i32 to vector<16xi32>
      %eq3A_1255 = arith.cmpi eq, %iota3A, %eq3A_1254 : vector<16xi32>
      tpu.vector_store_idx %arg8[%get3A_1250, %get3A_1248], %get3A_1252 masked %eq3A_1255 {add = true} : memref<24x24xf32, #tpu.memory_space<vmem>>[vector<16xi32>, vector<16xi32>], vector<16xf32>, vector<16xi1>
      %eq3A_1256 = arith.constant 1 : i32
      %eq3A_1257 = vector.broadcast %eq3A_1256 : i32 to vector<16xi32>
      %eq3A_1258 = arith.cmpi eq, %iota3A, %eq3A_1257 : vector<16xi32>
      tpu.vector_store_idx %arg8[%get3A_1250, %get3A_1248], %get3A_1252 masked %eq3A_1258 {add = true} : memref<24x24xf32, #tpu.memory_space<vmem>>[vector<16xi32>, vector<16xi32>], vector<16xf32>, vector<16xi1>
      %eq3A_1259 = arith.constant 2 : i32
      %eq3A_1260 = vector.broadcast %eq3A_1259 : i32 to vector<16xi32>
      %eq3A_1261 = arith.cmpi eq, %iota3A, %eq3A_1260 : vector<16xi32>
      tpu.vector_store_idx %arg8[%get3A_1250, %get3A_1248], %get3A_1252 masked %eq3A_1261 {add = true} : memref<24x24xf32, #tpu.memory_space<vmem>>[vector<16xi32>, vector<16xi32>], vector<16xf32>, vector<16xi1>
      %eq3A_1262 = arith.constant 3 : i32
      %eq3A_1263 = vector.broadcast %eq3A_1262 : i32 to vector<16xi32>
      %eq3A_1264 = arith.cmpi eq, %iota3A, %eq3A_1263 : vector<16xi32>
      tpu.vector_store_idx %arg8[%get3A_1250, %get3A_1248], %get3A_1252 masked %eq3A_1264 {add = true} : memref<24x24xf32, #tpu.memory_space<vmem>>[vector<16xi32>, vector<16xi32>], vector<16xf32>, vector<16xi1>
      %eq3A_1265 = arith.constant 4 : i32
      %eq3A_1266 = vector.broadcast %eq3A_1265 : i32 to vector<16xi32>
      %eq3A_1267 = arith.cmpi eq, %iota3A, %eq3A_1266 : vector<16xi32>
      tpu.vector_store_idx %arg8[%get3A_1250, %get3A_1248], %get3A_1252 masked %eq3A_1267 {add = true} : memref<24x24xf32, #tpu.memory_space<vmem>>[vector<16xi32>, vector<16xi32>], vector<16xf32>, vector<16xi1>
      %eq3A_1268 = arith.constant 5 : i32
      %eq3A_1269 = vector.broadcast %eq3A_1268 : i32 to vector<16xi32>
      %eq3A_1270 = arith.cmpi eq, %iota3A, %eq3A_1269 : vector<16xi32>
      tpu.vector_store_idx %arg8[%get3A_1250, %get3A_1248], %get3A_1252 masked %eq3A_1270 {add = true} : memref<24x24xf32, #tpu.memory_space<vmem>>[vector<16xi32>, vector<16xi32>], vector<16xf32>, vector<16xi1>
      %eq3A_1271 = arith.constant 6 : i32
      %eq3A_1272 = vector.broadcast %eq3A_1271 : i32 to vector<16xi32>
      %eq3A_1273 = arith.cmpi eq, %iota3A, %eq3A_1272 : vector<16xi32>
      tpu.vector_store_idx %arg8[%get3A_1250, %get3A_1248], %get3A_1252 masked %eq3A_1273 {add = true} : memref<24x24xf32, #tpu.memory_space<vmem>>[vector<16xi32>, vector<16xi32>], vector<16xf32>, vector<16xi1>
      %eq3A_1274 = arith.constant 7 : i32
      %eq3A_1275 = vector.broadcast %eq3A_1274 : i32 to vector<16xi32>
      %eq3A_1276 = arith.cmpi eq, %iota3A, %eq3A_1275 : vector<16xi32>
      tpu.vector_store_idx %arg8[%get3A_1250, %get3A_1248], %get3A_1252 masked %eq3A_1276 {add = true} : memref<24x24xf32, #tpu.memory_space<vmem>>[vector<16xi32>, vector<16xi32>], vector<16xf32>, vector<16xi1>
      %eq3A_1277 = arith.constant 8 : i32
      %eq3A_1278 = vector.broadcast %eq3A_1277 : i32 to vector<16xi32>
      %eq3A_1279 = arith.cmpi eq, %iota3A, %eq3A_1278 : vector<16xi32>
      tpu.vector_store_idx %arg8[%get3A_1250, %get3A_1248], %get3A_1252 masked %eq3A_1279 {add = true} : memref<24x24xf32, #tpu.memory_space<vmem>>[vector<16xi32>, vector<16xi32>], vector<16xf32>, vector<16xi1>
      %eq3A_1280 = arith.constant 9 : i32
      %eq3A_1281 = vector.broadcast %eq3A_1280 : i32 to vector<16xi32>
      %eq3A_1282 = arith.cmpi eq, %iota3A, %eq3A_1281 : vector<16xi32>
      tpu.vector_store_idx %arg8[%get3A_1250, %get3A_1248], %get3A_1252 masked %eq3A_1282 {add = true} : memref<24x24xf32, #tpu.memory_space<vmem>>[vector<16xi32>, vector<16xi32>], vector<16xf32>, vector<16xi1>
      %eq3A_1283 = arith.constant 10 : i32
      %eq3A_1284 = vector.broadcast %eq3A_1283 : i32 to vector<16xi32>
      %eq3A_1285 = arith.cmpi eq, %iota3A, %eq3A_1284 : vector<16xi32>
      tpu.vector_store_idx %arg8[%get3A_1250, %get3A_1248], %get3A_1252 masked %eq3A_1285 {add = true} : memref<24x24xf32, #tpu.memory_space<vmem>>[vector<16xi32>, vector<16xi32>], vector<16xf32>, vector<16xi1>
      %eq3A_1286 = arith.constant 11 : i32
      %eq3A_1287 = vector.broadcast %eq3A_1286 : i32 to vector<16xi32>
      %eq3A_1288 = arith.cmpi eq, %iota3A, %eq3A_1287 : vector<16xi32>
      tpu.vector_store_idx %arg8[%get3A_1250, %get3A_1248], %get3A_1252 masked %eq3A_1288 {add = true} : memref<24x24xf32, #tpu.memory_space<vmem>>[vector<16xi32>, vector<16xi32>], vector<16xf32>, vector<16xi1>
      %eq3A_1289 = arith.constant 12 : i32
      %eq3A_1290 = vector.broadcast %eq3A_1289 : i32 to vector<16xi32>
      %eq3A_1291 = arith.cmpi eq, %iota3A, %eq3A_1290 : vector<16xi32>
      tpu.vector_store_idx %arg8[%get3A_1250, %get3A_1248], %get3A_1252 masked %eq3A_1291 {add = true} : memref<24x24xf32, #tpu.memory_space<vmem>>[vector<16xi32>, vector<16xi32>], vector<16xf32>, vector<16xi1>
      %eq3A_1292 = arith.constant 13 : i32
      %eq3A_1293 = vector.broadcast %eq3A_1292 : i32 to vector<16xi32>
      %eq3A_1294 = arith.cmpi eq, %iota3A, %eq3A_1293 : vector<16xi32>
      tpu.vector_store_idx %arg8[%get3A_1250, %get3A_1248], %get3A_1252 masked %eq3A_1294 {add = true} : memref<24x24xf32, #tpu.memory_space<vmem>>[vector<16xi32>, vector<16xi32>], vector<16xf32>, vector<16xi1>
      %eq3A_1295 = arith.constant 14 : i32
      %eq3A_1296 = vector.broadcast %eq3A_1295 : i32 to vector<16xi32>
      %eq3A_1297 = arith.cmpi eq, %iota3A, %eq3A_1296 : vector<16xi32>
      tpu.vector_store_idx %arg8[%get3A_1250, %get3A_1248], %get3A_1252 masked %eq3A_1297 {add = true} : memref<24x24xf32, #tpu.memory_space<vmem>>[vector<16xi32>, vector<16xi32>], vector<16xf32>, vector<16xi1>
      %eq3A_1298 = arith.constant 15 : i32
      %eq3A_1299 = vector.broadcast %eq3A_1298 : i32 to vector<16xi32>
      %eq3A_1300 = arith.cmpi eq, %iota3A, %eq3A_1299 : vector<16xi32>
      tpu.vector_store_idx %arg8[%get3A_1250, %get3A_1248], %get3A_1252 masked %eq3A_1300 {add = true} : memref<24x24xf32, #tpu.memory_space<vmem>>[vector<16xi32>, vector<16xi32>], vector<16xf32>, vector<16xi1>
      %get3A_1301 = arith.constant 320 : index
      %get3A_1302 = tpu.vector_load %arg5[%get3A_1301] {strides = array<i32>} : memref<384xi32, #tpu.memory_space<vmem>>, vector<16xi32>,
      %get3A_1303 = arith.constant 320 : index
      %get3A_1304 = tpu.vector_load %arg6[%get3A_1303] {strides = array<i32>} : memref<384xi32, #tpu.memory_space<vmem>>, vector<16xi32>,
      %get3A_1305 = arith.constant 320 : index
      %get3A_1306 = tpu.vector_load %arg7[%get3A_1305] {strides = array<i32>} : memref<384xf32, #tpu.memory_space<vmem>>, vector<16xf32>,
      %eq3A_1307 = arith.constant 0 : i32
      %eq3A_1308 = vector.broadcast %eq3A_1307 : i32 to vector<16xi32>
      %eq3A_1309 = arith.cmpi eq, %iota3A, %eq3A_1308 : vector<16xi32>
      tpu.vector_store_idx %arg8[%get3A_1304, %get3A_1302], %get3A_1306 masked %eq3A_1309 {add = true} : memref<24x24xf32, #tpu.memory_space<vmem>>[vector<16xi32>, vector<16xi32>], vector<16xf32>, vector<16xi1>
      %eq3A_1310 = arith.constant 1 : i32
      %eq3A_1311 = vector.broadcast %eq3A_1310 : i32 to vector<16xi32>
      %eq3A_1312 = arith.cmpi eq, %iota3A, %eq3A_1311 : vector<16xi32>
      tpu.vector_store_idx %arg8[%get3A_1304, %get3A_1302], %get3A_1306 masked %eq3A_1312 {add = true} : memref<24x24xf32, #tpu.memory_space<vmem>>[vector<16xi32>, vector<16xi32>], vector<16xf32>, vector<16xi1>
      %eq3A_1313 = arith.constant 2 : i32
      %eq3A_1314 = vector.broadcast %eq3A_1313 : i32 to vector<16xi32>
      %eq3A_1315 = arith.cmpi eq, %iota3A, %eq3A_1314 : vector<16xi32>
      tpu.vector_store_idx %arg8[%get3A_1304, %get3A_1302], %get3A_1306 masked %eq3A_1315 {add = true} : memref<24x24xf32, #tpu.memory_space<vmem>>[vector<16xi32>, vector<16xi32>], vector<16xf32>, vector<16xi1>
      %eq3A_1316 = arith.constant 3 : i32
      %eq3A_1317 = vector.broadcast %eq3A_1316 : i32 to vector<16xi32>
      %eq3A_1318 = arith.cmpi eq, %iota3A, %eq3A_1317 : vector<16xi32>
      tpu.vector_store_idx %arg8[%get3A_1304, %get3A_1302], %get3A_1306 masked %eq3A_1318 {add = true} : memref<24x24xf32, #tpu.memory_space<vmem>>[vector<16xi32>, vector<16xi32>], vector<16xf32>, vector<16xi1>
      %eq3A_1319 = arith.constant 4 : i32
      %eq3A_1320 = vector.broadcast %eq3A_1319 : i32 to vector<16xi32>
      %eq3A_1321 = arith.cmpi eq, %iota3A, %eq3A_1320 : vector<16xi32>
      tpu.vector_store_idx %arg8[%get3A_1304, %get3A_1302], %get3A_1306 masked %eq3A_1321 {add = true} : memref<24x24xf32, #tpu.memory_space<vmem>>[vector<16xi32>, vector<16xi32>], vector<16xf32>, vector<16xi1>
      %eq3A_1322 = arith.constant 5 : i32
      %eq3A_1323 = vector.broadcast %eq3A_1322 : i32 to vector<16xi32>
      %eq3A_1324 = arith.cmpi eq, %iota3A, %eq3A_1323 : vector<16xi32>
      tpu.vector_store_idx %arg8[%get3A_1304, %get3A_1302], %get3A_1306 masked %eq3A_1324 {add = true} : memref<24x24xf32, #tpu.memory_space<vmem>>[vector<16xi32>, vector<16xi32>], vector<16xf32>, vector<16xi1>
      %eq3A_1325 = arith.constant 6 : i32
      %eq3A_1326 = vector.broadcast %eq3A_1325 : i32 to vector<16xi32>
      %eq3A_1327 = arith.cmpi eq, %iota3A, %eq3A_1326 : vector<16xi32>
      tpu.vector_store_idx %arg8[%get3A_1304, %get3A_1302], %get3A_1306 masked %eq3A_1327 {add = true} : memref<24x24xf32, #tpu.memory_space<vmem>>[vector<16xi32>, vector<16xi32>], vector<16xf32>, vector<16xi1>
      %eq3A_1328 = arith.constant 7 : i32
      %eq3A_1329 = vector.broadcast %eq3A_1328 : i32 to vector<16xi32>
      %eq3A_1330 = arith.cmpi eq, %iota3A, %eq3A_1329 : vector<16xi32>
      tpu.vector_store_idx %arg8[%get3A_1304, %get3A_1302], %get3A_1306 masked %eq3A_1330 {add = true} : memref<24x24xf32, #tpu.memory_space<vmem>>[vector<16xi32>, vector<16xi32>], vector<16xf32>, vector<16xi1>
      %eq3A_1331 = arith.constant 8 : i32
      %eq3A_1332 = vector.broadcast %eq3A_1331 : i32 to vector<16xi32>
      %eq3A_1333 = arith.cmpi eq, %iota3A, %eq3A_1332 : vector<16xi32>
      tpu.vector_store_idx %arg8[%get3A_1304, %get3A_1302], %get3A_1306 masked %eq3A_1333 {add = true} : memref<24x24xf32, #tpu.memory_space<vmem>>[vector<16xi32>, vector<16xi32>], vector<16xf32>, vector<16xi1>
      %eq3A_1334 = arith.constant 9 : i32
      %eq3A_1335 = vector.broadcast %eq3A_1334 : i32 to vector<16xi32>
      %eq3A_1336 = arith.cmpi eq, %iota3A, %eq3A_1335 : vector<16xi32>
      tpu.vector_store_idx %arg8[%get3A_1304, %get3A_1302], %get3A_1306 masked %eq3A_1336 {add = true} : memref<24x24xf32, #tpu.memory_space<vmem>>[vector<16xi32>, vector<16xi32>], vector<16xf32>, vector<16xi1>
      %eq3A_1337 = arith.constant 10 : i32
      %eq3A_1338 = vector.broadcast %eq3A_1337 : i32 to vector<16xi32>
      %eq3A_1339 = arith.cmpi eq, %iota3A, %eq3A_1338 : vector<16xi32>
      tpu.vector_store_idx %arg8[%get3A_1304, %get3A_1302], %get3A_1306 masked %eq3A_1339 {add = true} : memref<24x24xf32, #tpu.memory_space<vmem>>[vector<16xi32>, vector<16xi32>], vector<16xf32>, vector<16xi1>
      %eq3A_1340 = arith.constant 11 : i32
      %eq3A_1341 = vector.broadcast %eq3A_1340 : i32 to vector<16xi32>
      %eq3A_1342 = arith.cmpi eq, %iota3A, %eq3A_1341 : vector<16xi32>
      tpu.vector_store_idx %arg8[%get3A_1304, %get3A_1302], %get3A_1306 masked %eq3A_1342 {add = true} : memref<24x24xf32, #tpu.memory_space<vmem>>[vector<16xi32>, vector<16xi32>], vector<16xf32>, vector<16xi1>
      %eq3A_1343 = arith.constant 12 : i32
      %eq3A_1344 = vector.broadcast %eq3A_1343 : i32 to vector<16xi32>
      %eq3A_1345 = arith.cmpi eq, %iota3A, %eq3A_1344 : vector<16xi32>
      tpu.vector_store_idx %arg8[%get3A_1304, %get3A_1302], %get3A_1306 masked %eq3A_1345 {add = true} : memref<24x24xf32, #tpu.memory_space<vmem>>[vector<16xi32>, vector<16xi32>], vector<16xf32>, vector<16xi1>
      %eq3A_1346 = arith.constant 13 : i32
      %eq3A_1347 = vector.broadcast %eq3A_1346 : i32 to vector<16xi32>
      %eq3A_1348 = arith.cmpi eq, %iota3A, %eq3A_1347 : vector<16xi32>
      tpu.vector_store_idx %arg8[%get3A_1304, %get3A_1302], %get3A_1306 masked %eq3A_1348 {add = true} : memref<24x24xf32, #tpu.memory_space<vmem>>[vector<16xi32>, vector<16xi32>], vector<16xf32>, vector<16xi1>
      %eq3A_1349 = arith.constant 14 : i32
      %eq3A_1350 = vector.broadcast %eq3A_1349 : i32 to vector<16xi32>
      %eq3A_1351 = arith.cmpi eq, %iota3A, %eq3A_1350 : vector<16xi32>
      tpu.vector_store_idx %arg8[%get3A_1304, %get3A_1302], %get3A_1306 masked %eq3A_1351 {add = true} : memref<24x24xf32, #tpu.memory_space<vmem>>[vector<16xi32>, vector<16xi32>], vector<16xf32>, vector<16xi1>
      %eq3A_1352 = arith.constant 15 : i32
      %eq3A_1353 = vector.broadcast %eq3A_1352 : i32 to vector<16xi32>
      %eq3A_1354 = arith.cmpi eq, %iota3A, %eq3A_1353 : vector<16xi32>
      tpu.vector_store_idx %arg8[%get3A_1304, %get3A_1302], %get3A_1306 masked %eq3A_1354 {add = true} : memref<24x24xf32, #tpu.memory_space<vmem>>[vector<16xi32>, vector<16xi32>], vector<16xf32>, vector<16xi1>
      %get3A_1355 = arith.constant 336 : index
      %get3A_1356 = tpu.vector_load %arg5[%get3A_1355] {strides = array<i32>} : memref<384xi32, #tpu.memory_space<vmem>>, vector<16xi32>,
      %get3A_1357 = arith.constant 336 : index
      %get3A_1358 = tpu.vector_load %arg6[%get3A_1357] {strides = array<i32>} : memref<384xi32, #tpu.memory_space<vmem>>, vector<16xi32>,
      %get3A_1359 = arith.constant 336 : index
      %get3A_1360 = tpu.vector_load %arg7[%get3A_1359] {strides = array<i32>} : memref<384xf32, #tpu.memory_space<vmem>>, vector<16xf32>,
      %eq3A_1361 = arith.constant 0 : i32
      %eq3A_1362 = vector.broadcast %eq3A_1361 : i32 to vector<16xi32>
      %eq3A_1363 = arith.cmpi eq, %iota3A, %eq3A_1362 : vector<16xi32>
      tpu.vector_store_idx %arg8[%get3A_1358, %get3A_1356], %get3A_1360 masked %eq3A_1363 {add = true} : memref<24x24xf32, #tpu.memory_space<vmem>>[vector<16xi32>, vector<16xi32>], vector<16xf32>, vector<16xi1>
      %eq3A_1364 = arith.constant 1 : i32
      %eq3A_1365 = vector.broadcast %eq3A_1364 : i32 to vector<16xi32>
      %eq3A_1366 = arith.cmpi eq, %iota3A, %eq3A_1365 : vector<16xi32>
      tpu.vector_store_idx %arg8[%get3A_1358, %get3A_1356], %get3A_1360 masked %eq3A_1366 {add = true} : memref<24x24xf32, #tpu.memory_space<vmem>>[vector<16xi32>, vector<16xi32>], vector<16xf32>, vector<16xi1>
      %eq3A_1367 = arith.constant 2 : i32
      %eq3A_1368 = vector.broadcast %eq3A_1367 : i32 to vector<16xi32>
      %eq3A_1369 = arith.cmpi eq, %iota3A, %eq3A_1368 : vector<16xi32>
      tpu.vector_store_idx %arg8[%get3A_1358, %get3A_1356], %get3A_1360 masked %eq3A_1369 {add = true} : memref<24x24xf32, #tpu.memory_space<vmem>>[vector<16xi32>, vector<16xi32>], vector<16xf32>, vector<16xi1>
      %eq3A_1370 = arith.constant 3 : i32
      %eq3A_1371 = vector.broadcast %eq3A_1370 : i32 to vector<16xi32>
      %eq3A_1372 = arith.cmpi eq, %iota3A, %eq3A_1371 : vector<16xi32>
      tpu.vector_store_idx %arg8[%get3A_1358, %get3A_1356], %get3A_1360 masked %eq3A_1372 {add = true} : memref<24x24xf32, #tpu.memory_space<vmem>>[vector<16xi32>, vector<16xi32>], vector<16xf32>, vector<16xi1>
      %eq3A_1373 = arith.constant 4 : i32
      %eq3A_1374 = vector.broadcast %eq3A_1373 : i32 to vector<16xi32>
      %eq3A_1375 = arith.cmpi eq, %iota3A, %eq3A_1374 : vector<16xi32>
      tpu.vector_store_idx %arg8[%get3A_1358, %get3A_1356], %get3A_1360 masked %eq3A_1375 {add = true} : memref<24x24xf32, #tpu.memory_space<vmem>>[vector<16xi32>, vector<16xi32>], vector<16xf32>, vector<16xi1>
      %eq3A_1376 = arith.constant 5 : i32
      %eq3A_1377 = vector.broadcast %eq3A_1376 : i32 to vector<16xi32>
      %eq3A_1378 = arith.cmpi eq, %iota3A, %eq3A_1377 : vector<16xi32>
      tpu.vector_store_idx %arg8[%get3A_1358, %get3A_1356], %get3A_1360 masked %eq3A_1378 {add = true} : memref<24x24xf32, #tpu.memory_space<vmem>>[vector<16xi32>, vector<16xi32>], vector<16xf32>, vector<16xi1>
      %eq3A_1379 = arith.constant 6 : i32
      %eq3A_1380 = vector.broadcast %eq3A_1379 : i32 to vector<16xi32>
      %eq3A_1381 = arith.cmpi eq, %iota3A, %eq3A_1380 : vector<16xi32>
      tpu.vector_store_idx %arg8[%get3A_1358, %get3A_1356], %get3A_1360 masked %eq3A_1381 {add = true} : memref<24x24xf32, #tpu.memory_space<vmem>>[vector<16xi32>, vector<16xi32>], vector<16xf32>, vector<16xi1>
      %eq3A_1382 = arith.constant 7 : i32
      %eq3A_1383 = vector.broadcast %eq3A_1382 : i32 to vector<16xi32>
      %eq3A_1384 = arith.cmpi eq, %iota3A, %eq3A_1383 : vector<16xi32>
      tpu.vector_store_idx %arg8[%get3A_1358, %get3A_1356], %get3A_1360 masked %eq3A_1384 {add = true} : memref<24x24xf32, #tpu.memory_space<vmem>>[vector<16xi32>, vector<16xi32>], vector<16xf32>, vector<16xi1>
      %eq3A_1385 = arith.constant 8 : i32
      %eq3A_1386 = vector.broadcast %eq3A_1385 : i32 to vector<16xi32>
      %eq3A_1387 = arith.cmpi eq, %iota3A, %eq3A_1386 : vector<16xi32>
      tpu.vector_store_idx %arg8[%get3A_1358, %get3A_1356], %get3A_1360 masked %eq3A_1387 {add = true} : memref<24x24xf32, #tpu.memory_space<vmem>>[vector<16xi32>, vector<16xi32>], vector<16xf32>, vector<16xi1>
      %eq3A_1388 = arith.constant 9 : i32
      %eq3A_1389 = vector.broadcast %eq3A_1388 : i32 to vector<16xi32>
      %eq3A_1390 = arith.cmpi eq, %iota3A, %eq3A_1389 : vector<16xi32>
      tpu.vector_store_idx %arg8[%get3A_1358, %get3A_1356], %get3A_1360 masked %eq3A_1390 {add = true} : memref<24x24xf32, #tpu.memory_space<vmem>>[vector<16xi32>, vector<16xi32>], vector<16xf32>, vector<16xi1>
      %eq3A_1391 = arith.constant 10 : i32
      %eq3A_1392 = vector.broadcast %eq3A_1391 : i32 to vector<16xi32>
      %eq3A_1393 = arith.cmpi eq, %iota3A, %eq3A_1392 : vector<16xi32>
      tpu.vector_store_idx %arg8[%get3A_1358, %get3A_1356], %get3A_1360 masked %eq3A_1393 {add = true} : memref<24x24xf32, #tpu.memory_space<vmem>>[vector<16xi32>, vector<16xi32>], vector<16xf32>, vector<16xi1>
      %eq3A_1394 = arith.constant 11 : i32
      %eq3A_1395 = vector.broadcast %eq3A_1394 : i32 to vector<16xi32>
      %eq3A_1396 = arith.cmpi eq, %iota3A, %eq3A_1395 : vector<16xi32>
      tpu.vector_store_idx %arg8[%get3A_1358, %get3A_1356], %get3A_1360 masked %eq3A_1396 {add = true} : memref<24x24xf32, #tpu.memory_space<vmem>>[vector<16xi32>, vector<16xi32>], vector<16xf32>, vector<16xi1>
      %eq3A_1397 = arith.constant 12 : i32
      %eq3A_1398 = vector.broadcast %eq3A_1397 : i32 to vector<16xi32>
      %eq3A_1399 = arith.cmpi eq, %iota3A, %eq3A_1398 : vector<16xi32>
      tpu.vector_store_idx %arg8[%get3A_1358, %get3A_1356], %get3A_1360 masked %eq3A_1399 {add = true} : memref<24x24xf32, #tpu.memory_space<vmem>>[vector<16xi32>, vector<16xi32>], vector<16xf32>, vector<16xi1>
      %eq3A_1400 = arith.constant 13 : i32
      %eq3A_1401 = vector.broadcast %eq3A_1400 : i32 to vector<16xi32>
      %eq3A_1402 = arith.cmpi eq, %iota3A, %eq3A_1401 : vector<16xi32>
      tpu.vector_store_idx %arg8[%get3A_1358, %get3A_1356], %get3A_1360 masked %eq3A_1402 {add = true} : memref<24x24xf32, #tpu.memory_space<vmem>>[vector<16xi32>, vector<16xi32>], vector<16xf32>, vector<16xi1>
      %eq3A_1403 = arith.constant 14 : i32
      %eq3A_1404 = vector.broadcast %eq3A_1403 : i32 to vector<16xi32>
      %eq3A_1405 = arith.cmpi eq, %iota3A, %eq3A_1404 : vector<16xi32>
      tpu.vector_store_idx %arg8[%get3A_1358, %get3A_1356], %get3A_1360 masked %eq3A_1405 {add = true} : memref<24x24xf32, #tpu.memory_space<vmem>>[vector<16xi32>, vector<16xi32>], vector<16xf32>, vector<16xi1>
      %eq3A_1406 = arith.constant 15 : i32
      %eq3A_1407 = vector.broadcast %eq3A_1406 : i32 to vector<16xi32>
      %eq3A_1408 = arith.cmpi eq, %iota3A, %eq3A_1407 : vector<16xi32>
      tpu.vector_store_idx %arg8[%get3A_1358, %get3A_1356], %get3A_1360 masked %eq3A_1408 {add = true} : memref<24x24xf32, #tpu.memory_space<vmem>>[vector<16xi32>, vector<16xi32>], vector<16xf32>, vector<16xi1>
      %get3A_1409 = arith.constant 352 : index
      %get3A_1410 = tpu.vector_load %arg5[%get3A_1409] {strides = array<i32>} : memref<384xi32, #tpu.memory_space<vmem>>, vector<16xi32>,
      %get3A_1411 = arith.constant 352 : index
      %get3A_1412 = tpu.vector_load %arg6[%get3A_1411] {strides = array<i32>} : memref<384xi32, #tpu.memory_space<vmem>>, vector<16xi32>,
      %get3A_1413 = arith.constant 352 : index
      %get3A_1414 = tpu.vector_load %arg7[%get3A_1413] {strides = array<i32>} : memref<384xf32, #tpu.memory_space<vmem>>, vector<16xf32>,
      %eq3A_1415 = arith.constant 0 : i32
      %eq3A_1416 = vector.broadcast %eq3A_1415 : i32 to vector<16xi32>
      %eq3A_1417 = arith.cmpi eq, %iota3A, %eq3A_1416 : vector<16xi32>
      tpu.vector_store_idx %arg8[%get3A_1412, %get3A_1410], %get3A_1414 masked %eq3A_1417 {add = true} : memref<24x24xf32, #tpu.memory_space<vmem>>[vector<16xi32>, vector<16xi32>], vector<16xf32>, vector<16xi1>
      %eq3A_1418 = arith.constant 1 : i32
      %eq3A_1419 = vector.broadcast %eq3A_1418 : i32 to vector<16xi32>
      %eq3A_1420 = arith.cmpi eq, %iota3A, %eq3A_1419 : vector<16xi32>
      tpu.vector_store_idx %arg8[%get3A_1412, %get3A_1410], %get3A_1414 masked %eq3A_1420 {add = true} : memref<24x24xf32, #tpu.memory_space<vmem>>[vector<16xi32>, vector<16xi32>], vector<16xf32>, vector<16xi1>
      %eq3A_1421 = arith.constant 2 : i32
      %eq3A_1422 = vector.broadcast %eq3A_1421 : i32 to vector<16xi32>
      %eq3A_1423 = arith.cmpi eq, %iota3A, %eq3A_1422 : vector<16xi32>
      tpu.vector_store_idx %arg8[%get3A_1412, %get3A_1410], %get3A_1414 masked %eq3A_1423 {add = true} : memref<24x24xf32, #tpu.memory_space<vmem>>[vector<16xi32>, vector<16xi32>], vector<16xf32>, vector<16xi1>
      %eq3A_1424 = arith.constant 3 : i32
      %eq3A_1425 = vector.broadcast %eq3A_1424 : i32 to vector<16xi32>
      %eq3A_1426 = arith.cmpi eq, %iota3A, %eq3A_1425 : vector<16xi32>
      tpu.vector_store_idx %arg8[%get3A_1412, %get3A_1410], %get3A_1414 masked %eq3A_1426 {add = true} : memref<24x24xf32, #tpu.memory_space<vmem>>[vector<16xi32>, vector<16xi32>], vector<16xf32>, vector<16xi1>
      %eq3A_1427 = arith.constant 4 : i32
      %eq3A_1428 = vector.broadcast %eq3A_1427 : i32 to vector<16xi32>
      %eq3A_1429 = arith.cmpi eq, %iota3A, %eq3A_1428 : vector<16xi32>
      tpu.vector_store_idx %arg8[%get3A_1412, %get3A_1410], %get3A_1414 masked %eq3A_1429 {add = true} : memref<24x24xf32, #tpu.memory_space<vmem>>[vector<16xi32>, vector<16xi32>], vector<16xf32>, vector<16xi1>
      %eq3A_1430 = arith.constant 5 : i32
      %eq3A_1431 = vector.broadcast %eq3A_1430 : i32 to vector<16xi32>
      %eq3A_1432 = arith.cmpi eq, %iota3A, %eq3A_1431 : vector<16xi32>
      tpu.vector_store_idx %arg8[%get3A_1412, %get3A_1410], %get3A_1414 masked %eq3A_1432 {add = true} : memref<24x24xf32, #tpu.memory_space<vmem>>[vector<16xi32>, vector<16xi32>], vector<16xf32>, vector<16xi1>
      %eq3A_1433 = arith.constant 6 : i32
      %eq3A_1434 = vector.broadcast %eq3A_1433 : i32 to vector<16xi32>
      %eq3A_1435 = arith.cmpi eq, %iota3A, %eq3A_1434 : vector<16xi32>
      tpu.vector_store_idx %arg8[%get3A_1412, %get3A_1410], %get3A_1414 masked %eq3A_1435 {add = true} : memref<24x24xf32, #tpu.memory_space<vmem>>[vector<16xi32>, vector<16xi32>], vector<16xf32>, vector<16xi1>
      %eq3A_1436 = arith.constant 7 : i32
      %eq3A_1437 = vector.broadcast %eq3A_1436 : i32 to vector<16xi32>
      %eq3A_1438 = arith.cmpi eq, %iota3A, %eq3A_1437 : vector<16xi32>
      tpu.vector_store_idx %arg8[%get3A_1412, %get3A_1410], %get3A_1414 masked %eq3A_1438 {add = true} : memref<24x24xf32, #tpu.memory_space<vmem>>[vector<16xi32>, vector<16xi32>], vector<16xf32>, vector<16xi1>
      %eq3A_1439 = arith.constant 8 : i32
      %eq3A_1440 = vector.broadcast %eq3A_1439 : i32 to vector<16xi32>
      %eq3A_1441 = arith.cmpi eq, %iota3A, %eq3A_1440 : vector<16xi32>
      tpu.vector_store_idx %arg8[%get3A_1412, %get3A_1410], %get3A_1414 masked %eq3A_1441 {add = true} : memref<24x24xf32, #tpu.memory_space<vmem>>[vector<16xi32>, vector<16xi32>], vector<16xf32>, vector<16xi1>
      %eq3A_1442 = arith.constant 9 : i32
      %eq3A_1443 = vector.broadcast %eq3A_1442 : i32 to vector<16xi32>
      %eq3A_1444 = arith.cmpi eq, %iota3A, %eq3A_1443 : vector<16xi32>
      tpu.vector_store_idx %arg8[%get3A_1412, %get3A_1410], %get3A_1414 masked %eq3A_1444 {add = true} : memref<24x24xf32, #tpu.memory_space<vmem>>[vector<16xi32>, vector<16xi32>], vector<16xf32>, vector<16xi1>
      %eq3A_1445 = arith.constant 10 : i32
      %eq3A_1446 = vector.broadcast %eq3A_1445 : i32 to vector<16xi32>
      %eq3A_1447 = arith.cmpi eq, %iota3A, %eq3A_1446 : vector<16xi32>
      tpu.vector_store_idx %arg8[%get3A_1412, %get3A_1410], %get3A_1414 masked %eq3A_1447 {add = true} : memref<24x24xf32, #tpu.memory_space<vmem>>[vector<16xi32>, vector<16xi32>], vector<16xf32>, vector<16xi1>
      %eq3A_1448 = arith.constant 11 : i32
      %eq3A_1449 = vector.broadcast %eq3A_1448 : i32 to vector<16xi32>
      %eq3A_1450 = arith.cmpi eq, %iota3A, %eq3A_1449 : vector<16xi32>
      tpu.vector_store_idx %arg8[%get3A_1412, %get3A_1410], %get3A_1414 masked %eq3A_1450 {add = true} : memref<24x24xf32, #tpu.memory_space<vmem>>[vector<16xi32>, vector<16xi32>], vector<16xf32>, vector<16xi1>
      %eq3A_1451 = arith.constant 12 : i32
      %eq3A_1452 = vector.broadcast %eq3A_1451 : i32 to vector<16xi32>
      %eq3A_1453 = arith.cmpi eq, %iota3A, %eq3A_1452 : vector<16xi32>
      tpu.vector_store_idx %arg8[%get3A_1412, %get3A_1410], %get3A_1414 masked %eq3A_1453 {add = true} : memref<24x24xf32, #tpu.memory_space<vmem>>[vector<16xi32>, vector<16xi32>], vector<16xf32>, vector<16xi1>
      %eq3A_1454 = arith.constant 13 : i32
      %eq3A_1455 = vector.broadcast %eq3A_1454 : i32 to vector<16xi32>
      %eq3A_1456 = arith.cmpi eq, %iota3A, %eq3A_1455 : vector<16xi32>
      tpu.vector_store_idx %arg8[%get3A_1412, %get3A_1410], %get3A_1414 masked %eq3A_1456 {add = true} : memref<24x24xf32, #tpu.memory_space<vmem>>[vector<16xi32>, vector<16xi32>], vector<16xf32>, vector<16xi1>
      %eq3A_1457 = arith.constant 14 : i32
      %eq3A_1458 = vector.broadcast %eq3A_1457 : i32 to vector<16xi32>
      %eq3A_1459 = arith.cmpi eq, %iota3A, %eq3A_1458 : vector<16xi32>
      tpu.vector_store_idx %arg8[%get3A_1412, %get3A_1410], %get3A_1414 masked %eq3A_1459 {add = true} : memref<24x24xf32, #tpu.memory_space<vmem>>[vector<16xi32>, vector<16xi32>], vector<16xf32>, vector<16xi1>
      %eq3A_1460 = arith.constant 15 : i32
      %eq3A_1461 = vector.broadcast %eq3A_1460 : i32 to vector<16xi32>
      %eq3A_1462 = arith.cmpi eq, %iota3A, %eq3A_1461 : vector<16xi32>
      tpu.vector_store_idx %arg8[%get3A_1412, %get3A_1410], %get3A_1414 masked %eq3A_1462 {add = true} : memref<24x24xf32, #tpu.memory_space<vmem>>[vector<16xi32>, vector<16xi32>], vector<16xf32>, vector<16xi1>
      %get3A_1463 = arith.constant 368 : index
      %get3A_1464 = tpu.vector_load %arg5[%get3A_1463] {strides = array<i32>} : memref<384xi32, #tpu.memory_space<vmem>>, vector<16xi32>,
      %get3A_1465 = arith.constant 368 : index
      %get3A_1466 = tpu.vector_load %arg6[%get3A_1465] {strides = array<i32>} : memref<384xi32, #tpu.memory_space<vmem>>, vector<16xi32>,
      %get3A_1467 = arith.constant 368 : index
      %get3A_1468 = tpu.vector_load %arg7[%get3A_1467] {strides = array<i32>} : memref<384xf32, #tpu.memory_space<vmem>>, vector<16xf32>,
      %eq3A_1469 = arith.constant 0 : i32
      %eq3A_1470 = vector.broadcast %eq3A_1469 : i32 to vector<16xi32>
      %eq3A_1471 = arith.cmpi eq, %iota3A, %eq3A_1470 : vector<16xi32>
      tpu.vector_store_idx %arg8[%get3A_1466, %get3A_1464], %get3A_1468 masked %eq3A_1471 {add = true} : memref<24x24xf32, #tpu.memory_space<vmem>>[vector<16xi32>, vector<16xi32>], vector<16xf32>, vector<16xi1>
      %eq3A_1472 = arith.constant 1 : i32
      %eq3A_1473 = vector.broadcast %eq3A_1472 : i32 to vector<16xi32>
      %eq3A_1474 = arith.cmpi eq, %iota3A, %eq3A_1473 : vector<16xi32>
      tpu.vector_store_idx %arg8[%get3A_1466, %get3A_1464], %get3A_1468 masked %eq3A_1474 {add = true} : memref<24x24xf32, #tpu.memory_space<vmem>>[vector<16xi32>, vector<16xi32>], vector<16xf32>, vector<16xi1>
      %eq3A_1475 = arith.constant 2 : i32
      %eq3A_1476 = vector.broadcast %eq3A_1475 : i32 to vector<16xi32>
      %eq3A_1477 = arith.cmpi eq, %iota3A, %eq3A_1476 : vector<16xi32>
      tpu.vector_store_idx %arg8[%get3A_1466, %get3A_1464], %get3A_1468 masked %eq3A_1477 {add = true} : memref<24x24xf32, #tpu.memory_space<vmem>>[vector<16xi32>, vector<16xi32>], vector<16xf32>, vector<16xi1>
      %eq3A_1478 = arith.constant 3 : i32
      %eq3A_1479 = vector.broadcast %eq3A_1478 : i32 to vector<16xi32>
      %eq3A_1480 = arith.cmpi eq, %iota3A, %eq3A_1479 : vector<16xi32>
      tpu.vector_store_idx %arg8[%get3A_1466, %get3A_1464], %get3A_1468 masked %eq3A_1480 {add = true} : memref<24x24xf32, #tpu.memory_space<vmem>>[vector<16xi32>, vector<16xi32>], vector<16xf32>, vector<16xi1>
      %eq3A_1481 = arith.constant 4 : i32
      %eq3A_1482 = vector.broadcast %eq3A_1481 : i32 to vector<16xi32>
      %eq3A_1483 = arith.cmpi eq, %iota3A, %eq3A_1482 : vector<16xi32>
      tpu.vector_store_idx %arg8[%get3A_1466, %get3A_1464], %get3A_1468 masked %eq3A_1483 {add = true} : memref<24x24xf32, #tpu.memory_space<vmem>>[vector<16xi32>, vector<16xi32>], vector<16xf32>, vector<16xi1>
      %eq3A_1484 = arith.constant 5 : i32
      %eq3A_1485 = vector.broadcast %eq3A_1484 : i32 to vector<16xi32>
      %eq3A_1486 = arith.cmpi eq, %iota3A, %eq3A_1485 : vector<16xi32>
      tpu.vector_store_idx %arg8[%get3A_1466, %get3A_1464], %get3A_1468 masked %eq3A_1486 {add = true} : memref<24x24xf32, #tpu.memory_space<vmem>>[vector<16xi32>, vector<16xi32>], vector<16xf32>, vector<16xi1>
      %eq3A_1487 = arith.constant 6 : i32
      %eq3A_1488 = vector.broadcast %eq3A_1487 : i32 to vector<16xi32>
      %eq3A_1489 = arith.cmpi eq, %iota3A, %eq3A_1488 : vector<16xi32>
      tpu.vector_store_idx %arg8[%get3A_1466, %get3A_1464], %get3A_1468 masked %eq3A_1489 {add = true} : memref<24x24xf32, #tpu.memory_space<vmem>>[vector<16xi32>, vector<16xi32>], vector<16xf32>, vector<16xi1>
      %eq3A_1490 = arith.constant 7 : i32
      %eq3A_1491 = vector.broadcast %eq3A_1490 : i32 to vector<16xi32>
      %eq3A_1492 = arith.cmpi eq, %iota3A, %eq3A_1491 : vector<16xi32>
      tpu.vector_store_idx %arg8[%get3A_1466, %get3A_1464], %get3A_1468 masked %eq3A_1492 {add = true} : memref<24x24xf32, #tpu.memory_space<vmem>>[vector<16xi32>, vector<16xi32>], vector<16xf32>, vector<16xi1>
      %eq3A_1493 = arith.constant 8 : i32
      %eq3A_1494 = vector.broadcast %eq3A_1493 : i32 to vector<16xi32>
      %eq3A_1495 = arith.cmpi eq, %iota3A, %eq3A_1494 : vector<16xi32>
      tpu.vector_store_idx %arg8[%get3A_1466, %get3A_1464], %get3A_1468 masked %eq3A_1495 {add = true} : memref<24x24xf32, #tpu.memory_space<vmem>>[vector<16xi32>, vector<16xi32>], vector<16xf32>, vector<16xi1>
      %eq3A_1496 = arith.constant 9 : i32
      %eq3A_1497 = vector.broadcast %eq3A_1496 : i32 to vector<16xi32>
      %eq3A_1498 = arith.cmpi eq, %iota3A, %eq3A_1497 : vector<16xi32>
      tpu.vector_store_idx %arg8[%get3A_1466, %get3A_1464], %get3A_1468 masked %eq3A_1498 {add = true} : memref<24x24xf32, #tpu.memory_space<vmem>>[vector<16xi32>, vector<16xi32>], vector<16xf32>, vector<16xi1>
      %eq3A_1499 = arith.constant 10 : i32
      %eq3A_1500 = vector.broadcast %eq3A_1499 : i32 to vector<16xi32>
      %eq3A_1501 = arith.cmpi eq, %iota3A, %eq3A_1500 : vector<16xi32>
      tpu.vector_store_idx %arg8[%get3A_1466, %get3A_1464], %get3A_1468 masked %eq3A_1501 {add = true} : memref<24x24xf32, #tpu.memory_space<vmem>>[vector<16xi32>, vector<16xi32>], vector<16xf32>, vector<16xi1>
      %eq3A_1502 = arith.constant 11 : i32
      %eq3A_1503 = vector.broadcast %eq3A_1502 : i32 to vector<16xi32>
      %eq3A_1504 = arith.cmpi eq, %iota3A, %eq3A_1503 : vector<16xi32>
      tpu.vector_store_idx %arg8[%get3A_1466, %get3A_1464], %get3A_1468 masked %eq3A_1504 {add = true} : memref<24x24xf32, #tpu.memory_space<vmem>>[vector<16xi32>, vector<16xi32>], vector<16xf32>, vector<16xi1>
      %eq3A_1505 = arith.constant 12 : i32
      %eq3A_1506 = vector.broadcast %eq3A_1505 : i32 to vector<16xi32>
      %eq3A_1507 = arith.cmpi eq, %iota3A, %eq3A_1506 : vector<16xi32>
      tpu.vector_store_idx %arg8[%get3A_1466, %get3A_1464], %get3A_1468 masked %eq3A_1507 {add = true} : memref<24x24xf32, #tpu.memory_space<vmem>>[vector<16xi32>, vector<16xi32>], vector<16xf32>, vector<16xi1>
      %eq3A_1508 = arith.constant 13 : i32
      %eq3A_1509 = vector.broadcast %eq3A_1508 : i32 to vector<16xi32>
      %eq3A_1510 = arith.cmpi eq, %iota3A, %eq3A_1509 : vector<16xi32>
      tpu.vector_store_idx %arg8[%get3A_1466, %get3A_1464], %get3A_1468 masked %eq3A_1510 {add = true} : memref<24x24xf32, #tpu.memory_space<vmem>>[vector<16xi32>, vector<16xi32>], vector<16xf32>, vector<16xi1>
      %eq3A_1511 = arith.constant 14 : i32
      %eq3A_1512 = vector.broadcast %eq3A_1511 : i32 to vector<16xi32>
      %eq3A_1513 = arith.cmpi eq, %iota3A, %eq3A_1512 : vector<16xi32>
      tpu.vector_store_idx %arg8[%get3A_1466, %get3A_1464], %get3A_1468 masked %eq3A_1513 {add = true} : memref<24x24xf32, #tpu.memory_space<vmem>>[vector<16xi32>, vector<16xi32>], vector<16xf32>, vector<16xi1>
      %eq3A_1514 = arith.constant 15 : i32
      %eq3A_1515 = vector.broadcast %eq3A_1514 : i32 to vector<16xi32>
      %eq3A_1516 = arith.cmpi eq, %iota3A, %eq3A_1515 : vector<16xi32>
      tpu.vector_store_idx %arg8[%get3A_1466, %get3A_1464], %get3A_1468 masked %eq3A_1516 {add = true} : memref<24x24xf32, #tpu.memory_space<vmem>>[vector<16xi32>, vector<16xi32>], vector<16xf32>, vector<16xi1>
      "tpu.region"() ({
        %run_scoped3A = tpu.sem_alloc : memref<!tpu.dma_semaphore, #tpu.memory_space<semaphore_mem>>
        tpu.enqueue_dma source(%arg8 : memref<24x24xf32, #tpu.memory_space<vmem>>) target(%arg4 : memref<24x24xf32, #tpu.memory_space<hbm>>) target_semaphore(%run_scoped3A : memref<!tpu.dma_semaphore, #tpu.memory_space<semaphore_mem>>)
        tpu.wait_dma2 semaphore(%run_scoped3A : memref<!tpu.dma_semaphore, #tpu.memory_space<semaphore_mem>>) src(%arg8 : memref<24x24xf32, #tpu.memory_space<vmem>>) dst(%arg4 : memref<24x24xf32, #tpu.memory_space<hbm>>)
        tpu.yield
      }) : () -> ()
    } else {
    }
    return
  }
}

module attributes {stable_mosaic.version = 14 : i64} {
  func.func @_tc_body(%arg0: memref<24x24xf32, #tpu.memory_space<vmem>>, %arg1: memref<24x512xf32, #tpu.memory_space<vmem>>, %arg2: memref<24x512xf32, #tpu.memory_space<vmem>>, %arg3: memref<512x512xf32, #tpu.memory_space<hbm>>, %arg4: memref<512x512xf32, #tpu.memory_space<hbm>>, %arg5: memref<24x512xf32, #tpu.memory_space<vmem>>, %arg6: memref<512x512xf32, #tpu.memory_space<hbm>>, %arg7: memref<512x512xf32, #tpu.memory_space<hbm>>, %arg8: memref<24x512xf32, #tpu.memory_space<vmem>>, %arg9: memref<512x512xf32, #tpu.memory_space<hbm>>, %arg10: memref<512x512xf32, #tpu.memory_space<hbm>>, %arg11: memref<24x512xf32, #tpu.memory_space<vmem>>, %arg12: memref<24x512xf32, #tpu.memory_space<vmem>>, %arg13: memref<512x512xf32, #tpu.memory_space<vmem>>, %arg14: memref<512x512xf32, #tpu.memory_space<vmem>>, %arg15: memref<512x512xf32, #tpu.memory_space<vmem>>, %arg16: memref<512x512xf32, #tpu.memory_space<vmem>>, %arg17: memref<512x512xf32, #tpu.memory_space<vmem>>, %arg18: memref<512x512xf32, #tpu.memory_space<vmem>>, %arg19: memref<!tpu.dma_semaphore, #tpu.memory_space<semaphore_mem>>, %arg20: memref<!tpu.dma_semaphore, #tpu.memory_space<semaphore_mem>>, %arg21: memref<!tpu.dma_semaphore, #tpu.memory_space<semaphore_mem>>, %arg22: memref<!tpu.dma_semaphore, #tpu.memory_space<semaphore_mem>>, %arg23: memref<!tpu.dma_semaphore, #tpu.memory_space<semaphore_mem>>, %arg24: memref<!tpu.dma_semaphore, #tpu.memory_space<semaphore_mem>>) attributes {dimension_semantics = [], scalar_prefetch = 0 : i64, scratch_operands = 12 : i64, tpu.core_type = #tpu.core_type<tc>} {
    tpu.enqueue_dma source(%arg3 : memref<512x512xf32, #tpu.memory_space<hbm>>) target(%arg13 : memref<512x512xf32, #tpu.memory_space<vmem>>) target_semaphore(%arg19 : memref<!tpu.dma_semaphore, #tpu.memory_space<semaphore_mem>>)
    tpu.enqueue_dma source(%arg4 : memref<512x512xf32, #tpu.memory_space<hbm>>) target(%arg14 : memref<512x512xf32, #tpu.memory_space<vmem>>) target_semaphore(%arg20 : memref<!tpu.dma_semaphore, #tpu.memory_space<semaphore_mem>>)
    tpu.enqueue_dma source(%arg6 : memref<512x512xf32, #tpu.memory_space<hbm>>) target(%arg15 : memref<512x512xf32, #tpu.memory_space<vmem>>) target_semaphore(%arg21 : memref<!tpu.dma_semaphore, #tpu.memory_space<semaphore_mem>>)
    tpu.enqueue_dma source(%arg7 : memref<512x512xf32, #tpu.memory_space<hbm>>) target(%arg16 : memref<512x512xf32, #tpu.memory_space<vmem>>) target_semaphore(%arg22 : memref<!tpu.dma_semaphore, #tpu.memory_space<semaphore_mem>>)
    tpu.enqueue_dma source(%arg9 : memref<512x512xf32, #tpu.memory_space<hbm>>) target(%arg17 : memref<512x512xf32, #tpu.memory_space<vmem>>) target_semaphore(%arg23 : memref<!tpu.dma_semaphore, #tpu.memory_space<semaphore_mem>>)
    tpu.enqueue_dma source(%arg10 : memref<512x512xf32, #tpu.memory_space<hbm>>) target(%arg18 : memref<512x512xf32, #tpu.memory_space<vmem>>) target_semaphore(%arg24 : memref<!tpu.dma_semaphore, #tpu.memory_space<semaphore_mem>>)
    %get3A = arith.constant 0 : index
    %get3A_0 = arith.constant 0 : index
    %get3A_1 = vector.load %arg0[%get3A, %get3A_0] : memref<24x24xf32, #tpu.memory_space<vmem>>, vector<24x24xf32>
    %reduce_sum3A = arith.constant dense<0.000000e+00> : vector<24xf32>
    %reduce_sum3A_2 = vector.multi_reduction <add>, %get3A_1, %reduce_sum3A [1] : vector<24x24xf32> to vector<24xf32>
    %gt3A = arith.constant 0.000000e+00 : f32
    %gt3A_3 = vector.broadcast %gt3A : f32 to vector<24xf32>
    %gt3A_4 = arith.cmpf ogt, %reduce_sum3A_2, %gt3A_3 : vector<24xf32>
    %gt3A_5 = arith.constant 0.000000e+00 : f32
    %gt3A_6 = vector.broadcast %gt3A_5 : f32 to vector<24xf32>
    %gt3A_7 = arith.cmpf ogt, %reduce_sum3A_2, %gt3A_6 : vector<24xf32>
    %jit3A = arith.constant 1.000000e+00 : f32
    %broadcast_in_dim3A = vector.broadcast %jit3A : f32 to vector<24xf32>
    %select_n3A = arith.select %gt3A_7, %reduce_sum3A_2, %broadcast_in_dim3A : vector<24xi1>, vector<24xf32>
    %rsqrt3A = math.rsqrt %select_n3A : vector<24xf32>
    %jit3A_8 = arith.constant 0.000000e+00 : f32
    %broadcast_in_dim3A_9 = vector.broadcast %jit3A_8 : f32 to vector<24xf32>
    %select_n3A_10 = arith.select %gt3A_4, %rsqrt3A, %broadcast_in_dim3A_9 : vector<24xi1>, vector<24xf32>
    %broadcast_in_dim3A_11 = vector.shape_cast %select_n3A_10 : vector<24xf32> to vector<24x1xf32>
    %mul3A = vector.broadcast %broadcast_in_dim3A_11 : vector<24x1xf32> to vector<24x24xf32>
    %mul3A_12 = arith.mulf %get3A_1, %mul3A : vector<24x24xf32>
    %broadcast_in_dim3A_13 = vector.shape_cast %select_n3A_10 : vector<24xf32> to vector<1x24xf32>
    %mul3A_14 = vector.broadcast %broadcast_in_dim3A_13 : vector<1x24xf32> to vector<24x24xf32>
    %mul3A_15 = arith.mulf %mul3A_12, %mul3A_14 : vector<24x24xf32>
    %get3A_16 = arith.constant 0 : index
    %get3A_17 = arith.constant 0 : index
    %get3A_18 = vector.load %arg1[%get3A_16, %get3A_17] : memref<24x512xf32, #tpu.memory_space<vmem>>, vector<24x512xf32>
    %get3A_19 = arith.constant 0 : index
    %get3A_20 = arith.constant 0 : index
    %get3A_21 = vector.load %arg2[%get3A_19, %get3A_20] : memref<24x512xf32, #tpu.memory_space<vmem>>, vector<24x512xf32>
    %dot_general3A = arith.constant dense<0.000000e+00> : vector<24x512xf32>
    %dot_general3A_22 = tpu.matmul %mul3A_15, %get3A_18, %dot_general3A {dimension_numbers = #tpu.dot_dimension_numbers<[1], [0], [0], [1], [0, 0, 1, 1], [], []>, transpose_lhs_hint = false} : vector<24x24xf32>, vector<24x512xf32>, vector<24x512xf32> -> vector<24x512xf32>
    %max3A = arith.constant 0.000000e+00 : f32
    %max3A_23 = vector.broadcast %max3A : f32 to vector<24x512xf32>
    %max3A_24 = arith.maximumf %dot_general3A_22, %max3A_23 : vector<24x512xf32>
    %dot_general3A_25 = arith.constant dense<0.000000e+00> : vector<24x512xf32>
    %dot_general3A_26 = tpu.matmul %mul3A_15, %get3A_21, %dot_general3A_25 {dimension_numbers = #tpu.dot_dimension_numbers<[1], [0], [0], [1], [0, 0, 1, 1], [], []>, transpose_lhs_hint = false} : vector<24x24xf32>, vector<24x512xf32>, vector<24x512xf32> -> vector<24x512xf32>
    %max3A_27 = arith.constant 0.000000e+00 : f32
    %max3A_28 = vector.broadcast %max3A_27 : f32 to vector<24x512xf32>
    %max3A_29 = arith.maximumf %dot_general3A_26, %max3A_28 : vector<24x512xf32>
    tpu.wait_dma2 semaphore(%arg19 : memref<!tpu.dma_semaphore, #tpu.memory_space<semaphore_mem>>) src(%arg3 : memref<512x512xf32, #tpu.memory_space<hbm>>) dst(%arg13 : memref<512x512xf32, #tpu.memory_space<vmem>>)
    tpu.wait_dma2 semaphore(%arg20 : memref<!tpu.dma_semaphore, #tpu.memory_space<semaphore_mem>>) src(%arg4 : memref<512x512xf32, #tpu.memory_space<hbm>>) dst(%arg14 : memref<512x512xf32, #tpu.memory_space<vmem>>)
    %get3A_30 = arith.constant 0 : index
    %get3A_31 = arith.constant 0 : index
    %get3A_32 = vector.load %arg13[%get3A_30, %get3A_31] : memref<512x512xf32, #tpu.memory_space<vmem>>, vector<512x512xf32>
    %dot_general3A_33 = arith.constant dense<0.000000e+00> : vector<24x512xf32>
    %dot_general3A_34 = tpu.matmul %max3A_24, %get3A_32, %dot_general3A_33 {dimension_numbers = #tpu.dot_dimension_numbers<[1], [1], [0], [0], [0, 0, 1, 0], [], []>, transpose_lhs_hint = false} : vector<24x512xf32>, vector<512x512xf32>, vector<24x512xf32> -> vector<24x512xf32>
    %get3A_35 = arith.constant 0 : index
    %get3A_36 = arith.constant 0 : index
    %get3A_37 = vector.load %arg14[%get3A_35, %get3A_36] : memref<512x512xf32, #tpu.memory_space<vmem>>, vector<512x512xf32>
    %dot_general3A_38 = arith.constant dense<0.000000e+00> : vector<24x512xf32>
    %dot_general3A_39 = tpu.matmul %max3A_29, %get3A_37, %dot_general3A_38 {dimension_numbers = #tpu.dot_dimension_numbers<[1], [1], [0], [0], [0, 0, 1, 0], [], []>, transpose_lhs_hint = false} : vector<24x512xf32>, vector<512x512xf32>, vector<24x512xf32> -> vector<24x512xf32>
    %add3A = arith.addf %dot_general3A_34, %dot_general3A_39 : vector<24x512xf32>
    %get3A_40 = arith.constant 0 : index
    %get3A_41 = arith.constant 0 : index
    %get3A_42 = vector.load %arg5[%get3A_40, %get3A_41] : memref<24x512xf32, #tpu.memory_space<vmem>>, vector<24x512xf32>
    %add3A_43 = arith.addf %add3A, %get3A_42 : vector<24x512xf32>
    %logistic3A = arith.negf %add3A_43 : vector<24x512xf32>
    %logistic3A_44 = math.exp %logistic3A : vector<24x512xf32>
    %logistic3A_45 = arith.constant 1.000000e+00 : f32
    %logistic3A_46 = vector.broadcast %logistic3A_45 : f32 to vector<24x512xf32>
    %logistic3A_47 = arith.addf %logistic3A_46, %logistic3A_44 : vector<24x512xf32>
    %logistic3A_48 = arith.divf %logistic3A_46, %logistic3A_47 : vector<24x512xf32>
    tpu.wait_dma2 semaphore(%arg21 : memref<!tpu.dma_semaphore, #tpu.memory_space<semaphore_mem>>) src(%arg6 : memref<512x512xf32, #tpu.memory_space<hbm>>) dst(%arg15 : memref<512x512xf32, #tpu.memory_space<vmem>>)
    tpu.wait_dma2 semaphore(%arg22 : memref<!tpu.dma_semaphore, #tpu.memory_space<semaphore_mem>>) src(%arg7 : memref<512x512xf32, #tpu.memory_space<hbm>>) dst(%arg16 : memref<512x512xf32, #tpu.memory_space<vmem>>)
    %get3A_49 = arith.constant 0 : index
    %get3A_50 = arith.constant 0 : index
    %get3A_51 = vector.load %arg15[%get3A_49, %get3A_50] : memref<512x512xf32, #tpu.memory_space<vmem>>, vector<512x512xf32>
    %dot_general3A_52 = arith.constant dense<0.000000e+00> : vector<24x512xf32>
    %dot_general3A_53 = tpu.matmul %max3A_24, %get3A_51, %dot_general3A_52 {dimension_numbers = #tpu.dot_dimension_numbers<[1], [1], [0], [0], [0, 0, 1, 0], [], []>, transpose_lhs_hint = false} : vector<24x512xf32>, vector<512x512xf32>, vector<24x512xf32> -> vector<24x512xf32>
    %get3A_54 = arith.constant 0 : index
    %get3A_55 = arith.constant 0 : index
    %get3A_56 = vector.load %arg16[%get3A_54, %get3A_55] : memref<512x512xf32, #tpu.memory_space<vmem>>, vector<512x512xf32>
    %dot_general3A_57 = arith.constant dense<0.000000e+00> : vector<24x512xf32>
    %dot_general3A_58 = tpu.matmul %max3A_29, %get3A_56, %dot_general3A_57 {dimension_numbers = #tpu.dot_dimension_numbers<[1], [1], [0], [0], [0, 0, 1, 0], [], []>, transpose_lhs_hint = false} : vector<24x512xf32>, vector<512x512xf32>, vector<24x512xf32> -> vector<24x512xf32>
    %add3A_59 = arith.addf %dot_general3A_53, %dot_general3A_58 : vector<24x512xf32>
    %get3A_60 = arith.constant 0 : index
    %get3A_61 = arith.constant 0 : index
    %get3A_62 = vector.load %arg8[%get3A_60, %get3A_61] : memref<24x512xf32, #tpu.memory_space<vmem>>, vector<24x512xf32>
    %add3A_63 = arith.addf %add3A_59, %get3A_62 : vector<24x512xf32>
    %logistic3A_64 = arith.negf %add3A_63 : vector<24x512xf32>
    %logistic3A_65 = math.exp %logistic3A_64 : vector<24x512xf32>
    %logistic3A_66 = arith.constant 1.000000e+00 : f32
    %logistic3A_67 = vector.broadcast %logistic3A_66 : f32 to vector<24x512xf32>
    %logistic3A_68 = arith.addf %logistic3A_67, %logistic3A_65 : vector<24x512xf32>
    %logistic3A_69 = arith.divf %logistic3A_67, %logistic3A_68 : vector<24x512xf32>
    %mul3A_70 = arith.mulf %get3A_21, %logistic3A_69 : vector<24x512xf32>
    %dot_general3A_71 = arith.constant dense<0.000000e+00> : vector<24x512xf32>
    %dot_general3A_72 = tpu.matmul %mul3A_15, %mul3A_70, %dot_general3A_71 {dimension_numbers = #tpu.dot_dimension_numbers<[1], [0], [0], [1], [0, 0, 1, 1], [], []>, transpose_lhs_hint = false} : vector<24x24xf32>, vector<24x512xf32>, vector<24x512xf32> -> vector<24x512xf32>
    %max3A_73 = arith.constant 0.000000e+00 : f32
    %max3A_74 = vector.broadcast %max3A_73 : f32 to vector<24x512xf32>
    %max3A_75 = arith.maximumf %dot_general3A_72, %max3A_74 : vector<24x512xf32>
    tpu.wait_dma2 semaphore(%arg23 : memref<!tpu.dma_semaphore, #tpu.memory_space<semaphore_mem>>) src(%arg9 : memref<512x512xf32, #tpu.memory_space<hbm>>) dst(%arg17 : memref<512x512xf32, #tpu.memory_space<vmem>>)
    tpu.wait_dma2 semaphore(%arg24 : memref<!tpu.dma_semaphore, #tpu.memory_space<semaphore_mem>>) src(%arg10 : memref<512x512xf32, #tpu.memory_space<hbm>>) dst(%arg18 : memref<512x512xf32, #tpu.memory_space<vmem>>)
    %get3A_76 = arith.constant 0 : index
    %get3A_77 = arith.constant 0 : index
    %get3A_78 = vector.load %arg17[%get3A_76, %get3A_77] : memref<512x512xf32, #tpu.memory_space<vmem>>, vector<512x512xf32>
    %dot_general3A_79 = arith.constant dense<0.000000e+00> : vector<24x512xf32>
    %dot_general3A_80 = tpu.matmul %max3A_24, %get3A_78, %dot_general3A_79 {dimension_numbers = #tpu.dot_dimension_numbers<[1], [1], [0], [0], [0, 0, 1, 0], [], []>, transpose_lhs_hint = false} : vector<24x512xf32>, vector<512x512xf32>, vector<24x512xf32> -> vector<24x512xf32>
    %get3A_81 = arith.constant 0 : index
    %get3A_82 = arith.constant 0 : index
    %get3A_83 = vector.load %arg18[%get3A_81, %get3A_82] : memref<512x512xf32, #tpu.memory_space<vmem>>, vector<512x512xf32>
    %dot_general3A_84 = arith.constant dense<0.000000e+00> : vector<24x512xf32>
    %dot_general3A_85 = tpu.matmul %max3A_75, %get3A_83, %dot_general3A_84 {dimension_numbers = #tpu.dot_dimension_numbers<[1], [1], [0], [0], [0, 0, 1, 0], [], []>, transpose_lhs_hint = false} : vector<24x512xf32>, vector<512x512xf32>, vector<24x512xf32> -> vector<24x512xf32>
    %add3A_86 = arith.addf %dot_general3A_80, %dot_general3A_85 : vector<24x512xf32>
    %get3A_87 = arith.constant 0 : index
    %get3A_88 = arith.constant 0 : index
    %get3A_89 = vector.load %arg11[%get3A_87, %get3A_88] : memref<24x512xf32, #tpu.memory_space<vmem>>, vector<24x512xf32>
    %add3A_90 = arith.addf %add3A_86, %get3A_89 : vector<24x512xf32>
    %tanh3A = math.tanh %add3A_90 : vector<24x512xf32>
    %mul3A_91 = arith.mulf %logistic3A_48, %tanh3A : vector<24x512xf32>
    %sub3A = arith.constant 1.000000e+00 : f32
    %sub3A_92 = vector.broadcast %sub3A : f32 to vector<24x512xf32>
    %sub3A_93 = arith.subf %sub3A_92, %logistic3A_48 : vector<24x512xf32>
    %mul3A_94 = arith.mulf %sub3A_93, %get3A_21 : vector<24x512xf32>
    %add3A_95 = arith.addf %mul3A_91, %mul3A_94 : vector<24x512xf32>
    %swap3A = arith.constant 0 : index
    %swap3A_96 = arith.constant 0 : index
    %swap3A_97 = vector.load %arg12[%swap3A, %swap3A_96] : memref<24x512xf32, #tpu.memory_space<vmem>>, vector<24x512xf32>
    tpu.vector_store %arg12[%swap3A, %swap3A_96], %add3A_95 {strides = array<i32>} : memref<24x512xf32, #tpu.memory_space<vmem>>, vector<24x512xf32>,
    return
  }
}

</mosaic_0001>

<sc_bundles>
// kernel: kernel.4.cloned.1.call-start
scs
__scs_entry_jumppad:
0x0: {  	(pc) =	sbr.rel $0x88, $3  }
0x1: {  	(tag) =	ssettag $0x0;
	lr =	simm.s32 $0x1  }
0x2: {  	[smem:$0x3F94] =	sst lr;
	_ =	strace $0xD0000000  }
0x3: {  	_ = 	snop  }
0x4: {  	_ = 	snop  }
0x5: {  	_ = 	snop  }
0x6: {  	_ = 	snop  }
0x7: {  	_ = 	snop  }
__scs_overlays_trampoline_lowered:
0x8: {  	[smem:$0x3FA3] =	sst s0  }
0x9: {  	[smem:$0x3FA4] =	sst s1  }
0xa: {  	[smem:$0x3FA5] =	sst s2  }
0xb: {  	[smem:$0x3FA6] =	sst s3  }
0xc: {  	[smem:$0x3FA7] =	sst s4  }
0xd: {  	[smem:$0x3FA8] =	sst s5  }
0xe: {  	[smem:$0x3FA9] =	sst s6  }
0xf: {  	[smem:$0x3FAA] =	sst s7  }
0x10: {  	[smem:$0x3FAB] =	sst s8  }
0x11: {  	[smem:$0x3FAC] =	sst s9;
	s0 =	simm.s32 @!p0 $0x0  }
0x12: {  	s1 =	sld [smem:$0x3F92];
	s0 =	simm.s32 @p0 $0x1  }
0x13: {  	[smem:$0x3FAD] =	sst s0;
	s0 =	simm.s32 @!p1 $0x0  }
0x14: {  	s2 =	sld [smem:$0x3F91];
	s0 =	simm.s32 @p1 $0x1  }
0x15: {  	[smem:$0x3FAE] =	sst s0;
	s0 =	simm.s32 @!p2 $0x0  }
0x16: {  	s3 =	sld [smem:$0x3FDB];
	s0 =	simm.s32 @p2 $0x1  }
0x17: {  	s4 =	simm.s32 $0x1BF5;
	[smem:$0x3FB0] =	sst s0  }
0x18: {  	s0 =	sld [smem:$0x3F93];
	_ =	swait.ge [sflag:s4], $0x0  }
0x19: {  	s7 =	sld [smem:$0x3F94]  }
0x1a: {  	s8 =	sadd.s32 $0xFFFFE003, lr  }
0x1b: {  	s9 =	sadd.s32 $0xFFFFFEF7, lr;
	s5 =	simm.s32 $0xFFFFFFFF;
	p2 =	slt.u32 s8, $0xFFFFF086  }
0x1c: {  	p1 =	slt.u32 s9, $0xF7A;
	s5 =	simm.s32 @!p2 $0x0  }
0x1d: {  	s5 =	simm.s32 @p1 $0x1;
	p0 =	seq.s32 s7, s2  }
0x1e: {  	s7 =	smul.u32 @!p0 $0xF7A, s2;
	p2 =	seq.s32 @!p0 s5, $0x0  }
0x1f: {  	s9 =	smul.u32 $0xF7A, s1;
	s8 =	simm.s32 @!p0 $0x1BF5;
	p2 =	por !p2, p0  }
0x20: {  	[sflag:s8] =	ssyncset.s32 @!p0 $0xFFFFF086;
	s6 =	sadd.s32 @!p0 s3, s7;
	s7 =	simm.s32 @!p0 $0x108  }
0x21: {  	s3 =	sadd.s32 s3, s9;
	s6 =	sadd.s32 @!p0 $0x88, s6;
	s7 =	simm.s32 @p2 $0x1082  }
0x22: {  	[simem:s7], [sflag:s8] =	dma.local @!p0 [hbm:s6], $0xF7A  }
0x23: {  	s9 =	sor.u32 $0xD0000000, s2;
	s6 =	simm.s32 $0x108;
	_ =	swait.ge @!p0 [sflag:s8], $0x0  }
0x24: {  	s3 =	sadd.s32 $0x88, s3;
	s6 =	simm.s32 @!p1 $0x1082;
	[sflag:s4] =	ssyncset.s32 $0xFFFFF086  }
0x25: {  	[simem:s6], [sflag:s4] =	dma.local [hbm:s3], $0xF7A  }
0x26: {  	[smem:$0x3F94] =	sst s1;
	(tag) =	ssettag s2;
	_ =	strace s9  }
0x27: {  	s1 =	sld [smem:$0x3FA4]  }
0x28: {  	s2 =	sld [smem:$0x3FA5]  }
0x29: {  	s4 =	sld [smem:$0x3FA7]  }
0x2a: {  	p0 =	seq.s32 s5, $0x0;
	s5 =	sld [smem:$0x3FA8]  }
0x2b: {  	s6 =	sld [smem:$0x3FA9]  }
0x2c: {  	s7 =	sld [smem:$0x3FAA]  }
0x2d: {  	s3 =	simm.s32 $0x108;
	s8 =	sld [smem:$0x3FAB]  }
0x2e: {  	s3 =	simm.s32 @!p0 $0x1082;
	s9 =	sld [smem:$0x3FAC]  }
0x2f: {  	lr =	sadd.s32 s0, s3;
	s0 =	sld [smem:$0x3FA3]  }
0x30: {  	s3 =	sld [smem:$0x3FA6]  }
0x31: {  	[smem:$0x3FAF] =	sst s10  }
0x32: {  	s10 =	sld [smem:$0x3FAD];
	_ =	sdelay $0x3  }
0x33: {  	p0 =	seq.s32 s10, $0x1;
	s10 =	sld [smem:$0x3FAF];
	_ =	sdelay $0x3  }
0x34: {  	[smem:$0x3FAF] =	sst s10  }
0x35: {  	s10 =	sld [smem:$0x3FAE];
	_ =	sdelay $0x3  }
0x36: {  	p1 =	seq.s32 s10, $0x1;
	s10 =	sld [smem:$0x3FAF];
	_ =	sdelay $0x3  }
0x37: {  	[smem:$0x3FAF] =	sst s10  }
0x38: {  	s10 =	sld [smem:$0x3FB0]  }
0x39: {  	_ = 	snop;
	(pc) =	sbr.ind lr, $3  }
0x3a: {  	_ = 	snop  }
0x3b: {  	_ = 	snop  }
0x3c: {  	p2 =	seq.s32 s10, $0x1;
	s10 =	sld [smem:$0x3FAF]  }
0x3d: {  	_ =	shalt  }
0x3e: {  	_ =	shalt  }
0x3f: {  	_ =	shalt  }
0x40: {  	_ =	shalt  }
0x41: {  	_ =	shalt  }
0x42: {  	_ =	shalt  }
0x43: {  	_ =	shalt  }
0x44: {  	_ =	shalt  }
0x45: {  	_ =	shalt  }
0x46: {  	_ =	shalt  }
0x47: {  	_ =	shalt  }
0x48: {  	_ =	shalt  }
0x49: {  	_ =	shalt  }
0x4a: {  	_ =	shalt  }
0x4b: {  	_ =	shalt  }
0x4c: {  	_ =	shalt  }
0x4d: {  	_ =	shalt  }
0x4e: {  	_ =	shalt  }
0x4f: {  	_ =	shalt  }
0x50: {  	_ =	shalt  }
0x51: {  	_ =	shalt  }
0x52: {  	_ =	shalt  }
0x53: {  	_ =	shalt  }
0x54: {  	_ =	shalt  }
0x55: {  	_ =	shalt  }
0x56: {  	_ =	shalt  }
0x57: {  	_ =	shalt  }
0x58: {  	_ =	shalt  }
0x59: {  	_ =	shalt  }
0x5a: {  	_ =	shalt  }
0x5b: {  	_ =	shalt  }
0x5c: {  	_ =	shalt  }
0x5d: {  	_ =	shalt  }
0x5e: {  	_ =	shalt  }
0x5f: {  	_ =	shalt  }
0x60: {  	_ =	shalt  }
0x61: {  	_ =	shalt  }
0x62: {  	_ =	shalt  }
0x63: {  	_ =	shalt  }
0x64: {  	_ =	shalt  }
0x65: {  	_ =	shalt  }
0x66: {  	_ =	shalt  }
0x67: {  	_ =	shalt  }
0x68: {  	_ =	shalt  }
0x69: {  	_ =	shalt  }
0x6a: {  	_ =	shalt  }
0x6b: {  	_ =	shalt  }
0x6c: {  	_ =	shalt  }
0x6d: {  	_ =	shalt  }
0x6e: {  	_ =	shalt  }
0x6f: {  	_ =	shalt  }
0x70: {  	_ =	shalt  }
0x71: {  	_ =	shalt  }
0x72: {  	_ =	shalt  }
0x73: {  	_ =	shalt  }
0x74: {  	_ =	shalt  }
0x75: {  	_ =	shalt  }
0x76: {  	_ =	shalt  }
0x77: {  	_ =	shalt  }
0x78: {  	_ =	shalt  }
0x79: {  	_ =	shalt  }
0x7a: {  	_ =	shalt  }
0x7b: {  	_ =	shalt  }
0x7c: {  	_ =	shalt  }
0x7d: {  	_ =	shalt  }
0x7e: {  	_ =	shalt  }
0x7f: {  	_ =	shalt  }
0x80: {  	_ =	shalt  }
0x81: {  	_ =	shalt  }
0x82: {  	_ =	shalt  }
0x83: {  	_ =	shalt  }
0x84: {  	_ =	shalt  }
0x85: {  	_ =	shalt  }
0x86: {  	_ =	shalt  }
0x87: {  	_ =	shalt  }
.Lfunc_end0:
.L_simem_size_0:
called_computation_lowered:
.L_overlay_start_0:
0x88: {  	s0 =	sld [smem:$0x3FD9]  }
0x89: {  	s1 =	sld [smem:$0x3FFE];
	_ =	sdelay $0x3  }
0x8a: {  	s0 =	sadd.s32 s1, s0  }
0x8b: {  	[smem:$0x3FBB] =	sst s0  }
0x8c: {  	_ = 	snop  }
0x8d: {  	s0 =	sld [smem:$0x3FC8]  }
0x8e: {  	s17 =	sld [smem:$0x3FC7]  }
0x8f: {  	s2 =	sld [smem:$0x3FD0];
	(tm) =	ssettm $0x1  }
0x90: {  	s3 =	sld [smem:$0x3FFB];
	_ =	sdelay $0x3  }
0x91: {  	_ =	strace s3  }
0x92: {  	s3 =	sld [smem:$0x3FFC];
	_ =	sdelay $0x3  }
0x93: {  	_ =	strace s3  }
0x94: {  	s3 =	sld [smem:$0x3FFD];
	_ =	sdelay $0x3  }
0x95: {  	_ =	strace s3  }
0x96: {  	_ =	strace $0x8FFFFFFF  }
0x97: {  	s18 =	sld [smem:$0x3FDB];
	_ =	sdelay $0x1  }
0x98: {  	s4 =	simm.s32 $_scs_section_size  }
0x99: {  	s5 =	simm.s32 $_size__tile_overlayer_lowered;
	s6 =	simm.s32 $_tile_overlayer_lowered  }
0x9a: {  	s21 =	simm.s32 $0x1BFF;
	s20 =	sshll.u32 s6, $0x1;
	s3 =	sadd.s32 s4, s18  }
0x9b: {  	s7 =	simm.s32 $0x0;
	s19 =	sshll.u32 s5, $0x1;
	s5 =	sadd.s32 s20, s3  }
0x9c: {  	[timem:s7], [sflag:s21] =	dma.local [hbm:s5], s19  }
0x9d: {  	_ =	swait.ge [sflag:s21], s19  }
0x9e: {  	s4 =	ssub.s32 $0x0, s19;
	[sflag:s21] =	ssyncset.done $0x0  }
0x9f: {  	[sflag:s21] =	ssyncadd.s32 s4;
	_ =	sdelay $0x1  }
0xa0: {  	s22 =	simm.s32 $0x1B8B  }
0xa1: {  	_ =	swait.ge [sflag:s22], $0x1  }
0xa2: {  	[sflag:s22] =	ssyncset.done $0x0  }
0xa3: {  	s23 =	simm.s32 $0x1B8E;
	[sflag:s22] =	ssyncadd.s32 $0xFFFFFFFF  }
0xa4: {  	s24 =	simm.s32 $execute0_lowered;
	[smem:$0x3FD2] =	sst s23  }
0xa5: {  	s4 =	sshll.u32 s24, $0x1;
	_ =	strace $0x80000046;
	[dreg:$0x1] =	wrdreg $0xFFFFFFFF  }
0xa6: {  	s25 =	simm.s32 $_size_execute0_lowered;
	s3 =	sadd.s32 s3, s4;
	[dreg:$0x0] =	wrdreg $0x0  }
0xa7: {  	s4 =	sshll.u32 s25, $0x1;
	[dreg:$0x2] =	wrdreg s3  }
0xa8: {  	[dreg:$0x3] =	wrdreg s4  }
0xa9: {  	[dreg:$0x4] =	wrdreg $0xC0  }
0xaa: {  	_ =	task [dreg:s7], $0x5FFFF  }
0xab: {  	[dreg:$0x1] =	wrdreg $0xFFFFFFFF  }
0xac: {  	[dreg:$0x0] =	wrdreg $0x60  }
0xad: {  	[dreg:$0x2] =	wrdreg s0  }
0xae: {  	[dreg:$0x3] =	wrdreg s17  }
0xaf: {  	[dreg:$0x4] =	wrdreg s2  }
0xb0: {  	[dreg:$0x5] =	wrdreg $0x9  }
0xb1: {  	_ =	task.clear_ibuf [dreg:s7], $0x6FFFF;
	_ =	strace $0x90000046  }
0xb2: {  	s26 =	simm.s32 $0x9;
	_ =	strace $0x80000048  }
0xb3: {  	_ =	swait.ge [sflag:s26], $0x1  }
0xb4: {  	[sflag:s26] =	ssyncadd.s32 $0xFFFFFFFF  }
0xb5: {  	_ =	strace $0x90000048  }
0xb6: {  	_ =	sfence  }
0xb7: {  	s28 =	sld [smem:$0x0];
	_ =	sdelay $0x1  }
0xb8: {  	s29 =	srdreg.scid  }
0xb9: {  	s30 =	sshll.u32 s29, $0xD;
	s31 =	sshrl.u32 s29, $0x2  }
0xba: {  	s1 =	sand.u32 $0x1, s29;
	s2 =	sand.u32 $0x4000, s30;
	s0 =	sadd.s32 s31, s28  }
0xbb: {  	s1 =	sor.u32 s2, s1;
	s0 =	sshll.u32 s0, $0x11  }
0xbc: {  	s0 =	sor.u32 s0, s1  }
0xbd: {  	s0 =	sadd.s32 $0x8F2B, s0  }
0xbe: {  	[sflag:s0] =	ssyncadd.remote.s32 $0x1  }
0xbf: {  	_ =	sfence.sel $0xFFFF  }
0xc0: {  	[dreg:$0x0] =	wrdreg $0xFFFFFFFF;
	(pc) =	sbr.abs _section_cstart, $3  }
0xc1: {  	[dreg:$0x1] =	wrdreg $0xFFFFFFFF  }
0xc2: {  	_ =	task.clear_ibuf [dreg:s7], $0x2FFFF;
	_ =	strace $0x9FFFFFFF  }
0xc3: {  	(tm) =	ssettm $0x7FFFFFFF  }
tec
execute0_lowered:
.L_overlay_start_1:
0x0: {  	(tag) =	ssettag $0x1  }
0x1: {  	s5 =	stileid.u32  }
0x2: {  	p0 =	sne.s32 s5, $0x0  }
.Ltmp0:
0x3: {  	s4 =	rddreg [dreg:$0x0];
	(pc) =	sbr.rel @p0 .LBB2_2-.Ltmp0, $4  }
0x4: {  	s3 =	rddreg [dreg:$0x1]  }
0x5: {  	s1 =	rddreg [dreg:$0x2];
	s2 =	simm.s32 $0x0  }
0x6: {  	[smem:$0x7FF] =	sst s2  }
0x7: {  	s0 =	rddreg [dreg:$0x3];
	_ =	strace $0x80000047  }
0x8: {  	s5 =	simm.s32 $0x80;
	s6 =	simm.s32 $0x100  }
0x9: {  	[tilespmem:s2], [sflag:$0x1] =	stream.strided.gather [hbm4b:s4+s5], $0x180, s6, s5, $0x38;
	[tilespmem:$0x1080] =	vst v63  }
0xa: {  	s24 =	sadd.s32 $0x10, s4;
	s7 =	simm.s32 $0x180  }
0xb: {  	[tilespmem:s7], [sflag:$0x2] =	stream.strided.gather [hbm4b:s24+s5], $0x180, s6, s5, $0x38;
	[tilespmem:$0x1080] =	vst v63  }
0xc: {  	s25 =	simm.s32 $0x300  }
0xd: {  	v0 =	vimm.f32 $0.0e+00;
	[tilespmem:s25], [sflag:$0x3] =	stream.linear.gather [hbm4b:s3+s2], $0x180, $0x38;
	[tilespmem:$0x1080] =	vst v63  }
0xe: {  	[tilespmem:$0x480] =	vst v0  }
0xf: {  	[tilespmem:$0x500] =	vst v0  }
0x10: {  	[tilespmem:$0x580] =	vst v0  }
0x11: {  	[tilespmem:$0x600] =	vst v0  }
0x12: {  	[tilespmem:$0x680] =	vst v0  }
0x13: {  	[tilespmem:$0x700] =	vst v0  }
0x14: {  	[tilespmem:$0x780] =	vst v0  }
0x15: {  	[tilespmem:$0x488] =	vst v0  }
0x16: {  	[tilespmem:$0x508] =	vst v0  }
0x17: {  	[tilespmem:$0x588] =	vst v0  }
0x18: {  	[tilespmem:$0x608] =	vst v0  }
0x19: {  	[tilespmem:$0x688] =	vst v0  }
0x1a: {  	[tilespmem:$0x708] =	vst v0  }
0x1b: {  	[tilespmem:$0x788] =	vst v0  }
0x1c: {  	[tilespmem:$0x800] =	vst v0  }
0x1d: {  	[tilespmem:$0x880] =	vst v0  }
0x1e: {  	[tilespmem:$0x900] =	vst v0  }
0x1f: {  	[tilespmem:$0x980] =	vst v0  }
0x20: {  	[tilespmem:$0xA00] =	vst v0  }
0x21: {  	[tilespmem:$0xA80] =	vst v0  }
0x22: {  	[tilespmem:$0xB00] =	vst v0  }
0x23: {  	[tilespmem:$0xB80] =	vst v0  }
0x24: {  	[tilespmem:$0xC00] =	vst v0  }
0x25: {  	[tilespmem:$0xC80] =	vst v0  }
0x26: {  	[tilespmem:$0xD00] =	vst v0  }
0x27: {  	[tilespmem:$0xD80] =	vst v0  }
0x28: {  	[tilespmem:$0xE00] =	vst v0  }
0x29: {  	[tilespmem:$0xE80] =	vst v0  }
0x2a: {  	[tilespmem:$0xF00] =	vst v0  }
0x2b: {  	[tilespmem:$0xF80] =	vst v0  }
0x2c: {  	[tilespmem:$0x1000] =	vst v0  }
0x2d: {  	[tilespmem:$0x808] =	vst v0  }
0x2e: {  	[tilespmem:$0x888] =	vst v0  }
0x2f: {  	[tilespmem:$0x908] =	vst v0  }
0x30: {  	[tilespmem:$0x988] =	vst v0  }
0x31: {  	[tilespmem:$0xA08] =	vst v0  }
0x32: {  	[tilespmem:$0xA88] =	vst v0  }
0x33: {  	[tilespmem:$0xB08] =	vst v0  }
0x34: {  	[tilespmem:$0xB88] =	vst v0  }
0x35: {  	[tilespmem:$0xC08] =	vst v0  }
0x36: {  	[tilespmem:$0xC88] =	vst v0  }
0x37: {  	[tilespmem:$0xD08] =	vst v0  }
0x38: {  	[tilespmem:$0xD88] =	vst v0  }
0x39: {  	[tilespmem:$0xE08] =	vst v0  }
0x3a: {  	[tilespmem:$0xE88] =	vst v0  }
0x3b: {  	[tilespmem:$0xF08] =	vst v0  }
0x3c: {  	[tilespmem:$0xF88] =	vst v0  }
0x3d: {  	s26 =	simm.s32 $0x1;
	[tilespmem:$0x1008] =	vst v0  }
0x3e: {  	_ =	swait.ge [sflag:s26], $0x180  }
0x3f: {  	[sflag:s26] =	ssyncset.done $0x0  }
0x40: {  	s28 =	simm.s32 $0x2;
	[sflag:s26] =	ssyncadd.s32 $0xFFFFFE80  }
0x41: {  	_ =	swait.ge [sflag:s28], $0x180  }
0x42: {  	[sflag:s28] =	ssyncset.done $0x0  }
0x43: {  	s29 =	simm.s32 $0x3;
	[sflag:s28] =	ssyncadd.s32 $0xFFFFFE80  }
0x44: {  	_ =	swait.ge [sflag:s29], $0x180  }
0x45: {  	[sflag:s29] =	ssyncset.done $0x0  }
0x46: {  	[sflag:s29] =	ssyncadd.s32 $0xFFFFFE80  }
0x47: {  	v53 =	vld [tilespmem:$0x0]  }
0x48: {  	v1 =	vld [tilespmem:$0x180];
	_ =	sdelay $0x4  }
0x49: {  	v2 =	vand.u32 $0xFFFFFF80, v53;
	v1 =	vshll.u32 v1, $0x7  }
0x4a: {  	v0 =	vand.u32 $0x7F, v53;
	v1 =	vadd.s32 v2, v1  }
0x4b: {  	vm0 =	vcmask $0x704;
	v54 =	vld [tilespmem:$0x300];
	v0 =	vor.u32 v0, v1  }
0x4c: {  	vm1 =	vcmask $0xB08  }
0x4d: {  	vm2 =	vcmask $0xF0C  }
0x4e: {  	vm3 =	vcmask $0x1310  }
0x4f: {  	s30 =	simm.s32 $0x480;
	vm4 =	vcmask $0x1714  }
0x50: {  	vm5 =	vcmask $0x1B18;
	[tilespmem:v0+s30+$0x0] =	vst.idx.add.f32.msk $0x1, v54  }
0x51: {  	vm6 =	vcmask $0x1F1C;
	[tilespmem:v0+s30+$0x0] =	vst.idx.add.f32.msk vm0, v54  }
0x52: {  	vm7 =	vcmask $0x2320;
	[tilespmem:v0+s30+$0x0] =	vst.idx.add.f32.msk vm1, v54  }
0x53: {  	vm8 =	vcmask $0x2724;
	[tilespmem:v0+s30+$0x0] =	vst.idx.add.f32.msk vm2, v54  }
0x54: {  	vm9 =	vcmask $0x2B28;
	[tilespmem:v0+s30+$0x0] =	vst.idx.add.f32.msk vm3, v54  }
0x55: {  	vm10 =	vcmask $0x2F2C;
	[tilespmem:v0+s30+$0x0] =	vst.idx.add.f32.msk vm4, v54  }
0x56: {  	vm11 =	vcmask $0x3330;
	[tilespmem:v0+s30+$0x0] =	vst.idx.add.f32.msk vm5, v54  }
0x57: {  	vm12 =	vcmask $0x3734;
	[tilespmem:v0+s30+$0x0] =	vst.idx.add.f32.msk vm6, v54  }
0x58: {  	vm13 =	vcmask $0x3B38;
	[tilespmem:v0+s30+$0x0] =	vst.idx.add.f32.msk vm7, v54  }
0x59: {  	vm14 =	vcmask $0x3F3C;
	[tilespmem:v0+s30+$0x0] =	vst.idx.add.f32.msk vm8, v54  }
0x5a: {  	[tilespmem:v0+s30+$0x0] =	vst.idx.add.f32.msk vm9, v54  }
0x5b: {  	[tilespmem:v0+s30+$0x0] =	vst.idx.add.f32.msk vm10, v54  }
0x5c: {  	[tilespmem:v0+s30+$0x0] =	vst.idx.add.f32.msk vm11, v54  }
0x5d: {  	[tilespmem:v0+s30+$0x0] =	vst.idx.add.f32.msk vm12, v54  }
0x5e: {  	[tilespmem:v0+s30+$0x0] =	vst.idx.add.f32.msk vm13, v54  }
0x5f: {  	[tilespmem:v0+s30+$0x0] =	vst.idx.add.f32.msk vm14, v54  }
0x60: {  	v0 =	vld [tilespmem:$0x10]  }
0x61: {  	v55 =	vld [tilespmem:$0x190];
	_ =	sdelay $0x4  }
0x62: {  	v56 =	vand.u32 $0xFFFFFF80, v0;
	v1 =	vshll.u32 v55, $0x7  }
0x63: {  	v0 =	vand.u32 $0x7F, v0;
	v1 =	vadd.s32 v56, v1  }
0x64: {  	v57 =	vld [tilespmem:$0x310];
	v0 =	vor.u32 v0, v1;
	_ =	sdelay $0x4  }
0x65: {  	[tilespmem:v0+s30+$0x0] =	vst.idx.add.f32.msk $0x1, v57  }
0x66: {  	[tilespmem:v0+s30+$0x0] =	vst.idx.add.f32.msk vm0, v57  }
0x67: {  	[tilespmem:v0+s30+$0x0] =	vst.idx.add.f32.msk vm1, v57  }
0x68: {  	[tilespmem:v0+s30+$0x0] =	vst.idx.add.f32.msk vm2, v57  }
0x69: {  	[tilespmem:v0+s30+$0x0] =	vst.idx.add.f32.msk vm3, v57  }
0x6a: {  	[tilespmem:v0+s30+$0x0] =	vst.idx.add.f32.msk vm4, v57  }
0x6b: {  	[tilespmem:v0+s30+$0x0] =	vst.idx.add.f32.msk vm5, v57  }
0x6c: {  	[tilespmem:v0+s30+$0x0] =	vst.idx.add.f32.msk vm6, v57  }
0x6d: {  	[tilespmem:v0+s30+$0x0] =	vst.idx.add.f32.msk vm7, v57  }
0x6e: {  	[tilespmem:v0+s30+$0x0] =	vst.idx.add.f32.msk vm8, v57  }
0x6f: {  	[tilespmem:v0+s30+$0x0] =	vst.idx.add.f32.msk vm9, v57  }
0x70: {  	[tilespmem:v0+s30+$0x0] =	vst.idx.add.f32.msk vm10, v57  }
0x71: {  	[tilespmem:v0+s30+$0x0] =	vst.idx.add.f32.msk vm11, v57  }
0x72: {  	[tilespmem:v0+s30+$0x0] =	vst.idx.add.f32.msk vm12, v57  }
0x73: {  	[tilespmem:v0+s30+$0x0] =	vst.idx.add.f32.msk vm13, v57  }
0x74: {  	[tilespmem:v0+s30+$0x0] =	vst.idx.add.f32.msk vm14, v57  }
0x75: {  	v0 =	vld [tilespmem:$0x20]  }
0x76: {  	v58 =	vld [tilespmem:$0x1A0];
	_ =	sdelay $0x4  }
0x77: {  	v59 =	vand.u32 $0xFFFFFF80, v0;
	v1 =	vshll.u32 v58, $0x7  }
0x78: {  	v0 =	vand.u32 $0x7F, v0;
	v1 =	vadd.s32 v59, v1  }
0x79: {  	v60 =	vld [tilespmem:$0x320];
	v0 =	vor.u32 v0, v1;
	_ =	sdelay $0x4  }
0x7a: {  	[tilespmem:v0+s30+$0x0] =	vst.idx.add.f32.msk $0x1, v60  }
0x7b: {  	[tilespmem:v0+s30+$0x0] =	vst.idx.add.f32.msk vm0, v60  }
0x7c: {  	[tilespmem:v0+s30+$0x0] =	vst.idx.add.f32.msk vm1, v60  }
0x7d: {  	[tilespmem:v0+s30+$0x0] =	vst.idx.add.f32.msk vm2, v60  }
0x7e: {  	[tilespmem:v0+s30+$0x0] =	vst.idx.add.f32.msk vm3, v60  }
0x7f: {  	[tilespmem:v0+s30+$0x0] =	vst.idx.add.f32.msk vm4, v60  }
0x80: {  	[tilespmem:v0+s30+$0x0] =	vst.idx.add.f32.msk vm5, v60  }
0x81: {  	[tilespmem:v0+s30+$0x0] =	vst.idx.add.f32.msk vm6, v60  }
0x82: {  	[tilespmem:v0+s30+$0x0] =	vst.idx.add.f32.msk vm7, v60  }
0x83: {  	[tilespmem:v0+s30+$0x0] =	vst.idx.add.f32.msk vm8, v60  }
0x84: {  	[tilespmem:v0+s30+$0x0] =	vst.idx.add.f32.msk vm9, v60  }
0x85: {  	[tilespmem:v0+s30+$0x0] =	vst.idx.add.f32.msk vm10, v60  }
0x86: {  	[tilespmem:v0+s30+$0x0] =	vst.idx.add.f32.msk vm11, v60  }
0x87: {  	[tilespmem:v0+s30+$0x0] =	vst.idx.add.f32.msk vm12, v60  }
0x88: {  	[tilespmem:v0+s30+$0x0] =	vst.idx.add.f32.msk vm13, v60  }
0x89: {  	[tilespmem:v0+s30+$0x0] =	vst.idx.add.f32.msk vm14, v60  }
0x8a: {  	v0 =	vld [tilespmem:$0x30]  }
0x8b: {  	v61 =	vld [tilespmem:$0x1B0];
	_ =	sdelay $0x4  }
0x8c: {  	v62 =	vand.u32 $0xFFFFFF80, v0;
	v1 =	vshll.u32 v61, $0x7  }
0x8d: {  	v0 =	vand.u32 $0x7F, v0;
	v1 =	vadd.s32 v62, v1  }
0x8e: {  	v63 =	vld [tilespmem:$0x330];
	v0 =	vor.u32 v0, v1;
	_ =	sdelay $0x4  }
0x8f: {  	[tilespmem:v0+s30+$0x0] =	vst.idx.add.f32.msk $0x1, v63  }
0x90: {  	[tilespmem:v0+s30+$0x0] =	vst.idx.add.f32.msk vm0, v63  }
0x91: {  	[tilespmem:v0+s30+$0x0] =	vst.idx.add.f32.msk vm1, v63  }
0x92: {  	[tilespmem:v0+s30+$0x0] =	vst.idx.add.f32.msk vm2, v63  }
0x93: {  	[tilespmem:v0+s30+$0x0] =	vst.idx.add.f32.msk vm3, v63  }
0x94: {  	[tilespmem:v0+s30+$0x0] =	vst.idx.add.f32.msk vm4, v63  }
0x95: {  	[tilespmem:v0+s30+$0x0] =	vst.idx.add.f32.msk vm5, v63  }
0x96: {  	[tilespmem:v0+s30+$0x0] =	vst.idx.add.f32.msk vm6, v63  }
0x97: {  	[tilespmem:v0+s30+$0x0] =	vst.idx.add.f32.msk vm7, v63  }
0x98: {  	[tilespmem:v0+s30+$0x0] =	vst.idx.add.f32.msk vm8, v63  }
0x99: {  	[tilespmem:v0+s30+$0x0] =	vst.idx.add.f32.msk vm9, v63  }
0x9a: {  	[tilespmem:v0+s30+$0x0] =	vst.idx.add.f32.msk vm10, v63  }
0x9b: {  	[tilespmem:v0+s30+$0x0] =	vst.idx.add.f32.msk vm11, v63  }
0x9c: {  	[tilespmem:v0+s30+$0x0] =	vst.idx.add.f32.msk vm12, v63  }
0x9d: {  	[tilespmem:v0+s30+$0x0] =	vst.idx.add.f32.msk vm13, v63  }
0x9e: {  	[tilespmem:v0+s30+$0x0] =	vst.idx.add.f32.msk vm14, v63  }
0x9f: {  	v0 =	vld [tilespmem:$0x40]  }
0xa0: {  	v4 =	vld [tilespmem:$0x1C0];
	_ =	sdelay $0x4  }
0xa1: {  	v5 =	vand.u32 $0xFFFFFF80, v0;
	v1 =	vshll.u32 v4, $0x7  }
0xa2: {  	v0 =	vand.u32 $0x7F, v0;
	v1 =	vadd.s32 v5, v1  }
0xa3: {  	v6 =	vld [tilespmem:$0x340];
	v0 =	vor.u32 v0, v1;
	_ =	sdelay $0x4  }
0xa4: {  	[tilespmem:v0+s30+$0x0] =	vst.idx.add.f32.msk $0x1, v6  }
0xa5: {  	[tilespmem:v0+s30+$0x0] =	vst.idx.add.f32.msk vm0, v6  }
0xa6: {  	[tilespmem:v0+s30+$0x0] =	vst.idx.add.f32.msk vm1, v6  }
0xa7: {  	[tilespmem:v0+s30+$0x0] =	vst.idx.add.f32.msk vm2, v6  }
0xa8: {  	[tilespmem:v0+s30+$0x0] =	vst.idx.add.f32.msk vm3, v6  }
0xa9: {  	[tilespmem:v0+s30+$0x0] =	vst.idx.add.f32.msk vm4, v6  }
0xaa: {  	[tilespmem:v0+s30+$0x0] =	vst.idx.add.f32.msk vm5, v6  }
0xab: {  	[tilespmem:v0+s30+$0x0] =	vst.idx.add.f32.msk vm6, v6  }
0xac: {  	[tilespmem:v0+s30+$0x0] =	vst.idx.add.f32.msk vm7, v6  }
0xad: {  	[tilespmem:v0+s30+$0x0] =	vst.idx.add.f32.msk vm8, v6  }
0xae: {  	[tilespmem:v0+s30+$0x0] =	vst.idx.add.f32.msk vm9, v6  }
0xaf: {  	[tilespmem:v0+s30+$0x0] =	vst.idx.add.f32.msk vm10, v6  }
0xb0: {  	[tilespmem:v0+s30+$0x0] =	vst.idx.add.f32.msk vm11, v6  }
0xb1: {  	[tilespmem:v0+s30+$0x0] =	vst.idx.add.f32.msk vm12, v6  }
0xb2: {  	[tilespmem:v0+s30+$0x0] =	vst.idx.add.f32.msk vm13, v6  }
0xb3: {  	[tilespmem:v0+s30+$0x0] =	vst.idx.add.f32.msk vm14, v6  }
0xb4: {  	v0 =	vld [tilespmem:$0x50]  }
0xb5: {  	v7 =	vld [tilespmem:$0x1D0];
	_ =	sdelay $0x4  }
0xb6: {  	v8 =	vand.u32 $0xFFFFFF80, v0;
	v1 =	vshll.u32 v7, $0x7  }
0xb7: {  	v0 =	vand.u32 $0x7F, v0;
	v1 =	vadd.s32 v8, v1  }
0xb8: {  	v9 =	vld [tilespmem:$0x350];
	v0 =	vor.u32 v0, v1;
	_ =	sdelay $0x4  }
0xb9: {  	[tilespmem:v0+s30+$0x0] =	vst.idx.add.f32.msk $0x1, v9  }
0xba: {  	[tilespmem:v0+s30+$0x0] =	vst.idx.add.f32.msk vm0, v9  }
0xbb: {  	[tilespmem:v0+s30+$0x0] =	vst.idx.add.f32.msk vm1, v9  }
0xbc: {  	[tilespmem:v0+s30+$0x0] =	vst.idx.add.f32.msk vm2, v9  }
0xbd: {  	[tilespmem:v0+s30+$0x0] =	vst.idx.add.f32.msk vm3, v9  }
0xbe: {  	[tilespmem:v0+s30+$0x0] =	vst.idx.add.f32.msk vm4, v9  }
0xbf: {  	[tilespmem:v0+s30+$0x0] =	vst.idx.add.f32.msk vm5, v9  }
0xc0: {  	[tilespmem:v0+s30+$0x0] =	vst.idx.add.f32.msk vm6, v9  }
0xc1: {  	[tilespmem:v0+s30+$0x0] =	vst.idx.add.f32.msk vm7, v9  }
0xc2: {  	[tilespmem:v0+s30+$0x0] =	vst.idx.add.f32.msk vm8, v9  }
0xc3: {  	[tilespmem:v0+s30+$0x0] =	vst.idx.add.f32.msk vm9, v9  }
0xc4: {  	[tilespmem:v0+s30+$0x0] =	vst.idx.add.f32.msk vm10, v9  }
0xc5: {  	[tilespmem:v0+s30+$0x0] =	vst.idx.add.f32.msk vm11, v9  }
0xc6: {  	[tilespmem:v0+s30+$0x0] =	vst.idx.add.f32.msk vm12, v9  }
0xc7: {  	[tilespmem:v0+s30+$0x0] =	vst.idx.add.f32.msk vm13, v9  }
0xc8: {  	[tilespmem:v0+s30+$0x0] =	vst.idx.add.f32.msk vm14, v9  }
0xc9: {  	v0 =	vld [tilespmem:$0x60]  }
0xca: {  	v10 =	vld [tilespmem:$0x1E0];
	_ =	sdelay $0x4  }
0xcb: {  	v11 =	vand.u32 $0xFFFFFF80, v0;
	v1 =	vshll.u32 v10, $0x7  }
0xcc: {  	v0 =	vand.u32 $0x7F, v0;
	v1 =	vadd.s32 v11, v1  }
0xcd: {  	v12 =	vld [tilespmem:$0x360];
	v0 =	vor.u32 v0, v1;
	_ =	sdelay $0x4  }
0xce: {  	[tilespmem:v0+s30+$0x0] =	vst.idx.add.f32.msk $0x1, v12  }
0xcf: {  	[tilespmem:v0+s30+$0x0] =	vst.idx.add.f32.msk vm0, v12  }
0xd0: {  	[tilespmem:v0+s30+$0x0] =	vst.idx.add.f32.msk vm1, v12  }
0xd1: {  	[tilespmem:v0+s30+$0x0] =	vst.idx.add.f32.msk vm2, v12  }
0xd2: {  	[tilespmem:v0+s30+$0x0] =	vst.idx.add.f32.msk vm3, v12  }
0xd3: {  	[tilespmem:v0+s30+$0x0] =	vst.idx.add.f32.msk vm4, v12  }
0xd4: {  	[tilespmem:v0+s30+$0x0] =	vst.idx.add.f32.msk vm5, v12  }
0xd5: {  	[tilespmem:v0+s30+$0x0] =	vst.idx.add.f32.msk vm6, v12  }
0xd6: {  	[tilespmem:v0+s30+$0x0] =	vst.idx.add.f32.msk vm7, v12  }
0xd7: {  	[tilespmem:v0+s30+$0x0] =	vst.idx.add.f32.msk vm8, v12  }
0xd8: {  	[tilespmem:v0+s30+$0x0] =	vst.idx.add.f32.msk vm9, v12  }
0xd9: {  	[tilespmem:v0+s30+$0x0] =	vst.idx.add.f32.msk vm10, v12  }
0xda: {  	[tilespmem:v0+s30+$0x0] =	vst.idx.add.f32.msk vm11, v12  }
0xdb: {  	[tilespmem:v0+s30+$0x0] =	vst.idx.add.f32.msk vm12, v12  }
0xdc: {  	[tilespmem:v0+s30+$0x0] =	vst.idx.add.f32.msk vm13, v12  }
0xdd: {  	[tilespmem:v0+s30+$0x0] =	vst.idx.add.f32.msk vm14, v12  }
0xde: {  	v0 =	vld [tilespmem:$0x70]  }
0xdf: {  	v13 =	vld [tilespmem:$0x1F0];
	_ =	sdelay $0x4  }
0xe0: {  	v14 =	vand.u32 $0xFFFFFF80, v0;
	v1 =	vshll.u32 v13, $0x7  }
0xe1: {  	v0 =	vand.u32 $0x7F, v0;
	v1 =	vadd.s32 v14, v1  }
0xe2: {  	v15 =	vld [tilespmem:$0x370];
	v0 =	vor.u32 v0, v1;
	_ =	sdelay $0x4  }
0xe3: {  	[tilespmem:v0+s30+$0x0] =	vst.idx.add.f32.msk $0x1, v15  }
0xe4: {  	[tilespmem:v0+s30+$0x0] =	vst.idx.add.f32.msk vm0, v15  }
0xe5: {  	[tilespmem:v0+s30+$0x0] =	vst.idx.add.f32.msk vm1, v15  }
0xe6: {  	[tilespmem:v0+s30+$0x0] =	vst.idx.add.f32.msk vm2, v15  }
0xe7: {  	[tilespmem:v0+s30+$0x0] =	vst.idx.add.f32.msk vm3, v15  }
0xe8: {  	[tilespmem:v0+s30+$0x0] =	vst.idx.add.f32.msk vm4, v15  }
0xe9: {  	[tilespmem:v0+s30+$0x0] =	vst.idx.add.f32.msk vm5, v15  }
0xea: {  	[tilespmem:v0+s30+$0x0] =	vst.idx.add.f32.msk vm6, v15  }
0xeb: {  	[tilespmem:v0+s30+$0x0] =	vst.idx.add.f32.msk vm7, v15  }
0xec: {  	[tilespmem:v0+s30+$0x0] =	vst.idx.add.f32.msk vm8, v15  }
0xed: {  	[tilespmem:v0+s30+$0x0] =	vst.idx.add.f32.msk vm9, v15  }
0xee: {  	[tilespmem:v0+s30+$0x0] =	vst.idx.add.f32.msk vm10, v15  }
0xef: {  	[tilespmem:v0+s30+$0x0] =	vst.idx.add.f32.msk vm11, v15  }
0xf0: {  	[tilespmem:v0+s30+$0x0] =	vst.idx.add.f32.msk vm12, v15  }
0xf1: {  	[tilespmem:v0+s30+$0x0] =	vst.idx.add.f32.msk vm13, v15  }
0xf2: {  	[tilespmem:v0+s30+$0x0] =	vst.idx.add.f32.msk vm14, v15  }
0xf3: {  	v0 =	vld [tilespmem:$0x80]  }
0xf4: {  	v16 =	vld [tilespmem:$0x200];
	_ =	sdelay $0x4  }
0xf5: {  	v17 =	vand.u32 $0xFFFFFF80, v0;
	v1 =	vshll.u32 v16, $0x7  }
0xf6: {  	v0 =	vand.u32 $0x7F, v0;
	v1 =	vadd.s32 v17, v1  }
0xf7: {  	v18 =	vld [tilespmem:$0x380];
	v0 =	vor.u32 v0, v1;
	_ =	sdelay $0x4  }
0xf8: {  	[tilespmem:v0+s30+$0x0] =	vst.idx.add.f32.msk $0x1, v18  }
0xf9: {  	[tilespmem:v0+s30+$0x0] =	vst.idx.add.f32.msk vm0, v18  }
0xfa: {  	[tilespmem:v0+s30+$0x0] =	vst.idx.add.f32.msk vm1, v18  }
0xfb: {  	[tilespmem:v0+s30+$0x0] =	vst.idx.add.f32.msk vm2, v18  }
0xfc: {  	[tilespmem:v0+s30+$0x0] =	vst.idx.add.f32.msk vm3, v18  }
0xfd: {  	[tilespmem:v0+s30+$0x0] =	vst.idx.add.f32.msk vm4, v18  }
0xfe: {  	[tilespmem:v0+s30+$0x0] =	vst.idx.add.f32.msk vm5, v18  }
0xff: {  	[tilespmem:v0+s30+$0x0] =	vst.idx.add.f32.msk vm6, v18  }
0x100: {  	[tilespmem:v0+s30+$0x0] =	vst.idx.add.f32.msk vm7, v18  }
0x101: {  	[tilespmem:v0+s30+$0x0] =	vst.idx.add.f32.msk vm8, v18  }
0x102: {  	[tilespmem:v0+s30+$0x0] =	vst.idx.add.f32.msk vm9, v18  }
0x103: {  	[tilespmem:v0+s30+$0x0] =	vst.idx.add.f32.msk vm10, v18  }
0x104: {  	[tilespmem:v0+s30+$0x0] =	vst.idx.add.f32.msk vm11, v18  }
0x105: {  	[tilespmem:v0+s30+$0x0] =	vst.idx.add.f32.msk vm12, v18  }
0x106: {  	[tilespmem:v0+s30+$0x0] =	vst.idx.add.f32.msk vm13, v18  }
0x107: {  	[tilespmem:v0+s30+$0x0] =	vst.idx.add.f32.msk vm14, v18  }
0x108: {  	v0 =	vld [tilespmem:$0x90]  }
0x109: {  	v19 =	vld [tilespmem:$0x210];
	_ =	sdelay $0x4  }
0x10a: {  	v20 =	vand.u32 $0xFFFFFF80, v0;
	v1 =	vshll.u32 v19, $0x7  }
0x10b: {  	v0 =	vand.u32 $0x7F, v0;
	v1 =	vadd.s32 v20, v1  }
0x10c: {  	v21 =	vld [tilespmem:$0x390];
	v0 =	vor.u32 v0, v1;
	_ =	sdelay $0x4  }
0x10d: {  	[tilespmem:v0+s30+$0x0] =	vst.idx.add.f32.msk $0x1, v21  }
0x10e: {  	[tilespmem:v0+s30+$0x0] =	vst.idx.add.f32.msk vm0, v21  }
0x10f: {  	[tilespmem:v0+s30+$0x0] =	vst.idx.add.f32.msk vm1, v21  }
0x110: {  	[tilespmem:v0+s30+$0x0] =	vst.idx.add.f32.msk vm2, v21  }
0x111: {  	[tilespmem:v0+s30+$0x0] =	vst.idx.add.f32.msk vm3, v21  }
0x112: {  	[tilespmem:v0+s30+$0x0] =	vst.idx.add.f32.msk vm4, v21  }
0x113: {  	[tilespmem:v0+s30+$0x0] =	vst.idx.add.f32.msk vm5, v21  }
0x114: {  	[tilespmem:v0+s30+$0x0] =	vst.idx.add.f32.msk vm6, v21  }
0x115: {  	[tilespmem:v0+s30+$0x0] =	vst.idx.add.f32.msk vm7, v21  }
0x116: {  	[tilespmem:v0+s30+$0x0] =	vst.idx.add.f32.msk vm8, v21  }
0x117: {  	[tilespmem:v0+s30+$0x0] =	vst.idx.add.f32.msk vm9, v21  }
0x118: {  	[tilespmem:v0+s30+$0x0] =	vst.idx.add.f32.msk vm10, v21  }
0x119: {  	[tilespmem:v0+s30+$0x0] =	vst.idx.add.f32.msk vm11, v21  }
0x11a: {  	[tilespmem:v0+s30+$0x0] =	vst.idx.add.f32.msk vm12, v21  }
0x11b: {  	[tilespmem:v0+s30+$0x0] =	vst.idx.add.f32.msk vm13, v21  }
0x11c: {  	[tilespmem:v0+s30+$0x0] =	vst.idx.add.f32.msk vm14, v21  }
0x11d: {  	v0 =	vld [tilespmem:$0xA0]  }
0x11e: {  	v22 =	vld [tilespmem:$0x220];
	_ =	sdelay $0x4  }
0x11f: {  	v23 =	vand.u32 $0xFFFFFF80, v0;
	v1 =	vshll.u32 v22, $0x7  }
0x120: {  	v0 =	vand.u32 $0x7F, v0;
	v1 =	vadd.s32 v23, v1  }
0x121: {  	v24 =	vld [tilespmem:$0x3A0];
	v0 =	vor.u32 v0, v1;
	_ =	sdelay $0x4  }
0x122: {  	[tilespmem:v0+s30+$0x0] =	vst.idx.add.f32.msk $0x1, v24  }
0x123: {  	[tilespmem:v0+s30+$0x0] =	vst.idx.add.f32.msk vm0, v24  }
0x124: {  	[tilespmem:v0+s30+$0x0] =	vst.idx.add.f32.msk vm1, v24  }
0x125: {  	[tilespmem:v0+s30+$0x0] =	vst.idx.add.f32.msk vm2, v24  }
0x126: {  	[tilespmem:v0+s30+$0x0] =	vst.idx.add.f32.msk vm3, v24  }
0x127: {  	[tilespmem:v0+s30+$0x0] =	vst.idx.add.f32.msk vm4, v24  }
0x128: {  	[tilespmem:v0+s30+$0x0] =	vst.idx.add.f32.msk vm5, v24  }
0x129: {  	[tilespmem:v0+s30+$0x0] =	vst.idx.add.f32.msk vm6, v24  }
0x12a: {  	[tilespmem:v0+s30+$0x0] =	vst.idx.add.f32.msk vm7, v24  }
0x12b: {  	[tilespmem:v0+s30+$0x0] =	vst.idx.add.f32.msk vm8, v24  }
0x12c: {  	[tilespmem:v0+s30+$0x0] =	vst.idx.add.f32.msk vm9, v24  }
0x12d: {  	[tilespmem:v0+s30+$0x0] =	vst.idx.add.f32.msk vm10, v24  }
0x12e: {  	[tilespmem:v0+s30+$0x0] =	vst.idx.add.f32.msk vm11, v24  }
0x12f: {  	[tilespmem:v0+s30+$0x0] =	vst.idx.add.f32.msk vm12, v24  }
0x130: {  	[tilespmem:v0+s30+$0x0] =	vst.idx.add.f32.msk vm13, v24  }
0x131: {  	[tilespmem:v0+s30+$0x0] =	vst.idx.add.f32.msk vm14, v24  }
0x132: {  	v0 =	vld [tilespmem:$0xB0]  }
0x133: {  	v25 =	vld [tilespmem:$0x230];
	_ =	sdelay $0x4  }
0x134: {  	v26 =	vand.u32 $0xFFFFFF80, v0;
	v1 =	vshll.u32 v25, $0x7  }
0x135: {  	v0 =	vand.u32 $0x7F, v0;
	v1 =	vadd.s32 v26, v1  }
0x136: {  	v27 =	vld [tilespmem:$0x3B0];
	v0 =	vor.u32 v0, v1;
	_ =	sdelay $0x4  }
0x137: {  	[tilespmem:v0+s30+$0x0] =	vst.idx.add.f32.msk $0x1, v27  }
0x138: {  	[tilespmem:v0+s30+$0x0] =	vst.idx.add.f32.msk vm0, v27  }
0x139: {  	[tilespmem:v0+s30+$0x0] =	vst.idx.add.f32.msk vm1, v27  }
0x13a: {  	[tilespmem:v0+s30+$0x0] =	vst.idx.add.f32.msk vm2, v27  }
0x13b: {  	[tilespmem:v0+s30+$0x0] =	vst.idx.add.f32.msk vm3, v27  }
0x13c: {  	[tilespmem:v0+s30+$0x0] =	vst.idx.add.f32.msk vm4, v27  }
0x13d: {  	[tilespmem:v0+s30+$0x0] =	vst.idx.add.f32.msk vm5, v27  }
0x13e: {  	[tilespmem:v0+s30+$0x0] =	vst.idx.add.f32.msk vm6, v27  }
0x13f: {  	[tilespmem:v0+s30+$0x0] =	vst.idx.add.f32.msk vm7, v27  }
0x140: {  	[tilespmem:v0+s30+$0x0] =	vst.idx.add.f32.msk vm8, v27  }
0x141: {  	[tilespmem:v0+s30+$0x0] =	vst.idx.add.f32.msk vm9, v27  }
0x142: {  	[tilespmem:v0+s30+$0x0] =	vst.idx.add.f32.msk vm10, v27  }
0x143: {  	[tilespmem:v0+s30+$0x0] =	vst.idx.add.f32.msk vm11, v27  }
0x144: {  	[tilespmem:v0+s30+$0x0] =	vst.idx.add.f32.msk vm12, v27  }
0x145: {  	[tilespmem:v0+s30+$0x0] =	vst.idx.add.f32.msk vm13, v27  }
0x146: {  	[tilespmem:v0+s30+$0x0] =	vst.idx.add.f32.msk vm14, v27  }
0x147: {  	v0 =	vld [tilespmem:$0xC0]  }
0x148: {  	v28 =	vld [tilespmem:$0x240];
	_ =	sdelay $0x4  }
0x149: {  	v29 =	vand.u32 $0xFFFFFF80, v0;
	v1 =	vshll.u32 v28, $0x7  }
0x14a: {  	v0 =	vand.u32 $0x7F, v0;
	v1 =	vadd.s32 v29, v1  }
0x14b: {  	v30 =	vld [tilespmem:$0x3C0];
	v0 =	vor.u32 v0, v1;
	_ =	sdelay $0x4  }
0x14c: {  	[tilespmem:v0+s30+$0x0] =	vst.idx.add.f32.msk $0x1, v30  }
0x14d: {  	[tilespmem:v0+s30+$0x0] =	vst.idx.add.f32.msk vm0, v30  }
0x14e: {  	[tilespmem:v0+s30+$0x0] =	vst.idx.add.f32.msk vm1, v30  }
0x14f: {  	[tilespmem:v0+s30+$0x0] =	vst.idx.add.f32.msk vm2, v30  }
0x150: {  	[tilespmem:v0+s30+$0x0] =	vst.idx.add.f32.msk vm3, v30  }
0x151: {  	[tilespmem:v0+s30+$0x0] =	vst.idx.add.f32.msk vm4, v30  }
0x152: {  	[tilespmem:v0+s30+$0x0] =	vst.idx.add.f32.msk vm5, v30  }
0x153: {  	[tilespmem:v0+s30+$0x0] =	vst.idx.add.f32.msk vm6, v30  }
0x154: {  	[tilespmem:v0+s30+$0x0] =	vst.idx.add.f32.msk vm7, v30  }
0x155: {  	[tilespmem:v0+s30+$0x0] =	vst.idx.add.f32.msk vm8, v30  }
0x156: {  	[tilespmem:v0+s30+$0x0] =	vst.idx.add.f32.msk vm9, v30  }
0x157: {  	[tilespmem:v0+s30+$0x0] =	vst.idx.add.f32.msk vm10, v30  }
0x158: {  	[tilespmem:v0+s30+$0x0] =	vst.idx.add.f32.msk vm11, v30  }
0x159: {  	[tilespmem:v0+s30+$0x0] =	vst.idx.add.f32.msk vm12, v30  }
0x15a: {  	[tilespmem:v0+s30+$0x0] =	vst.idx.add.f32.msk vm13, v30  }
0x15b: {  	[tilespmem:v0+s30+$0x0] =	vst.idx.add.f32.msk vm14, v30  }
0x15c: {  	v0 =	vld [tilespmem:$0xD0]  }
0x15d: {  	v31 =	vld [tilespmem:$0x250];
	_ =	sdelay $0x4  }
0x15e: {  	v32 =	vand.u32 $0xFFFFFF80, v0;
	v1 =	vshll.u32 v31, $0x7  }
0x15f: {  	v0 =	vand.u32 $0x7F, v0;
	v1 =	vadd.s32 v32, v1  }
0x160: {  	v33 =	vld [tilespmem:$0x3D0];
	v0 =	vor.u32 v0, v1;
	_ =	sdelay $0x4  }
0x161: {  	[tilespmem:v0+s30+$0x0] =	vst.idx.add.f32.msk $0x1, v33  }
0x162: {  	[tilespmem:v0+s30+$0x0] =	vst.idx.add.f32.msk vm0, v33  }
0x163: {  	[tilespmem:v0+s30+$0x0] =	vst.idx.add.f32.msk vm1, v33  }
0x164: {  	[tilespmem:v0+s30+$0x0] =	vst.idx.add.f32.msk vm2, v33  }
0x165: {  	[tilespmem:v0+s30+$0x0] =	vst.idx.add.f32.msk vm3, v33  }
0x166: {  	[tilespmem:v0+s30+$0x0] =	vst.idx.add.f32.msk vm4, v33  }
0x167: {  	[tilespmem:v0+s30+$0x0] =	vst.idx.add.f32.msk vm5, v33  }
0x168: {  	[tilespmem:v0+s30+$0x0] =	vst.idx.add.f32.msk vm6, v33  }
0x169: {  	[tilespmem:v0+s30+$0x0] =	vst.idx.add.f32.msk vm7, v33  }
0x16a: {  	[tilespmem:v0+s30+$0x0] =	vst.idx.add.f32.msk vm8, v33  }
0x16b: {  	[tilespmem:v0+s30+$0x0] =	vst.idx.add.f32.msk vm9, v33  }
0x16c: {  	[tilespmem:v0+s30+$0x0] =	vst.idx.add.f32.msk vm10, v33  }
0x16d: {  	[tilespmem:v0+s30+$0x0] =	vst.idx.add.f32.msk vm11, v33  }
0x16e: {  	[tilespmem:v0+s30+$0x0] =	vst.idx.add.f32.msk vm12, v33  }
0x16f: {  	[tilespmem:v0+s30+$0x0] =	vst.idx.add.f32.msk vm13, v33  }
0x170: {  	[tilespmem:v0+s30+$0x0] =	vst.idx.add.f32.msk vm14, v33  }
0x171: {  	v0 =	vld [tilespmem:$0xE0]  }
0x172: {  	v34 =	vld [tilespmem:$0x260];
	_ =	sdelay $0x4  }
0x173: {  	v35 =	vand.u32 $0xFFFFFF80, v0;
	v1 =	vshll.u32 v34, $0x7  }
0x174: {  	v0 =	vand.u32 $0x7F, v0;
	v1 =	vadd.s32 v35, v1  }
0x175: {  	v36 =	vld [tilespmem:$0x3E0];
	v0 =	vor.u32 v0, v1;
	_ =	sdelay $0x4  }
0x176: {  	[tilespmem:v0+s30+$0x0] =	vst.idx.add.f32.msk $0x1, v36  }
0x177: {  	[tilespmem:v0+s30+$0x0] =	vst.idx.add.f32.msk vm0, v36  }
0x178: {  	[tilespmem:v0+s30+$0x0] =	vst.idx.add.f32.msk vm1, v36  }
0x179: {  	[tilespmem:v0+s30+$0x0] =	vst.idx.add.f32.msk vm2, v36  }
0x17a: {  	[tilespmem:v0+s30+$0x0] =	vst.idx.add.f32.msk vm3, v36  }
0x17b: {  	[tilespmem:v0+s30+$0x0] =	vst.idx.add.f32.msk vm4, v36  }
0x17c: {  	[tilespmem:v0+s30+$0x0] =	vst.idx.add.f32.msk vm5, v36  }
0x17d: {  	[tilespmem:v0+s30+$0x0] =	vst.idx.add.f32.msk vm6, v36  }
0x17e: {  	[tilespmem:v0+s30+$0x0] =	vst.idx.add.f32.msk vm7, v36  }
0x17f: {  	[tilespmem:v0+s30+$0x0] =	vst.idx.add.f32.msk vm8, v36  }
0x180: {  	[tilespmem:v0+s30+$0x0] =	vst.idx.add.f32.msk vm9, v36  }
0x181: {  	[tilespmem:v0+s30+$0x0] =	vst.idx.add.f32.msk vm10, v36  }
0x182: {  	[tilespmem:v0+s30+$0x0] =	vst.idx.add.f32.msk vm11, v36  }
0x183: {  	[tilespmem:v0+s30+$0x0] =	vst.idx.add.f32.msk vm12, v36  }
0x184: {  	[tilespmem:v0+s30+$0x0] =	vst.idx.add.f32.msk vm13, v36  }
0x185: {  	[tilespmem:v0+s30+$0x0] =	vst.idx.add.f32.msk vm14, v36  }
0x186: {  	v0 =	vld [tilespmem:$0xF0]  }
0x187: {  	v37 =	vld [tilespmem:$0x270];
	_ =	sdelay $0x4  }
0x188: {  	v38 =	vand.u32 $0xFFFFFF80, v0;
	v1 =	vshll.u32 v37, $0x7  }
0x189: {  	v0 =	vand.u32 $0x7F, v0;
	v1 =	vadd.s32 v38, v1  }
0x18a: {  	v39 =	vld [tilespmem:$0x3F0];
	v0 =	vor.u32 v0, v1;
	_ =	sdelay $0x4  }
0x18b: {  	[tilespmem:v0+s30+$0x0] =	vst.idx.add.f32.msk $0x1, v39  }
0x18c: {  	[tilespmem:v0+s30+$0x0] =	vst.idx.add.f32.msk vm0, v39  }
0x18d: {  	[tilespmem:v0+s30+$0x0] =	vst.idx.add.f32.msk vm1, v39  }
0x18e: {  	[tilespmem:v0+s30+$0x0] =	vst.idx.add.f32.msk vm2, v39  }
0x18f: {  	[tilespmem:v0+s30+$0x0] =	vst.idx.add.f32.msk vm3, v39  }
0x190: {  	[tilespmem:v0+s30+$0x0] =	vst.idx.add.f32.msk vm4, v39  }
0x191: {  	[tilespmem:v0+s30+$0x0] =	vst.idx.add.f32.msk vm5, v39  }
0x192: {  	[tilespmem:v0+s30+$0x0] =	vst.idx.add.f32.msk vm6, v39  }
0x193: {  	[tilespmem:v0+s30+$0x0] =	vst.idx.add.f32.msk vm7, v39  }
0x194: {  	[tilespmem:v0+s30+$0x0] =	vst.idx.add.f32.msk vm8, v39  }
0x195: {  	[tilespmem:v0+s30+$0x0] =	vst.idx.add.f32.msk vm9, v39  }
0x196: {  	[tilespmem:v0+s30+$0x0] =	vst.idx.add.f32.msk vm10, v39  }
0x197: {  	[tilespmem:v0+s30+$0x0] =	vst.idx.add.f32.msk vm11, v39  }
0x198: {  	[tilespmem:v0+s30+$0x0] =	vst.idx.add.f32.msk vm12, v39  }
0x199: {  	[tilespmem:v0+s30+$0x0] =	vst.idx.add.f32.msk vm13, v39  }
0x19a: {  	[tilespmem:v0+s30+$0x0] =	vst.idx.add.f32.msk vm14, v39  }
0x19b: {  	v0 =	vld [tilespmem:$0x100]  }
0x19c: {  	v40 =	vld [tilespmem:$0x280];
	_ =	sdelay $0x4  }
0x19d: {  	v41 =	vand.u32 $0xFFFFFF80, v0;
	v1 =	vshll.u32 v40, $0x7  }
0x19e: {  	v0 =	vand.u32 $0x7F, v0;
	v1 =	vadd.s32 v41, v1  }
0x19f: {  	v42 =	vld [tilespmem:$0x400];
	v0 =	vor.u32 v0, v1;
	_ =	sdelay $0x4  }
0x1a0: {  	[tilespmem:v0+s30+$0x0] =	vst.idx.add.f32.msk $0x1, v42  }
0x1a1: {  	[tilespmem:v0+s30+$0x0] =	vst.idx.add.f32.msk vm0, v42  }
0x1a2: {  	[tilespmem:v0+s30+$0x0] =	vst.idx.add.f32.msk vm1, v42  }
0x1a3: {  	[tilespmem:v0+s30+$0x0] =	vst.idx.add.f32.msk vm2, v42  }
0x1a4: {  	[tilespmem:v0+s30+$0x0] =	vst.idx.add.f32.msk vm3, v42  }
0x1a5: {  	[tilespmem:v0+s30+$0x0] =	vst.idx.add.f32.msk vm4, v42  }
0x1a6: {  	[tilespmem:v0+s30+$0x0] =	vst.idx.add.f32.msk vm5, v42  }
0x1a7: {  	[tilespmem:v0+s30+$0x0] =	vst.idx.add.f32.msk vm6, v42  }
0x1a8: {  	[tilespmem:v0+s30+$0x0] =	vst.idx.add.f32.msk vm7, v42  }
0x1a9: {  	[tilespmem:v0+s30+$0x0] =	vst.idx.add.f32.msk vm8, v42  }
0x1aa: {  	[tilespmem:v0+s30+$0x0] =	vst.idx.add.f32.msk vm9, v42  }
0x1ab: {  	[tilespmem:v0+s30+$0x0] =	vst.idx.add.f32.msk vm10, v42  }
0x1ac: {  	[tilespmem:v0+s30+$0x0] =	vst.idx.add.f32.msk vm11, v42  }
0x1ad: {  	[tilespmem:v0+s30+$0x0] =	vst.idx.add.f32.msk vm12, v42  }
0x1ae: {  	[tilespmem:v0+s30+$0x0] =	vst.idx.add.f32.msk vm13, v42  }
0x1af: {  	[tilespmem:v0+s30+$0x0] =	vst.idx.add.f32.msk vm14, v42  }
0x1b0: {  	v0 =	vld [tilespmem:$0x110]  }
0x1b1: {  	v43 =	vld [tilespmem:$0x290];
	_ =	sdelay $0x4  }
0x1b2: {  	v44 =	vand.u32 $0xFFFFFF80, v0;
	v1 =	vshll.u32 v43, $0x7  }
0x1b3: {  	v0 =	vand.u32 $0x7F, v0;
	v1 =	vadd.s32 v44, v1  }
0x1b4: {  	v45 =	vld [tilespmem:$0x410];
	v0 =	vor.u32 v0, v1;
	_ =	sdelay $0x4  }
0x1b5: {  	[tilespmem:v0+s30+$0x0] =	vst.idx.add.f32.msk $0x1, v45  }
0x1b6: {  	[tilespmem:v0+s30+$0x0] =	vst.idx.add.f32.msk vm0, v45  }
0x1b7: {  	[tilespmem:v0+s30+$0x0] =	vst.idx.add.f32.msk vm1, v45  }
0x1b8: {  	[tilespmem:v0+s30+$0x0] =	vst.idx.add.f32.msk vm2, v45  }
0x1b9: {  	[tilespmem:v0+s30+$0x0] =	vst.idx.add.f32.msk vm3, v45  }
0x1ba: {  	[tilespmem:v0+s30+$0x0] =	vst.idx.add.f32.msk vm4, v45  }
0x1bb: {  	[tilespmem:v0+s30+$0x0] =	vst.idx.add.f32.msk vm5, v45  }
0x1bc: {  	[tilespmem:v0+s30+$0x0] =	vst.idx.add.f32.msk vm6, v45  }
0x1bd: {  	[tilespmem:v0+s30+$0x0] =	vst.idx.add.f32.msk vm7, v45  }
0x1be: {  	[tilespmem:v0+s30+$0x0] =	vst.idx.add.f32.msk vm8, v45  }
0x1bf: {  	[tilespmem:v0+s30+$0x0] =	vst.idx.add.f32.msk vm9, v45  }
0x1c0: {  	[tilespmem:v0+s30+$0x0] =	vst.idx.add.f32.msk vm10, v45  }
0x1c1: {  	[tilespmem:v0+s30+$0x0] =	vst.idx.add.f32.msk vm11, v45  }
0x1c2: {  	[tilespmem:v0+s30+$0x0] =	vst.idx.add.f32.msk vm12, v45  }
0x1c3: {  	[tilespmem:v0+s30+$0x0] =	vst.idx.add.f32.msk vm13, v45  }
0x1c4: {  	[tilespmem:v0+s30+$0x0] =	vst.idx.add.f32.msk vm14, v45  }
0x1c5: {  	v0 =	vld [tilespmem:$0x120]  }
0x1c6: {  	v46 =	vld [tilespmem:$0x2A0];
	_ =	sdelay $0x4  }
0x1c7: {  	v47 =	vand.u32 $0xFFFFFF80, v0;
	v1 =	vshll.u32 v46, $0x7  }
0x1c8: {  	v0 =	vand.u32 $0x7F, v0;
	v1 =	vadd.s32 v47, v1  }
0x1c9: {  	v48 =	vld [tilespmem:$0x420];
	v0 =	vor.u32 v0, v1;
	_ =	sdelay $0x4  }
0x1ca: {  	[tilespmem:v0+s30+$0x0] =	vst.idx.add.f32.msk $0x1, v48  }
0x1cb: {  	[tilespmem:v0+s30+$0x0] =	vst.idx.add.f32.msk vm0, v48  }
0x1cc: {  	[tilespmem:v0+s30+$0x0] =	vst.idx.add.f32.msk vm1, v48  }
0x1cd: {  	[tilespmem:v0+s30+$0x0] =	vst.idx.add.f32.msk vm2, v48  }
0x1ce: {  	[tilespmem:v0+s30+$0x0] =	vst.idx.add.f32.msk vm3, v48  }
0x1cf: {  	[tilespmem:v0+s30+$0x0] =	vst.idx.add.f32.msk vm4, v48  }
0x1d0: {  	[tilespmem:v0+s30+$0x0] =	vst.idx.add.f32.msk vm5, v48  }
0x1d1: {  	[tilespmem:v0+s30+$0x0] =	vst.idx.add.f32.msk vm6, v48  }
0x1d2: {  	[tilespmem:v0+s30+$0x0] =	vst.idx.add.f32.msk vm7, v48  }
0x1d3: {  	[tilespmem:v0+s30+$0x0] =	vst.idx.add.f32.msk vm8, v48  }
0x1d4: {  	[tilespmem:v0+s30+$0x0] =	vst.idx.add.f32.msk vm9, v48  }
0x1d5: {  	[tilespmem:v0+s30+$0x0] =	vst.idx.add.f32.msk vm10, v48  }
0x1d6: {  	[tilespmem:v0+s30+$0x0] =	vst.idx.add.f32.msk vm11, v48  }
0x1d7: {  	[tilespmem:v0+s30+$0x0] =	vst.idx.add.f32.msk vm12, v48  }
0x1d8: {  	[tilespmem:v0+s30+$0x0] =	vst.idx.add.f32.msk vm13, v48  }
0x1d9: {  	[tilespmem:v0+s30+$0x0] =	vst.idx.add.f32.msk vm14, v48  }
0x1da: {  	v0 =	vld [tilespmem:$0x130]  }
0x1db: {  	v49 =	vld [tilespmem:$0x2B0];
	_ =	sdelay $0x4  }
0x1dc: {  	v50 =	vand.u32 $0xFFFFFF80, v0;
	v1 =	vshll.u32 v49, $0x7  }
0x1dd: {  	v0 =	vand.u32 $0x7F, v0;
	v1 =	vadd.s32 v50, v1  }
0x1de: {  	v51 =	vld [tilespmem:$0x430];
	v0 =	vor.u32 v0, v1;
	_ =	sdelay $0x4  }
0x1df: {  	[tilespmem:v0+s30+$0x0] =	vst.idx.add.f32.msk $0x1, v51  }
0x1e0: {  	[tilespmem:v0+s30+$0x0] =	vst.idx.add.f32.msk vm0, v51  }
0x1e1: {  	[tilespmem:v0+s30+$0x0] =	vst.idx.add.f32.msk vm1, v51  }
0x1e2: {  	[tilespmem:v0+s30+$0x0] =	vst.idx.add.f32.msk vm2, v51  }
0x1e3: {  	[tilespmem:v0+s30+$0x0] =	vst.idx.add.f32.msk vm3, v51  }
0x1e4: {  	[tilespmem:v0+s30+$0x0] =	vst.idx.add.f32.msk vm4, v51  }
0x1e5: {  	[tilespmem:v0+s30+$0x0] =	vst.idx.add.f32.msk vm5, v51  }
0x1e6: {  	[tilespmem:v0+s30+$0x0] =	vst.idx.add.f32.msk vm6, v51  }
0x1e7: {  	[tilespmem:v0+s30+$0x0] =	vst.idx.add.f32.msk vm7, v51  }
0x1e8: {  	[tilespmem:v0+s30+$0x0] =	vst.idx.add.f32.msk vm8, v51  }
0x1e9: {  	[tilespmem:v0+s30+$0x0] =	vst.idx.add.f32.msk vm9, v51  }
0x1ea: {  	[tilespmem:v0+s30+$0x0] =	vst.idx.add.f32.msk vm10, v51  }
0x1eb: {  	[tilespmem:v0+s30+$0x0] =	vst.idx.add.f32.msk vm11, v51  }
0x1ec: {  	[tilespmem:v0+s30+$0x0] =	vst.idx.add.f32.msk vm12, v51  }
0x1ed: {  	[tilespmem:v0+s30+$0x0] =	vst.idx.add.f32.msk vm13, v51  }
0x1ee: {  	[tilespmem:v0+s30+$0x0] =	vst.idx.add.f32.msk vm14, v51  }
0x1ef: {  	v0 =	vld [tilespmem:$0x140]  }
0x1f0: {  	v52 =	vld [tilespmem:$0x2C0];
	_ =	sdelay $0x4  }
0x1f1: {  	v53 =	vand.u32 $0xFFFFFF80, v0;
	v1 =	vshll.u32 v52, $0x7  }
0x1f2: {  	v0 =	vand.u32 $0x7F, v0;
	v1 =	vadd.s32 v53, v1  }
0x1f3: {  	v54 =	vld [tilespmem:$0x440];
	v0 =	vor.u32 v0, v1;
	_ =	sdelay $0x4  }
0x1f4: {  	[tilespmem:v0+s30+$0x0] =	vst.idx.add.f32.msk $0x1, v54  }
0x1f5: {  	[tilespmem:v0+s30+$0x0] =	vst.idx.add.f32.msk vm0, v54  }
0x1f6: {  	[tilespmem:v0+s30+$0x0] =	vst.idx.add.f32.msk vm1, v54  }
0x1f7: {  	[tilespmem:v0+s30+$0x0] =	vst.idx.add.f32.msk vm2, v54  }
0x1f8: {  	[tilespmem:v0+s30+$0x0] =	vst.idx.add.f32.msk vm3, v54  }
0x1f9: {  	[tilespmem:v0+s30+$0x0] =	vst.idx.add.f32.msk vm4, v54  }
0x1fa: {  	[tilespmem:v0+s30+$0x0] =	vst.idx.add.f32.msk vm5, v54  }
0x1fb: {  	[tilespmem:v0+s30+$0x0] =	vst.idx.add.f32.msk vm6, v54  }
0x1fc: {  	[tilespmem:v0+s30+$0x0] =	vst.idx.add.f32.msk vm7, v54  }
0x1fd: {  	[tilespmem:v0+s30+$0x0] =	vst.idx.add.f32.msk vm8, v54  }
0x1fe: {  	[tilespmem:v0+s30+$0x0] =	vst.idx.add.f32.msk vm9, v54  }
0x1ff: {  	[tilespmem:v0+s30+$0x0] =	vst.idx.add.f32.msk vm10, v54  }
0x200: {  	[tilespmem:v0+s30+$0x0] =	vst.idx.add.f32.msk vm11, v54  }
0x201: {  	[tilespmem:v0+s30+$0x0] =	vst.idx.add.f32.msk vm12, v54  }
0x202: {  	[tilespmem:v0+s30+$0x0] =	vst.idx.add.f32.msk vm13, v54  }
0x203: {  	[tilespmem:v0+s30+$0x0] =	vst.idx.add.f32.msk vm14, v54  }
0x204: {  	v0 =	vld [tilespmem:$0x150]  }
0x205: {  	v55 =	vld [tilespmem:$0x2D0];
	_ =	sdelay $0x4  }
0x206: {  	v56 =	vand.u32 $0xFFFFFF80, v0;
	v1 =	vshll.u32 v55, $0x7  }
0x207: {  	v0 =	vand.u32 $0x7F, v0;
	v1 =	vadd.s32 v56, v1  }
0x208: {  	v57 =	vld [tilespmem:$0x450];
	v0 =	vor.u32 v0, v1;
	_ =	sdelay $0x4  }
0x209: {  	[tilespmem:v0+s30+$0x0] =	vst.idx.add.f32.msk $0x1, v57  }
0x20a: {  	[tilespmem:v0+s30+$0x0] =	vst.idx.add.f32.msk vm0, v57  }
0x20b: {  	[tilespmem:v0+s30+$0x0] =	vst.idx.add.f32.msk vm1, v57  }
0x20c: {  	[tilespmem:v0+s30+$0x0] =	vst.idx.add.f32.msk vm2, v57  }
0x20d: {  	[tilespmem:v0+s30+$0x0] =	vst.idx.add.f32.msk vm3, v57  }
0x20e: {  	[tilespmem:v0+s30+$0x0] =	vst.idx.add.f32.msk vm4, v57  }
0x20f: {  	[tilespmem:v0+s30+$0x0] =	vst.idx.add.f32.msk vm5, v57  }
0x210: {  	[tilespmem:v0+s30+$0x0] =	vst.idx.add.f32.msk vm6, v57  }
0x211: {  	[tilespmem:v0+s30+$0x0] =	vst.idx.add.f32.msk vm7, v57  }
0x212: {  	[tilespmem:v0+s30+$0x0] =	vst.idx.add.f32.msk vm8, v57  }
0x213: {  	[tilespmem:v0+s30+$0x0] =	vst.idx.add.f32.msk vm9, v57  }
0x214: {  	[tilespmem:v0+s30+$0x0] =	vst.idx.add.f32.msk vm10, v57  }
0x215: {  	[tilespmem:v0+s30+$0x0] =	vst.idx.add.f32.msk vm11, v57  }
0x216: {  	[tilespmem:v0+s30+$0x0] =	vst.idx.add.f32.msk vm12, v57  }
0x217: {  	[tilespmem:v0+s30+$0x0] =	vst.idx.add.f32.msk vm13, v57  }
0x218: {  	[tilespmem:v0+s30+$0x0] =	vst.idx.add.f32.msk vm14, v57  }
0x219: {  	v0 =	vld [tilespmem:$0x160]  }
0x21a: {  	v58 =	vld [tilespmem:$0x2E0];
	_ =	sdelay $0x4  }
0x21b: {  	v59 =	vand.u32 $0xFFFFFF80, v0;
	v1 =	vshll.u32 v58, $0x7  }
0x21c: {  	v0 =	vand.u32 $0x7F, v0;
	v1 =	vadd.s32 v59, v1  }
0x21d: {  	v60 =	vld [tilespmem:$0x460];
	v0 =	vor.u32 v0, v1;
	_ =	sdelay $0x4  }
0x21e: {  	[tilespmem:v0+s30+$0x0] =	vst.idx.add.f32.msk $0x1, v60  }
0x21f: {  	[tilespmem:v0+s30+$0x0] =	vst.idx.add.f32.msk vm0, v60  }
0x220: {  	[tilespmem:v0+s30+$0x0] =	vst.idx.add.f32.msk vm1, v60  }
0x221: {  	[tilespmem:v0+s30+$0x0] =	vst.idx.add.f32.msk vm2, v60  }
0x222: {  	[tilespmem:v0+s30+$0x0] =	vst.idx.add.f32.msk vm3, v60  }
0x223: {  	[tilespmem:v0+s30+$0x0] =	vst.idx.add.f32.msk vm4, v60  }
0x224: {  	[tilespmem:v0+s30+$0x0] =	vst.idx.add.f32.msk vm5, v60  }
0x225: {  	[tilespmem:v0+s30+$0x0] =	vst.idx.add.f32.msk vm6, v60  }
0x226: {  	[tilespmem:v0+s30+$0x0] =	vst.idx.add.f32.msk vm7, v60  }
0x227: {  	[tilespmem:v0+s30+$0x0] =	vst.idx.add.f32.msk vm8, v60  }
0x228: {  	[tilespmem:v0+s30+$0x0] =	vst.idx.add.f32.msk vm9, v60  }
0x229: {  	[tilespmem:v0+s30+$0x0] =	vst.idx.add.f32.msk vm10, v60  }
0x22a: {  	[tilespmem:v0+s30+$0x0] =	vst.idx.add.f32.msk vm11, v60  }
0x22b: {  	[tilespmem:v0+s30+$0x0] =	vst.idx.add.f32.msk vm12, v60  }
0x22c: {  	[tilespmem:v0+s30+$0x0] =	vst.idx.add.f32.msk vm13, v60  }
0x22d: {  	[tilespmem:v0+s30+$0x0] =	vst.idx.add.f32.msk vm14, v60  }
0x22e: {  	v0 =	vld [tilespmem:$0x170]  }
0x22f: {  	v61 =	vld [tilespmem:$0x2F0];
	_ =	sdelay $0x4  }
0x230: {  	v62 =	vand.u32 $0xFFFFFF80, v0;
	v1 =	vshll.u32 v61, $0x7  }
0x231: {  	v0 =	vand.u32 $0x7F, v0;
	v1 =	vadd.s32 v62, v1  }
0x232: {  	v63 =	vld [tilespmem:$0x470];
	v0 =	vor.u32 v0, v1;
	_ =	sdelay $0x4  }
0x233: {  	[tilespmem:v0+s30+$0x0] =	vst.idx.add.f32.msk $0x1, v63  }
0x234: {  	[tilespmem:v0+s30+$0x0] =	vst.idx.add.f32.msk vm0, v63  }
0x235: {  	[tilespmem:v0+s30+$0x0] =	vst.idx.add.f32.msk vm1, v63  }
0x236: {  	[tilespmem:v0+s30+$0x0] =	vst.idx.add.f32.msk vm2, v63  }
0x237: {  	[tilespmem:v0+s30+$0x0] =	vst.idx.add.f32.msk vm3, v63  }
0x238: {  	[tilespmem:v0+s30+$0x0] =	vst.idx.add.f32.msk vm4, v63  }
0x239: {  	[tilespmem:v0+s30+$0x0] =	vst.idx.add.f32.msk vm5, v63  }
0x23a: {  	[tilespmem:v0+s30+$0x0] =	vst.idx.add.f32.msk vm6, v63  }
0x23b: {  	[tilespmem:v0+s30+$0x0] =	vst.idx.add.f32.msk vm7, v63  }
0x23c: {  	[tilespmem:v0+s30+$0x0] =	vst.idx.add.f32.msk vm8, v63  }
0x23d: {  	[tilespmem:v0+s30+$0x0] =	vst.idx.add.f32.msk vm9, v63  }
0x23e: {  	[tilespmem:v0+s30+$0x0] =	vst.idx.add.f32.msk vm10, v63  }
0x23f: {  	[tilespmem:v0+s30+$0x0] =	vst.idx.add.f32.msk vm11, v63  }
0x240: {  	[tilespmem:v0+s30+$0x0] =	vst.idx.add.f32.msk vm12, v63  }
0x241: {  	[tilespmem:v0+s30+$0x0] =	vst.idx.add.f32.msk vm13, v63  }
0x242: {  	s31 =	simm.s32 $0x4;
	[tilespmem:v0+s30+$0x0] =	vst.idx.add.f32.msk vm14, v63  }
0x243: {  	[hbm4b:s1+s2] =	stream.linear.scatter [tilespmem:s30], [sflag:$0x4], $0xC00, $0x38;
	[tilespmem:$0x1080] =	vst v63  }
0x244: {  	_ =	swait.ge [sflag:s31], $0xC00  }
0x245: {  	[sflag:s31] =	ssyncset.done $0x0  }
0x246: {  	[sflag:s31] =	ssyncadd.s32 $0xFFFFF400  }
.LBB2_2:
0x247: {  	_ =	sfence.sel $0x180000  }
0x248: {  	[bflag:$0x0] =	sbarrier.arrive $0xFFFF  }
0x249: {  	_ =	strace $0x90000047  }
0x24a: {  	s0 =	sadd.s32 @!p0 $0x100000, s0;
	[bflag:$0x2] =	sbarrier.arrive $0xFFFF  }
0x24b: {  	[sflag:s0] =	ssyncadd.tile.s32 @!p0 $0x1;
	_ =	shalt  }
.Lfunc_end2:
_tile_overlayer_lowered:
.L_overlay_start_2:
0x24c: {  	(tag) =	ssettag $0x2  }
0x24d: {  	s0 =	rddreg [dreg:$0x0];
	s2 =	stileid.u32  }
0x24e: {  	s1 =	rddreg [dreg:$0x1];
	p0 =	sne.s32 s2, $0x0  }
0x24f: {  	s3 =	rddreg [dreg:$0x2];
	[bflag:$0x3] =	sbarrier.arrive $0xFFFF;
	s2 =	simm.s32 @!p0 $0x1C04  }
0x250: {  	[timem:s3], [sflag:s2] =	dma.local @!p0 [hbm:s0], s1  }
0x251: {  	s0 =	simm.s32 @!p0 $0x4  }
0x252: {  	_ =	swait.ge @!p0 [sflag:s0], s1  }
0x253: {  	s1 =	ssub.s32 @!p0 $0x0, s1;
	[sflag:s0] =	ssyncset.done @!p0 $0x0  }
0x254: {  	[sflag:s0] =	ssyncadd.s32 @!p0 s1  }
0x255: {  	[bflag:$0x3] =	sbarrier.arrive $0xFFFF  }
0x256: {  	_ =	shalt  }

</sc_bundles>
